<compile_context>
chip_gen: v7x
topology: tpu7x:2x2x1
jax: 0.10.2.dev20260603
libtpu: 0.0.44.dev20260713+nightly
codegen_flags: <defaults>
</compile_context>

<pallas_src>
import functools

import jax
import jax.numpy as jnp
from jax import lax
from jax.experimental import pallas as pl
from jax.experimental.pallas import tpu as pltpu
from jax.experimental.pallas import tpu_sc as plsc

N_NODES = 10000
N_EDGES = 160000
D = 256
H = 128
NE = 4
N_STEPS = 6

BN = 1000
NB = N_NODES // BN

N_SUBCORES = 16
CH = 128
NCH = -(-(N_EDGES // N_SUBCORES) // CH)
E_PAD = N_SUBCORES * NCH * CH
ZR = -(-(N_NODES + 1) // N_SUBCORES) // 8 * 8 + 8
N_ACC = N_SUBCORES * ZR



def _sc_body(key_hbm, dst_hbm, t0_hbm, t1_hbm, z_hbm, a_hbm,
             kbuf, dbuf, mbuf, acc, sem):
    c = lax.axis_index("c")
    s = lax.axis_index("s")
    pltpu.sync_copy(key_hbm.at[s], kbuf)
    pltpu.sync_copy(dst_hbm.at[s], dbuf)
    pltpu.sync_copy(z_hbm.at[pl.ds(s * ZR, ZR)], acc.at[pl.ds(s * ZR, ZR)])
    plsc.subcore_barrier()

    def run(t_hbm):
        def chunk(j, carry):
            pltpu.async_copy(t_hbm.at[kbuf.at[j]], mbuf, sem).wait()
            pltpu.sync_copy(mbuf, acc.at[dbuf.at[j]], add=True)
            return carry

        lax.fori_loop(0, NCH, chunk, 0)

    @pl.when(c == 0)
    def _():
        run(t0_hbm)

    @pl.when(c == 1)
    def _():
        run(t1_hbm)

    plsc.subcore_barrier()

    @pl.when(c == 0)
    def _():
        pltpu.sync_copy(acc.at[pl.ds(s * ZR, ZR)],
                        a_hbm.at[0].at[pl.ds(s * ZR, ZR)])

    @pl.when(c == 1)
    def _():
        pltpu.sync_copy(acc.at[pl.ds(s * ZR, ZR)],
                        a_hbm.at[1].at[pl.ds(s * ZR, ZR)])


@functools.lru_cache(maxsize=1)
def _sc_scatter_call():
    mesh = plsc.VectorSubcoreMesh(core_axis_name="c", subcore_axis_name="s")
    return pl.kernel(
        _sc_body,
        out_type=jax.ShapeDtypeStruct((2, N_ACC, H), jnp.float32),
        mesh=mesh,
        scratch_types=[
            pltpu.VMEM((NCH, CH), jnp.int32),
            pltpu.VMEM((NCH, CH), jnp.int32),
            pltpu.VMEM((CH, H), jnp.float32),
            pltpu.VMEM_SHARED((N_ACC, H), jnp.float32),
            pltpu.SemaphoreType.DMA,
        ],
    )



def _transform_write(hn, wt_ref, bt_ref, t0_ref, t1_ref):
    for k in range(NE):
        v = jnp.dot(hn, wt_ref[k], preferred_element_type=jnp.float32)
        v = v + bt_ref[k]
        t0_ref[k] = v[:, :H]
        t1_ref[k] = v[:, H:]


def _gru_compute(h, a0, a1, wih_ref, whh_ref, bih_ref, bhh_ref):
    a = jnp.concatenate([a0, a1], axis=1)
    gi = jnp.dot(a, wih_ref[...], preferred_element_type=jnp.float32) + bih_ref[...]
    gh = jnp.dot(h, whh_ref[...], preferred_element_type=jnp.float32) + bhh_ref[...]
    r = jax.nn.sigmoid(gi[:, :D] + gh[:, :D])
    z = jax.nn.sigmoid(gi[:, D:2 * D] + gh[:, D:2 * D])
    n = jnp.tanh(gi[:, 2 * D:] + r * gh[:, 2 * D:])
    return (1.0 - z) * n + z * h


def _t_body(x_ref, wt_ref, bt_ref, t0_ref, t1_ref):
    _transform_write(x_ref[...], wt_ref, bt_ref, t0_ref, t1_ref)


def _a_body(h_ref, a_ref, wih_ref, whh_ref, bih_ref, bhh_ref, wt_ref, bt_ref,
            h_out, t0_ref, t1_ref):
    hn = _gru_compute(h_ref[...], a_ref[0], a_ref[1],
                      wih_ref, whh_ref, bih_ref, bhh_ref)
    h_out[...] = hn
    _transform_write(hn, wt_ref, bt_ref, t0_ref, t1_ref)


def _g_body(h_ref, a_ref, wih_ref, whh_ref, bih_ref, bhh_ref, h_out):
    h_out[...] = _gru_compute(h_ref[...], a_ref[0], a_ref[1],
                              wih_ref, whh_ref, bih_ref, bhh_ref)


def _p_body(h_ref, gw_ref, gb_ref, fwt_ref, fb_ref, cw_ref, cb_ref, out_ref):
    h = h_ref[...]
    gate = jnp.dot(h, gw_ref[...], preferred_element_type=jnp.float32) + gb_ref[...]
    m = jnp.max(gate)
    e = jnp.exp(gate - m)
    alpha = e / jnp.sum(e)
    feat = jnp.dot(h, fwt_ref[...],
                   preferred_element_type=jnp.float32) + fb_ref[...]
    hg = jnp.sum(alpha * feat, axis=0, keepdims=True)
    out_ref[...] = jnp.dot(hg, cw_ref[...],
                           preferred_element_type=jnp.float32) + cb_ref[...]


_full3 = pl.BlockSpec((NE, D, D), lambda i: (0, 0, 0))
_fullb = pl.BlockSpec((NE, 1, D), lambda i: (0, 0, 0))
_tout = pl.BlockSpec((NE, BN, H), lambda i: (0, i, 0))
_tshape = jax.ShapeDtypeStruct((NE, N_NODES, H), jnp.float32)

_t_call = pl.pallas_call(
    _t_body,
    grid=(NB,),
    in_specs=[pl.BlockSpec((BN, D), lambda i: (i, 0)), _full3, _fullb],
    out_specs=[_tout, _tout],
    out_shape=[_tshape, _tshape],
)

_gru_in_specs = [
    pl.BlockSpec((BN, D), lambda i: (i, 0)),
    pl.BlockSpec((2, BN, H), lambda i: (0, i, 0)),
    pl.BlockSpec((D, 3 * D), lambda i: (0, 0)),
    pl.BlockSpec((D, 3 * D), lambda i: (0, 0)),
    pl.BlockSpec((1, 3 * D), lambda i: (0, 0)),
    pl.BlockSpec((1, 3 * D), lambda i: (0, 0)),
]

_a_call = pl.pallas_call(
    _a_body,
    grid=(NB,),
    in_specs=_gru_in_specs + [_full3, _fullb],
    out_specs=[pl.BlockSpec((BN, D), lambda i: (i, 0)), _tout, _tout],
    out_shape=[jax.ShapeDtypeStruct((N_NODES, D), jnp.float32),
               _tshape, _tshape],
)

_g_call = pl.pallas_call(
    _g_body,
    grid=(NB,),
    in_specs=_gru_in_specs,
    out_specs=pl.BlockSpec((BN, D), lambda i: (i, 0)),
    out_shape=jax.ShapeDtypeStruct((N_NODES, D), jnp.float32),
)

_p_call = pl.pallas_call(
    _p_body,
    out_shape=jax.ShapeDtypeStruct((1, 1), jnp.float32),
)


def kernel(x, edge_index, etype, W, b, w_ih, w_hh, b_ih, b_hh,
           gate_w, gate_b, feat_w, feat_b, cls_w, cls_b):
    src = edge_index[0]
    dst = edge_index[1]
    key = etype * N_NODES + src
    pad = E_PAD - N_EDGES
    key_p = jnp.concatenate(
        [key, jnp.zeros((pad,), jnp.int32)]).reshape(N_SUBCORES, NCH, CH)
    dst_p = jnp.concatenate(
        [dst, jnp.full((pad,), N_NODES, jnp.int32)]).reshape(N_SUBCORES, NCH, CH)
    zeros_acc = jnp.zeros((N_ACC, H), jnp.float32)

    wt = jnp.transpose(W, (0, 2, 1))
    bt = b[:, None, :]
    wih_t = w_ih.T
    whh_t = w_hh.T
    bih2 = b_ih[None, :]
    bhh2 = b_hh[None, :]

    sc_scatter = _sc_scatter_call()
    t0, t1 = _t_call(x, wt, bt)
    h = x
    for step in range(N_STEPS):
        a = sc_scatter(key_p, dst_p,
                        t0.reshape(NE * N_NODES, H),
                        t1.reshape(NE * N_NODES, H),
                        zeros_acc)
        if step < N_STEPS - 1:
            h, t0, t1 = _a_call(h, a, wih_t, whh_t, bih2, bhh2, wt, bt)
        else:
            h = _g_call(h, a, wih_t, whh_t, bih2, bhh2)
    return _p_call(h, gate_w.T, gate_b[None, :], feat_w.T, feat_b[None, :],
                   cls_w.T, cls_b[None, :])

# --- scband reference (transcript-rebuilt; emitter-appended) ---
"""Pipeline reference for scband-net-71914932404276 (READ-ONLY COPY).

The authoritative reference and input builder live on the scoring server;
editing this copy changes nothing except your own understanding.
"""

import jax, jax.numpy as jnp
import numpy as np

N = 10000
E = 160000
D = 256
NE = 4
STEPS = 6


def setup_inputs(seed: int = 0) -> dict:
    key = jax.random.key(seed)
    ks = jax.random.split(key, 16)
    s = 1.0 / np.sqrt(D)
    x = jax.random.normal(ks[0], (N, D), dtype=jnp.float32)
    edge_index = jax.random.randint(ks[1], (2, E), 0, N, dtype=jnp.int32)
    etype = jax.random.randint(ks[2], (E,), 0, NE, dtype=jnp.int32)
    W = jax.random.uniform(ks[3], (NE, D, D), jnp.float32, -s, s)
    b = jax.random.uniform(ks[4], (NE, D), jnp.float32, -s, s)
    w_ih = jax.random.uniform(ks[5], (3 * D, D), jnp.float32, -s, s)
    w_hh = jax.random.uniform(ks[6], (3 * D, D), jnp.float32, -s, s)
    b_ih = jax.random.uniform(ks[7], (3 * D,), jnp.float32, -s, s)
    b_hh = jax.random.uniform(ks[8], (3 * D,), jnp.float32, -s, s)
    gate_w = jax.random.uniform(ks[9], (1, D), jnp.float32, -s, s)
    gate_b = jax.random.uniform(ks[10], (1,), jnp.float32, -s, s)
    feat_w = jax.random.uniform(ks[11], (D, D), jnp.float32, -s, s)
    feat_b = jax.random.uniform(ks[12], (D,), jnp.float32, -s, s)
    cls_w = jax.random.uniform(ks[13], (1, D), jnp.float32, -s, s)
    cls_b = jax.random.uniform(ks[14], (1,), jnp.float32, -s, s)
    return {"x": x, "edge_index": edge_index, "etype": etype, "W": W, "b": b,
            "w_ih": w_ih, "w_hh": w_hh, "b_ih": b_ih, "b_hh": b_hh,
            "gate_w": gate_w, "gate_b": gate_b, "feat_w": feat_w, "feat_b": feat_b,
            "cls_w": cls_w, "cls_b": cls_b}


def _gru_cell(a, h, w_ih, w_hh, b_ih, b_hh):
    gi = a @ w_ih.T + b_ih
    gh = h @ w_hh.T + b_hh
    i_r, i_z, i_n = jnp.split(gi, 3, axis=1)
    h_r, h_z, h_n = jnp.split(gh, 3, axis=1)
    r = jax.nn.sigmoid(i_r + h_r)
    z = jax.nn.sigmoid(i_z + h_z)
    n = jnp.tanh(i_n + r * h_n)
    return (1.0 - z) * n + z * h


def reference(x, edge_index, etype, W, b, w_ih, w_hh, b_ih, b_hh,
              gate_w, gate_b, feat_w, feat_b, cls_w, cls_b):
    # GatedGraphConv (in_feats == out_feats so zero-pad is empty)
    src = edge_index[0]
    dst = edge_index[1]
    h = x
    n_nodes = x.shape[0]
    for _ in range(STEPS):
        # W_e * h_src for every edge type, computed at node granularity: [N, NE, D]
        Wh = jnp.einsum('kij,nj->nki', W, h)
        # per-edge message: gather the src node's transform for its own etype
        m = Wh[src, etype] + b[etype]          # [E, D]
        a = jnp.zeros((n_nodes, h.shape[1]), h.dtype).at[dst].add(m)
        h = _gru_cell(a, h, w_ih, w_hh, b_ih, b_hh)
    # GlobalAttentionPooling over a single graph
    gate = h @ gate_w.T + gate_b               # [N, 1]
    feat = h @ feat_w.T + feat_b               # [N, D]
    alpha = jax.nn.softmax(gate, axis=0)
    hg = jnp.sum(alpha * feat, axis=0, keepdims=True)  # [1, D]
    logits = hg @ cls_w.T + cls_b              # [1, 1]
    return logits

if __name__ == "__main__":
    import jax
    _d = setup_inputs()
    print(jax.jit(kernel)(*tuple(_d.values())))

</pallas_src>

<mosaic_0001>
#map = affine_map<(d0, d1) -> (0, 0, 0)>
#map1 = affine_map<(d0, d1) -> (0, 0)>
module attributes {stable_mosaic.version = 14 : i64} {
  func.func @_sc_body(%arg0: i32, %arg1: i32, %arg2: memref<16x79x128xi32, #tpu.memory_space<hbm>>, %arg3: memref<16x79x128xi32, #tpu.memory_space<hbm>>, %arg4: memref<40000x128xf32, #tpu.memory_space<hbm>>, %arg5: memref<40000x128xf32, #tpu.memory_space<hbm>>, %arg6: memref<10112x128xf32, #tpu.memory_space<hbm>>, %arg7: memref<2x10112x128xf32, #tpu.memory_space<hbm>>, %arg8: memref<79x128xi32, #tpu.memory_space<vmem>>, %arg9: memref<79x128xi32, #tpu.memory_space<vmem>>, %arg10: memref<128x128xf32, #tpu.memory_space<vmem>>, %arg11: memref<10112x128xf32, #tpu.memory_space<vmem_shared>>, %arg12: memref<!tpu.dma_semaphore, #tpu.memory_space<semaphore_mem>>) attributes {dimension_semantics = [#tpu.dimension_semantics<core_parallel>, #tpu.dimension_semantics<subcore_parallel>], iteration_bounds = array<i64: 2, 16>, scalar_prefetch = 0 : i64, scratch_operands = 5 : i64, tpu.core_type = #tpu.core_type<sc_vector_subcore>, window_params = [{transform_indices = #map}, {transform_indices = #map}, {transform_indices = #map1}, {transform_indices = #map1}, {transform_indices = #map1}, {transform_indices = #map}]} {
    "tpu.region"() ({
      %run_scoped3A = tpu.sem_alloc : memref<!tpu.dma_semaphore, #tpu.memory_space<semaphore_mem>>
      %dma_start3A = arith.constant 0 : i32
      %dma_start3A_21 = arith.constant 0 : i32
      %dma_start3A_22 = tpu.memref_slice %arg2[%arg1, %dma_start3A, %dma_start3A_21] : memref<16x79x128xi32, #tpu.memory_space<hbm>> -> memref<1x79x128xi32, #tpu.memory_space<hbm>>
      %dma_start3A_23 = tpu.memref_squeeze %dma_start3A_22 : memref<1x79x128xi32, #tpu.memory_space<hbm>> -> memref<79x128xi32, #tpu.memory_space<hbm>>
      %dma_start3A_24 = arith.constant 0 : i32
      %dma_start3A_25 = arith.constant 0 : i32
      %dma_start3A_26 = tpu.memref_slice %arg2[%arg1, %dma_start3A_24, %dma_start3A_25] : memref<16x79x128xi32, #tpu.memory_space<hbm>> -> memref<1x79x128xi32, #tpu.memory_space<hbm>>
      %dma_start3A_27 = tpu.memref_squeeze %dma_start3A_26 : memref<1x79x128xi32, #tpu.memory_space<hbm>> -> memref<79x128xi32, #tpu.memory_space<hbm>>
      tpu.enqueue_dma source(%dma_start3A_27 : memref<79x128xi32, #tpu.memory_space<hbm>>) target(%arg8 : memref<79x128xi32, #tpu.memory_space<vmem>>) target_semaphore(%run_scoped3A : memref<!tpu.dma_semaphore, #tpu.memory_space<semaphore_mem>>)
      %dma_wait3A = arith.constant 0 : i32
      %dma_wait3A_28 = arith.constant 0 : i32
      %dma_wait3A_29 = tpu.memref_slice %arg2[%arg1, %dma_wait3A, %dma_wait3A_28] : memref<16x79x128xi32, #tpu.memory_space<hbm>> -> memref<1x79x128xi32, #tpu.memory_space<hbm>>
      %dma_wait3A_30 = tpu.memref_squeeze %dma_wait3A_29 : memref<1x79x128xi32, #tpu.memory_space<hbm>> -> memref<79x128xi32, #tpu.memory_space<hbm>>
      %dma_wait3A_31 = arith.constant 0 : i32
      %dma_wait3A_32 = arith.constant 0 : i32
      %dma_wait3A_33 = tpu.memref_slice %arg2[%arg1, %dma_wait3A_31, %dma_wait3A_32] : memref<16x79x128xi32, #tpu.memory_space<hbm>> -> memref<1x79x128xi32, #tpu.memory_space<hbm>>
      %dma_wait3A_34 = tpu.memref_squeeze %dma_wait3A_33 : memref<1x79x128xi32, #tpu.memory_space<hbm>> -> memref<79x128xi32, #tpu.memory_space<hbm>>
      tpu.wait_dma2 semaphore(%run_scoped3A : memref<!tpu.dma_semaphore, #tpu.memory_space<semaphore_mem>>) src(%dma_wait3A_34 : memref<79x128xi32, #tpu.memory_space<hbm>>) dst(%arg8 : memref<79x128xi32, #tpu.memory_space<vmem>>)
      tpu.yield
    }) : () -> ()
    "tpu.region"() ({
      %run_scoped3A = tpu.sem_alloc : memref<!tpu.dma_semaphore, #tpu.memory_space<semaphore_mem>>
      %dma_start3A = arith.constant 0 : i32
      %dma_start3A_21 = arith.constant 0 : i32
      %dma_start3A_22 = tpu.memref_slice %arg3[%arg1, %dma_start3A, %dma_start3A_21] : memref<16x79x128xi32, #tpu.memory_space<hbm>> -> memref<1x79x128xi32, #tpu.memory_space<hbm>>
      %dma_start3A_23 = tpu.memref_squeeze %dma_start3A_22 : memref<1x79x128xi32, #tpu.memory_space<hbm>> -> memref<79x128xi32, #tpu.memory_space<hbm>>
      %dma_start3A_24 = arith.constant 0 : i32
      %dma_start3A_25 = arith.constant 0 : i32
      %dma_start3A_26 = tpu.memref_slice %arg3[%arg1, %dma_start3A_24, %dma_start3A_25] : memref<16x79x128xi32, #tpu.memory_space<hbm>> -> memref<1x79x128xi32, #tpu.memory_space<hbm>>
      %dma_start3A_27 = tpu.memref_squeeze %dma_start3A_26 : memref<1x79x128xi32, #tpu.memory_space<hbm>> -> memref<79x128xi32, #tpu.memory_space<hbm>>
      tpu.enqueue_dma source(%dma_start3A_27 : memref<79x128xi32, #tpu.memory_space<hbm>>) target(%arg9 : memref<79x128xi32, #tpu.memory_space<vmem>>) target_semaphore(%run_scoped3A : memref<!tpu.dma_semaphore, #tpu.memory_space<semaphore_mem>>)
      %dma_wait3A = arith.constant 0 : i32
      %dma_wait3A_28 = arith.constant 0 : i32
      %dma_wait3A_29 = tpu.memref_slice %arg3[%arg1, %dma_wait3A, %dma_wait3A_28] : memref<16x79x128xi32, #tpu.memory_space<hbm>> -> memref<1x79x128xi32, #tpu.memory_space<hbm>>
      %dma_wait3A_30 = tpu.memref_squeeze %dma_wait3A_29 : memref<1x79x128xi32, #tpu.memory_space<hbm>> -> memref<79x128xi32, #tpu.memory_space<hbm>>
      %dma_wait3A_31 = arith.constant 0 : i32
      %dma_wait3A_32 = arith.constant 0 : i32
      %dma_wait3A_33 = tpu.memref_slice %arg3[%arg1, %dma_wait3A_31, %dma_wait3A_32] : memref<16x79x128xi32, #tpu.memory_space<hbm>> -> memref<1x79x128xi32, #tpu.memory_space<hbm>>
      %dma_wait3A_34 = tpu.memref_squeeze %dma_wait3A_33 : memref<1x79x128xi32, #tpu.memory_space<hbm>> -> memref<79x128xi32, #tpu.memory_space<hbm>>
      tpu.wait_dma2 semaphore(%run_scoped3A : memref<!tpu.dma_semaphore, #tpu.memory_space<semaphore_mem>>) src(%dma_wait3A_34 : memref<79x128xi32, #tpu.memory_space<hbm>>) dst(%arg9 : memref<79x128xi32, #tpu.memory_space<vmem>>)
      tpu.yield
    }) : () -> ()
    %mul3A = arith.constant 632 : i32
    %mul3A_0 = arith.muli %arg1, %mul3A : i32
    %mul3A_1 = arith.constant 632 : i32
    %mul3A_2 = arith.muli %arg1, %mul3A_1 : i32
    "tpu.region"() ({
      %run_scoped3A = tpu.sem_alloc : memref<!tpu.dma_semaphore, #tpu.memory_space<semaphore_mem>>
      %dma_start3A = arith.constant 0 : i32
      %dma_start3A_21 = tpu.memref_slice %arg11[%mul3A_2, %dma_start3A] : memref<10112x128xf32, #tpu.memory_space<vmem_shared>> -> memref<632x128xf32, #tpu.memory_space<vmem_shared>>
      %dma_start3A_22 = arith.constant 0 : i32
      %dma_start3A_23 = tpu.memref_slice %arg6[%mul3A_0, %dma_start3A_22] : memref<10112x128xf32, #tpu.memory_space<hbm>> -> memref<632x128xf32, #tpu.memory_space<hbm>>
      tpu.enqueue_dma source(%dma_start3A_23 : memref<632x128xf32, #tpu.memory_space<hbm>>) target(%dma_start3A_21 : memref<632x128xf32, #tpu.memory_space<vmem_shared>>) target_semaphore(%run_scoped3A : memref<!tpu.dma_semaphore, #tpu.memory_space<semaphore_mem>>)
      %dma_wait3A = arith.constant 0 : i32
      %dma_wait3A_24 = tpu.memref_slice %arg11[%mul3A_2, %dma_wait3A] : memref<10112x128xf32, #tpu.memory_space<vmem_shared>> -> memref<632x128xf32, #tpu.memory_space<vmem_shared>>
      %dma_wait3A_25 = arith.constant 0 : i32
      %dma_wait3A_26 = tpu.memref_slice %arg6[%mul3A_0, %dma_wait3A_25] : memref<10112x128xf32, #tpu.memory_space<hbm>> -> memref<632x128xf32, #tpu.memory_space<hbm>>
      tpu.wait_dma2 semaphore(%run_scoped3A : memref<!tpu.dma_semaphore, #tpu.memory_space<semaphore_mem>>) src(%dma_wait3A_26 : memref<632x128xf32, #tpu.memory_space<hbm>>) dst(%dma_wait3A_24 : memref<632x128xf32, #tpu.memory_space<vmem_shared>>)
      tpu.yield
    }) : () -> ()
    %barrier3A = arith.constant 0 : index
    tpu.barrier barrier_id(%barrier3A)
    %eq3A = arith.constant 0 : i32
    %eq3A_3 = arith.cmpi eq, %arg0, %eq3A : i32
    %convert_element_type3A = arith.extui %eq3A_3 : i1 to i32
    %cond3A = arith.constant 0 : i32
    %cond3A_4 = arith.cmpi ne, %convert_element_type3A, %cond3A : i32
    scf.if %cond3A_4 {
      %scan3A = arith.constant 0 : i32
      %scan3A_21 = arith.constant 0 : i32
      %scan3A_22 = arith.constant 79 : i32
      %scan3A_23 = arith.addi %scan3A_21, %scan3A_22 : i32
      %scan3A_24 = arith.constant 1 : i32
      scf.for %scan3A_26 = %scan3A_21 to %scan3A_23 step %scan3A_24  : i32 {
        %dma_start3A = arith.constant 0 : i32
        %dma_start3A_27 = tpu.memref_slice %arg8[%scan3A_26, %dma_start3A] : memref<79x128xi32, #tpu.memory_space<vmem>> -> memref<1x128xi32, #tpu.memory_space<vmem>>
        %dma_start3A_28 = tpu.memref_squeeze %dma_start3A_27 : memref<1x128xi32, #tpu.memory_space<vmem>> -> memref<128xi32, #tpu.memory_space<vmem>>
        %dma_start3A_29 = arith.constant 0 : i32
        %dma_start3A_30 = arith.constant 0 : i32
        %dma_start3A_31 = tpu.memref_slice %arg4[%dma_start3A_29, %dma_start3A_30] : memref<40000x128xf32, #tpu.memory_space<hbm>> -> memref<40000x128xf32, #tpu.memory_space<hbm>>
        tpu.enqueue_indirect_dma source(%dma_start3A_31 : memref<40000x128xf32, #tpu.memory_space<hbm>>) target(%arg10 : memref<128x128xf32, #tpu.memory_space<vmem>>) offsets(%dma_start3A_28 : memref<128xi32, #tpu.memory_space<vmem>>) semaphore(%arg12 : memref<!tpu.dma_semaphore, #tpu.memory_space<semaphore_mem>>)
        %dma_wait3A = arith.constant 0 : i32
        %dma_wait3A_32 = tpu.memref_slice %arg8[%scan3A_26, %dma_wait3A] : memref<79x128xi32, #tpu.memory_space<vmem>> -> memref<1x128xi32, #tpu.memory_space<vmem>>
        %dma_wait3A_33 = tpu.memref_squeeze %dma_wait3A_32 : memref<1x128xi32, #tpu.memory_space<vmem>> -> memref<128xi32, #tpu.memory_space<vmem>>
        %dma_wait3A_34 = arith.constant 0 : i32
        %dma_wait3A_35 = arith.constant 0 : i32
        %dma_wait3A_36 = tpu.memref_slice %arg4[%dma_wait3A_34, %dma_wait3A_35] : memref<40000x128xf32, #tpu.memory_space<hbm>> -> memref<40000x128xf32, #tpu.memory_space<hbm>>
        tpu.wait_indirect_dma semaphore(%arg12 : memref<!tpu.dma_semaphore, #tpu.memory_space<semaphore_mem>>) src(%dma_wait3A_36 : memref<40000x128xf32, #tpu.memory_space<hbm>>) dst(%arg10 : memref<128x128xf32, #tpu.memory_space<vmem>>)
        "tpu.region"() ({
          %run_scoped3A = tpu.sem_alloc : memref<!tpu.dma_semaphore, #tpu.memory_space<semaphore_mem>>
          %dma_start3A_37 = arith.constant 0 : i32
          %dma_start3A_38 = tpu.memref_slice %arg9[%scan3A_26, %dma_start3A_37] : memref<79x128xi32, #tpu.memory_space<vmem>> -> memref<1x128xi32, #tpu.memory_space<vmem>>
          %dma_start3A_39 = tpu.memref_squeeze %dma_start3A_38 : memref<1x128xi32, #tpu.memory_space<vmem>> -> memref<128xi32, #tpu.memory_space<vmem>>
          %dma_start3A_40 = arith.constant 0 : i32
          %dma_start3A_41 = arith.constant 0 : i32
          %dma_start3A_42 = tpu.memref_slice %arg11[%dma_start3A_40, %dma_start3A_41] : memref<10112x128xf32, #tpu.memory_space<vmem_shared>> -> memref<10112x128xf32, #tpu.memory_space<vmem_shared>>
          tpu.enqueue_indirect_dma source(%arg10 : memref<128x128xf32, #tpu.memory_space<vmem>>) target(%dma_start3A_42 : memref<10112x128xf32, #tpu.memory_space<vmem_shared>>) offsets(%dma_start3A_39 : memref<128xi32, #tpu.memory_space<vmem>>) semaphore(%run_scoped3A : memref<!tpu.dma_semaphore, #tpu.memory_space<semaphore_mem>>) {add = true}
          %dma_wait3A_43 = arith.constant 0 : i32
          %dma_wait3A_44 = tpu.memref_slice %arg9[%scan3A_26, %dma_wait3A_43] : memref<79x128xi32, #tpu.memory_space<vmem>> -> memref<1x128xi32, #tpu.memory_space<vmem>>
          %dma_wait3A_45 = tpu.memref_squeeze %dma_wait3A_44 : memref<1x128xi32, #tpu.memory_space<vmem>> -> memref<128xi32, #tpu.memory_space<vmem>>
          %dma_wait3A_46 = arith.constant 0 : i32
          %dma_wait3A_47 = arith.constant 0 : i32
          %dma_wait3A_48 = tpu.memref_slice %arg11[%dma_wait3A_46, %dma_wait3A_47] : memref<10112x128xf32, #tpu.memory_space<vmem_shared>> -> memref<10112x128xf32, #tpu.memory_space<vmem_shared>>
          tpu.wait_indirect_dma semaphore(%run_scoped3A : memref<!tpu.dma_semaphore, #tpu.memory_space<semaphore_mem>>) src(%arg10 : memref<128x128xf32, #tpu.memory_space<vmem>>) dst(%dma_wait3A_48 : memref<10112x128xf32, #tpu.memory_space<vmem_shared>>)
          tpu.yield
        }) : () -> ()
      }
      %scan3A_25 = arith.constant 79 : i32
    } else {
    }
    %eq3A_5 = arith.constant 1 : i32
    %eq3A_6 = arith.cmpi eq, %arg0, %eq3A_5 : i32
    %convert_element_type3A_7 = arith.extui %eq3A_6 : i1 to i32
    %cond3A_8 = arith.constant 0 : i32
    %cond3A_9 = arith.cmpi ne, %convert_element_type3A_7, %cond3A_8 : i32
    scf.if %cond3A_9 {
      %scan3A = arith.constant 0 : i32
      %scan3A_21 = arith.constant 0 : i32
      %scan3A_22 = arith.constant 79 : i32
      %scan3A_23 = arith.addi %scan3A_21, %scan3A_22 : i32
      %scan3A_24 = arith.constant 1 : i32
      scf.for %scan3A_26 = %scan3A_21 to %scan3A_23 step %scan3A_24  : i32 {
        %dma_start3A = arith.constant 0 : i32
        %dma_start3A_27 = tpu.memref_slice %arg8[%scan3A_26, %dma_start3A] : memref<79x128xi32, #tpu.memory_space<vmem>> -> memref<1x128xi32, #tpu.memory_space<vmem>>
        %dma_start3A_28 = tpu.memref_squeeze %dma_start3A_27 : memref<1x128xi32, #tpu.memory_space<vmem>> -> memref<128xi32, #tpu.memory_space<vmem>>
        %dma_start3A_29 = arith.constant 0 : i32
        %dma_start3A_30 = arith.constant 0 : i32
        %dma_start3A_31 = tpu.memref_slice %arg5[%dma_start3A_29, %dma_start3A_30] : memref<40000x128xf32, #tpu.memory_space<hbm>> -> memref<40000x128xf32, #tpu.memory_space<hbm>>
        tpu.enqueue_indirect_dma source(%dma_start3A_31 : memref<40000x128xf32, #tpu.memory_space<hbm>>) target(%arg10 : memref<128x128xf32, #tpu.memory_space<vmem>>) offsets(%dma_start3A_28 : memref<128xi32, #tpu.memory_space<vmem>>) semaphore(%arg12 : memref<!tpu.dma_semaphore, #tpu.memory_space<semaphore_mem>>)
        %dma_wait3A = arith.constant 0 : i32
        %dma_wait3A_32 = tpu.memref_slice %arg8[%scan3A_26, %dma_wait3A] : memref<79x128xi32, #tpu.memory_space<vmem>> -> memref<1x128xi32, #tpu.memory_space<vmem>>
        %dma_wait3A_33 = tpu.memref_squeeze %dma_wait3A_32 : memref<1x128xi32, #tpu.memory_space<vmem>> -> memref<128xi32, #tpu.memory_space<vmem>>
        %dma_wait3A_34 = arith.constant 0 : i32
        %dma_wait3A_35 = arith.constant 0 : i32
        %dma_wait3A_36 = tpu.memref_slice %arg5[%dma_wait3A_34, %dma_wait3A_35] : memref<40000x128xf32, #tpu.memory_space<hbm>> -> memref<40000x128xf32, #tpu.memory_space<hbm>>
        tpu.wait_indirect_dma semaphore(%arg12 : memref<!tpu.dma_semaphore, #tpu.memory_space<semaphore_mem>>) src(%dma_wait3A_36 : memref<40000x128xf32, #tpu.memory_space<hbm>>) dst(%arg10 : memref<128x128xf32, #tpu.memory_space<vmem>>)
        "tpu.region"() ({
          %run_scoped3A = tpu.sem_alloc : memref<!tpu.dma_semaphore, #tpu.memory_space<semaphore_mem>>
          %dma_start3A_37 = arith.constant 0 : i32
          %dma_start3A_38 = tpu.memref_slice %arg9[%scan3A_26, %dma_start3A_37] : memref<79x128xi32, #tpu.memory_space<vmem>> -> memref<1x128xi32, #tpu.memory_space<vmem>>
          %dma_start3A_39 = tpu.memref_squeeze %dma_start3A_38 : memref<1x128xi32, #tpu.memory_space<vmem>> -> memref<128xi32, #tpu.memory_space<vmem>>
          %dma_start3A_40 = arith.constant 0 : i32
          %dma_start3A_41 = arith.constant 0 : i32
          %dma_start3A_42 = tpu.memref_slice %arg11[%dma_start3A_40, %dma_start3A_41] : memref<10112x128xf32, #tpu.memory_space<vmem_shared>> -> memref<10112x128xf32, #tpu.memory_space<vmem_shared>>
          tpu.enqueue_indirect_dma source(%arg10 : memref<128x128xf32, #tpu.memory_space<vmem>>) target(%dma_start3A_42 : memref<10112x128xf32, #tpu.memory_space<vmem_shared>>) offsets(%dma_start3A_39 : memref<128xi32, #tpu.memory_space<vmem>>) semaphore(%run_scoped3A : memref<!tpu.dma_semaphore, #tpu.memory_space<semaphore_mem>>) {add = true}
          %dma_wait3A_43 = arith.constant 0 : i32
          %dma_wait3A_44 = tpu.memref_slice %arg9[%scan3A_26, %dma_wait3A_43] : memref<79x128xi32, #tpu.memory_space<vmem>> -> memref<1x128xi32, #tpu.memory_space<vmem>>
          %dma_wait3A_45 = tpu.memref_squeeze %dma_wait3A_44 : memref<1x128xi32, #tpu.memory_space<vmem>> -> memref<128xi32, #tpu.memory_space<vmem>>
          %dma_wait3A_46 = arith.constant 0 : i32
          %dma_wait3A_47 = arith.constant 0 : i32
          %dma_wait3A_48 = tpu.memref_slice %arg11[%dma_wait3A_46, %dma_wait3A_47] : memref<10112x128xf32, #tpu.memory_space<vmem_shared>> -> memref<10112x128xf32, #tpu.memory_space<vmem_shared>>
          tpu.wait_indirect_dma semaphore(%run_scoped3A : memref<!tpu.dma_semaphore, #tpu.memory_space<semaphore_mem>>) src(%arg10 : memref<128x128xf32, #tpu.memory_space<vmem>>) dst(%dma_wait3A_48 : memref<10112x128xf32, #tpu.memory_space<vmem_shared>>)
          tpu.yield
        }) : () -> ()
      }
      %scan3A_25 = arith.constant 79 : i32
    } else {
    }
    %barrier3A_10 = arith.constant 0 : index
    tpu.barrier barrier_id(%barrier3A_10)
    %eq3A_11 = arith.constant 0 : i32
    %eq3A_12 = arith.cmpi eq, %arg0, %eq3A_11 : i32
    %convert_element_type3A_13 = arith.extui %eq3A_12 : i1 to i32
    %cond3A_14 = arith.constant 0 : i32
    %cond3A_15 = arith.cmpi ne, %convert_element_type3A_13, %cond3A_14 : i32
    scf.if %cond3A_15 {
      %mul3A_21 = arith.constant 632 : i32
      %mul3A_22 = arith.muli %arg1, %mul3A_21 : i32
      %mul3A_23 = arith.constant 632 : i32
      %mul3A_24 = arith.muli %arg1, %mul3A_23 : i32
      %run_scoped3A = arith.constant 0 : i32
      "tpu.region"() ({
        %run_scoped3A_25 = tpu.sem_alloc : memref<!tpu.dma_semaphore, #tpu.memory_space<semaphore_mem>>
        %dma_start3A = arith.constant 0 : i32
        %dma_start3A_26 = arith.constant 0 : i32
        %dma_start3A_27 = tpu.memref_slice %arg7[%run_scoped3A, %dma_start3A, %dma_start3A_26] : memref<2x10112x128xf32, #tpu.memory_space<hbm>> -> memref<1x10112x128xf32, #tpu.memory_space<hbm>>
        %dma_start3A_28 = tpu.memref_squeeze %dma_start3A_27 : memref<1x10112x128xf32, #tpu.memory_space<hbm>> -> memref<10112x128xf32, #tpu.memory_space<hbm>>
        %dma_start3A_29 = arith.constant 0 : i32
        %dma_start3A_30 = tpu.memref_slice %dma_start3A_28[%mul3A_24, %dma_start3A_29] : memref<10112x128xf32, #tpu.memory_space<hbm>> -> memref<632x128xf32, #tpu.memory_space<hbm>>
        %dma_start3A_31 = arith.constant 0 : i32
        %dma_start3A_32 = tpu.memref_slice %arg11[%mul3A_22, %dma_start3A_31] : memref<10112x128xf32, #tpu.memory_space<vmem_shared>> -> memref<632x128xf32, #tpu.memory_space<vmem_shared>>
        tpu.enqueue_dma source(%dma_start3A_32 : memref<632x128xf32, #tpu.memory_space<vmem_shared>>) target(%dma_start3A_30 : memref<632x128xf32, #tpu.memory_space<hbm>>) target_semaphore(%run_scoped3A_25 : memref<!tpu.dma_semaphore, #tpu.memory_space<semaphore_mem>>)
        %dma_wait3A = arith.constant 0 : i32
        %dma_wait3A_33 = arith.constant 0 : i32
        %dma_wait3A_34 = tpu.memref_slice %arg7[%run_scoped3A, %dma_wait3A, %dma_wait3A_33] : memref<2x10112x128xf32, #tpu.memory_space<hbm>> -> memref<1x10112x128xf32, #tpu.memory_space<hbm>>
        %dma_wait3A_35 = tpu.memref_squeeze %dma_wait3A_34 : memref<1x10112x128xf32, #tpu.memory_space<hbm>> -> memref<10112x128xf32, #tpu.memory_space<hbm>>
        %dma_wait3A_36 = arith.constant 0 : i32
        %dma_wait3A_37 = tpu.memref_slice %dma_wait3A_35[%mul3A_24, %dma_wait3A_36] : memref<10112x128xf32, #tpu.memory_space<hbm>> -> memref<632x128xf32, #tpu.memory_space<hbm>>
        %dma_wait3A_38 = arith.constant 0 : i32
        %dma_wait3A_39 = tpu.memref_slice %arg11[%mul3A_22, %dma_wait3A_38] : memref<10112x128xf32, #tpu.memory_space<vmem_shared>> -> memref<632x128xf32, #tpu.memory_space<vmem_shared>>
        tpu.wait_dma2 semaphore(%run_scoped3A_25 : memref<!tpu.dma_semaphore, #tpu.memory_space<semaphore_mem>>) src(%dma_wait3A_39 : memref<632x128xf32, #tpu.memory_space<vmem_shared>>) dst(%dma_wait3A_37 : memref<632x128xf32, #tpu.memory_space<hbm>>)
        tpu.yield
      }) : () -> ()
    } else {
    }
    %eq3A_16 = arith.constant 1 : i32
    %eq3A_17 = arith.cmpi eq, %arg0, %eq3A_16 : i32
    %convert_element_type3A_18 = arith.extui %eq3A_17 : i1 to i32
    %cond3A_19 = arith.constant 0 : i32
    %cond3A_20 = arith.cmpi ne, %convert_element_type3A_18, %cond3A_19 : i32
    scf.if %cond3A_20 {
      %mul3A_21 = arith.constant 632 : i32
      %mul3A_22 = arith.muli %arg1, %mul3A_21 : i32
      %mul3A_23 = arith.constant 632 : i32
      %mul3A_24 = arith.muli %arg1, %mul3A_23 : i32
      %run_scoped3A = arith.constant 1 : i32
      "tpu.region"() ({
        %run_scoped3A_25 = tpu.sem_alloc : memref<!tpu.dma_semaphore, #tpu.memory_space<semaphore_mem>>
        %dma_start3A = arith.constant 0 : i32
        %dma_start3A_26 = arith.constant 0 : i32
        %dma_start3A_27 = tpu.memref_slice %arg7[%run_scoped3A, %dma_start3A, %dma_start3A_26] : memref<2x10112x128xf32, #tpu.memory_space<hbm>> -> memref<1x10112x128xf32, #tpu.memory_space<hbm>>
        %dma_start3A_28 = tpu.memref_squeeze %dma_start3A_27 : memref<1x10112x128xf32, #tpu.memory_space<hbm>> -> memref<10112x128xf32, #tpu.memory_space<hbm>>
        %dma_start3A_29 = arith.constant 0 : i32
        %dma_start3A_30 = tpu.memref_slice %dma_start3A_28[%mul3A_24, %dma_start3A_29] : memref<10112x128xf32, #tpu.memory_space<hbm>> -> memref<632x128xf32, #tpu.memory_space<hbm>>
        %dma_start3A_31 = arith.constant 0 : i32
        %dma_start3A_32 = tpu.memref_slice %arg11[%mul3A_22, %dma_start3A_31] : memref<10112x128xf32, #tpu.memory_space<vmem_shared>> -> memref<632x128xf32, #tpu.memory_space<vmem_shared>>
        tpu.enqueue_dma source(%dma_start3A_32 : memref<632x128xf32, #tpu.memory_space<vmem_shared>>) target(%dma_start3A_30 : memref<632x128xf32, #tpu.memory_space<hbm>>) target_semaphore(%run_scoped3A_25 : memref<!tpu.dma_semaphore, #tpu.memory_space<semaphore_mem>>)
        %dma_wait3A = arith.constant 0 : i32
        %dma_wait3A_33 = arith.constant 0 : i32
        %dma_wait3A_34 = tpu.memref_slice %arg7[%run_scoped3A, %dma_wait3A, %dma_wait3A_33] : memref<2x10112x128xf32, #tpu.memory_space<hbm>> -> memref<1x10112x128xf32, #tpu.memory_space<hbm>>
        %dma_wait3A_35 = tpu.memref_squeeze %dma_wait3A_34 : memref<1x10112x128xf32, #tpu.memory_space<hbm>> -> memref<10112x128xf32, #tpu.memory_space<hbm>>
        %dma_wait3A_36 = arith.constant 0 : i32
        %dma_wait3A_37 = tpu.memref_slice %dma_wait3A_35[%mul3A_24, %dma_wait3A_36] : memref<10112x128xf32, #tpu.memory_space<hbm>> -> memref<632x128xf32, #tpu.memory_space<hbm>>
        %dma_wait3A_38 = arith.constant 0 : i32
        %dma_wait3A_39 = tpu.memref_slice %arg11[%mul3A_22, %dma_wait3A_38] : memref<10112x128xf32, #tpu.memory_space<vmem_shared>> -> memref<632x128xf32, #tpu.memory_space<vmem_shared>>
        tpu.wait_dma2 semaphore(%run_scoped3A_25 : memref<!tpu.dma_semaphore, #tpu.memory_space<semaphore_mem>>) src(%dma_wait3A_39 : memref<632x128xf32, #tpu.memory_space<vmem_shared>>) dst(%dma_wait3A_37 : memref<632x128xf32, #tpu.memory_space<hbm>>)
        tpu.yield
      }) : () -> ()
    } else {
    }
    return
  }
}

#map = affine_map<(d0, d1) -> (0, 0, 0)>
#map1 = affine_map<(d0, d1) -> (0, 0)>
module attributes {stable_mosaic.version = 14 : i64} {
  func.func @_sc_body(%arg0: i32, %arg1: i32, %arg2: memref<16x79x128xi32, #tpu.memory_space<hbm>>, %arg3: memref<16x79x128xi32, #tpu.memory_space<hbm>>, %arg4: memref<40000x128xf32, #tpu.memory_space<hbm>>, %arg5: memref<40000x128xf32, #tpu.memory_space<hbm>>, %arg6: memref<10112x128xf32, #tpu.memory_space<hbm>>, %arg7: memref<2x10112x128xf32, #tpu.memory_space<hbm>>, %arg8: memref<79x128xi32, #tpu.memory_space<vmem>>, %arg9: memref<79x128xi32, #tpu.memory_space<vmem>>, %arg10: memref<128x128xf32, #tpu.memory_space<vmem>>, %arg11: memref<10112x128xf32, #tpu.memory_space<vmem_shared>>, %arg12: memref<!tpu.dma_semaphore, #tpu.memory_space<semaphore_mem>>) attributes {dimension_semantics = [#tpu.dimension_semantics<core_parallel>, #tpu.dimension_semantics<subcore_parallel>], iteration_bounds = array<i64: 2, 16>, scalar_prefetch = 0 : i64, scratch_operands = 5 : i64, tpu.core_type = #tpu.core_type<sc_vector_subcore>, window_params = [{transform_indices = #map}, {transform_indices = #map}, {transform_indices = #map1}, {transform_indices = #map1}, {transform_indices = #map1}, {transform_indices = #map}]} {
    "tpu.region"() ({
      %run_scoped3A = tpu.sem_alloc : memref<!tpu.dma_semaphore, #tpu.memory_space<semaphore_mem>>
      %dma_start3A = arith.constant 0 : i32
      %dma_start3A_21 = arith.constant 0 : i32
      %dma_start3A_22 = tpu.memref_slice %arg2[%arg1, %dma_start3A, %dma_start3A_21] : memref<16x79x128xi32, #tpu.memory_space<hbm>> -> memref<1x79x128xi32, #tpu.memory_space<hbm>>
      %dma_start3A_23 = tpu.memref_squeeze %dma_start3A_22 : memref<1x79x128xi32, #tpu.memory_space<hbm>> -> memref<79x128xi32, #tpu.memory_space<hbm>>
      %dma_start3A_24 = arith.constant 0 : i32
      %dma_start3A_25 = arith.constant 0 : i32
      %dma_start3A_26 = tpu.memref_slice %arg2[%arg1, %dma_start3A_24, %dma_start3A_25] : memref<16x79x128xi32, #tpu.memory_space<hbm>> -> memref<1x79x128xi32, #tpu.memory_space<hbm>>
      %dma_start3A_27 = tpu.memref_squeeze %dma_start3A_26 : memref<1x79x128xi32, #tpu.memory_space<hbm>> -> memref<79x128xi32, #tpu.memory_space<hbm>>
      tpu.enqueue_dma source(%dma_start3A_27 : memref<79x128xi32, #tpu.memory_space<hbm>>) target(%arg8 : memref<79x128xi32, #tpu.memory_space<vmem>>) target_semaphore(%run_scoped3A : memref<!tpu.dma_semaphore, #tpu.memory_space<semaphore_mem>>)
      %dma_wait3A = arith.constant 0 : i32
      %dma_wait3A_28 = arith.constant 0 : i32
      %dma_wait3A_29 = tpu.memref_slice %arg2[%arg1, %dma_wait3A, %dma_wait3A_28] : memref<16x79x128xi32, #tpu.memory_space<hbm>> -> memref<1x79x128xi32, #tpu.memory_space<hbm>>
      %dma_wait3A_30 = tpu.memref_squeeze %dma_wait3A_29 : memref<1x79x128xi32, #tpu.memory_space<hbm>> -> memref<79x128xi32, #tpu.memory_space<hbm>>
      %dma_wait3A_31 = arith.constant 0 : i32
      %dma_wait3A_32 = arith.constant 0 : i32
      %dma_wait3A_33 = tpu.memref_slice %arg2[%arg1, %dma_wait3A_31, %dma_wait3A_32] : memref<16x79x128xi32, #tpu.memory_space<hbm>> -> memref<1x79x128xi32, #tpu.memory_space<hbm>>
      %dma_wait3A_34 = tpu.memref_squeeze %dma_wait3A_33 : memref<1x79x128xi32, #tpu.memory_space<hbm>> -> memref<79x128xi32, #tpu.memory_space<hbm>>
      tpu.wait_dma2 semaphore(%run_scoped3A : memref<!tpu.dma_semaphore, #tpu.memory_space<semaphore_mem>>) src(%dma_wait3A_34 : memref<79x128xi32, #tpu.memory_space<hbm>>) dst(%arg8 : memref<79x128xi32, #tpu.memory_space<vmem>>)
      tpu.yield
    }) : () -> ()
    "tpu.region"() ({
      %run_scoped3A = tpu.sem_alloc : memref<!tpu.dma_semaphore, #tpu.memory_space<semaphore_mem>>
      %dma_start3A = arith.constant 0 : i32
      %dma_start3A_21 = arith.constant 0 : i32
      %dma_start3A_22 = tpu.memref_slice %arg3[%arg1, %dma_start3A, %dma_start3A_21] : memref<16x79x128xi32, #tpu.memory_space<hbm>> -> memref<1x79x128xi32, #tpu.memory_space<hbm>>
      %dma_start3A_23 = tpu.memref_squeeze %dma_start3A_22 : memref<1x79x128xi32, #tpu.memory_space<hbm>> -> memref<79x128xi32, #tpu.memory_space<hbm>>
      %dma_start3A_24 = arith.constant 0 : i32
      %dma_start3A_25 = arith.constant 0 : i32
      %dma_start3A_26 = tpu.memref_slice %arg3[%arg1, %dma_start3A_24, %dma_start3A_25] : memref<16x79x128xi32, #tpu.memory_space<hbm>> -> memref<1x79x128xi32, #tpu.memory_space<hbm>>
      %dma_start3A_27 = tpu.memref_squeeze %dma_start3A_26 : memref<1x79x128xi32, #tpu.memory_space<hbm>> -> memref<79x128xi32, #tpu.memory_space<hbm>>
      tpu.enqueue_dma source(%dma_start3A_27 : memref<79x128xi32, #tpu.memory_space<hbm>>) target(%arg9 : memref<79x128xi32, #tpu.memory_space<vmem>>) target_semaphore(%run_scoped3A : memref<!tpu.dma_semaphore, #tpu.memory_space<semaphore_mem>>)
      %dma_wait3A = arith.constant 0 : i32
      %dma_wait3A_28 = arith.constant 0 : i32
      %dma_wait3A_29 = tpu.memref_slice %arg3[%arg1, %dma_wait3A, %dma_wait3A_28] : memref<16x79x128xi32, #tpu.memory_space<hbm>> -> memref<1x79x128xi32, #tpu.memory_space<hbm>>
      %dma_wait3A_30 = tpu.memref_squeeze %dma_wait3A_29 : memref<1x79x128xi32, #tpu.memory_space<hbm>> -> memref<79x128xi32, #tpu.memory_space<hbm>>
      %dma_wait3A_31 = arith.constant 0 : i32
      %dma_wait3A_32 = arith.constant 0 : i32
      %dma_wait3A_33 = tpu.memref_slice %arg3[%arg1, %dma_wait3A_31, %dma_wait3A_32] : memref<16x79x128xi32, #tpu.memory_space<hbm>> -> memref<1x79x128xi32, #tpu.memory_space<hbm>>
      %dma_wait3A_34 = tpu.memref_squeeze %dma_wait3A_33 : memref<1x79x128xi32, #tpu.memory_space<hbm>> -> memref<79x128xi32, #tpu.memory_space<hbm>>
      tpu.wait_dma2 semaphore(%run_scoped3A : memref<!tpu.dma_semaphore, #tpu.memory_space<semaphore_mem>>) src(%dma_wait3A_34 : memref<79x128xi32, #tpu.memory_space<hbm>>) dst(%arg9 : memref<79x128xi32, #tpu.memory_space<vmem>>)
      tpu.yield
    }) : () -> ()
    %mul3A = arith.constant 632 : i32
    %mul3A_0 = arith.muli %arg1, %mul3A : i32
    %mul3A_1 = arith.constant 632 : i32
    %mul3A_2 = arith.muli %arg1, %mul3A_1 : i32
    "tpu.region"() ({
      %run_scoped3A = tpu.sem_alloc : memref<!tpu.dma_semaphore, #tpu.memory_space<semaphore_mem>>
      %dma_start3A = arith.constant 0 : i32
      %dma_start3A_21 = tpu.memref_slice %arg11[%mul3A_2, %dma_start3A] : memref<10112x128xf32, #tpu.memory_space<vmem_shared>> -> memref<632x128xf32, #tpu.memory_space<vmem_shared>>
      %dma_start3A_22 = arith.constant 0 : i32
      %dma_start3A_23 = tpu.memref_slice %arg6[%mul3A_0, %dma_start3A_22] : memref<10112x128xf32, #tpu.memory_space<hbm>> -> memref<632x128xf32, #tpu.memory_space<hbm>>
      tpu.enqueue_dma source(%dma_start3A_23 : memref<632x128xf32, #tpu.memory_space<hbm>>) target(%dma_start3A_21 : memref<632x128xf32, #tpu.memory_space<vmem_shared>>) target_semaphore(%run_scoped3A : memref<!tpu.dma_semaphore, #tpu.memory_space<semaphore_mem>>)
      %dma_wait3A = arith.constant 0 : i32
      %dma_wait3A_24 = tpu.memref_slice %arg11[%mul3A_2, %dma_wait3A] : memref<10112x128xf32, #tpu.memory_space<vmem_shared>> -> memref<632x128xf32, #tpu.memory_space<vmem_shared>>
      %dma_wait3A_25 = arith.constant 0 : i32
      %dma_wait3A_26 = tpu.memref_slice %arg6[%mul3A_0, %dma_wait3A_25] : memref<10112x128xf32, #tpu.memory_space<hbm>> -> memref<632x128xf32, #tpu.memory_space<hbm>>
      tpu.wait_dma2 semaphore(%run_scoped3A : memref<!tpu.dma_semaphore, #tpu.memory_space<semaphore_mem>>) src(%dma_wait3A_26 : memref<632x128xf32, #tpu.memory_space<hbm>>) dst(%dma_wait3A_24 : memref<632x128xf32, #tpu.memory_space<vmem_shared>>)
      tpu.yield
    }) : () -> ()
    %barrier3A = arith.constant 0 : index
    tpu.barrier barrier_id(%barrier3A)
    %eq3A = arith.constant 0 : i32
    %eq3A_3 = arith.cmpi eq, %arg0, %eq3A : i32
    %convert_element_type3A = arith.extui %eq3A_3 : i1 to i32
    %cond3A = arith.constant 0 : i32
    %cond3A_4 = arith.cmpi ne, %convert_element_type3A, %cond3A : i32
    scf.if %cond3A_4 {
      %scan3A = arith.constant 0 : i32
      %scan3A_21 = arith.constant 0 : i32
      %scan3A_22 = arith.constant 79 : i32
      %scan3A_23 = arith.addi %scan3A_21, %scan3A_22 : i32
      %scan3A_24 = arith.constant 1 : i32
      scf.for %scan3A_26 = %scan3A_21 to %scan3A_23 step %scan3A_24  : i32 {
        %dma_start3A = arith.constant 0 : i32
        %dma_start3A_27 = tpu.memref_slice %arg8[%scan3A_26, %dma_start3A] : memref<79x128xi32, #tpu.memory_space<vmem>> -> memref<1x128xi32, #tpu.memory_space<vmem>>
        %dma_start3A_28 = tpu.memref_squeeze %dma_start3A_27 : memref<1x128xi32, #tpu.memory_space<vmem>> -> memref<128xi32, #tpu.memory_space<vmem>>
        %dma_start3A_29 = arith.constant 0 : i32
        %dma_start3A_30 = arith.constant 0 : i32
        %dma_start3A_31 = tpu.memref_slice %arg4[%dma_start3A_29, %dma_start3A_30] : memref<40000x128xf32, #tpu.memory_space<hbm>> -> memref<40000x128xf32, #tpu.memory_space<hbm>>
        tpu.enqueue_indirect_dma source(%dma_start3A_31 : memref<40000x128xf32, #tpu.memory_space<hbm>>) target(%arg10 : memref<128x128xf32, #tpu.memory_space<vmem>>) offsets(%dma_start3A_28 : memref<128xi32, #tpu.memory_space<vmem>>) semaphore(%arg12 : memref<!tpu.dma_semaphore, #tpu.memory_space<semaphore_mem>>)
        %dma_wait3A = arith.constant 0 : i32
        %dma_wait3A_32 = tpu.memref_slice %arg8[%scan3A_26, %dma_wait3A] : memref<79x128xi32, #tpu.memory_space<vmem>> -> memref<1x128xi32, #tpu.memory_space<vmem>>
        %dma_wait3A_33 = tpu.memref_squeeze %dma_wait3A_32 : memref<1x128xi32, #tpu.memory_space<vmem>> -> memref<128xi32, #tpu.memory_space<vmem>>
        %dma_wait3A_34 = arith.constant 0 : i32
        %dma_wait3A_35 = arith.constant 0 : i32
        %dma_wait3A_36 = tpu.memref_slice %arg4[%dma_wait3A_34, %dma_wait3A_35] : memref<40000x128xf32, #tpu.memory_space<hbm>> -> memref<40000x128xf32, #tpu.memory_space<hbm>>
        tpu.wait_indirect_dma semaphore(%arg12 : memref<!tpu.dma_semaphore, #tpu.memory_space<semaphore_mem>>) src(%dma_wait3A_36 : memref<40000x128xf32, #tpu.memory_space<hbm>>) dst(%arg10 : memref<128x128xf32, #tpu.memory_space<vmem>>)
        "tpu.region"() ({
          %run_scoped3A = tpu.sem_alloc : memref<!tpu.dma_semaphore, #tpu.memory_space<semaphore_mem>>
          %dma_start3A_37 = arith.constant 0 : i32
          %dma_start3A_38 = tpu.memref_slice %arg9[%scan3A_26, %dma_start3A_37] : memref<79x128xi32, #tpu.memory_space<vmem>> -> memref<1x128xi32, #tpu.memory_space<vmem>>
          %dma_start3A_39 = tpu.memref_squeeze %dma_start3A_38 : memref<1x128xi32, #tpu.memory_space<vmem>> -> memref<128xi32, #tpu.memory_space<vmem>>
          %dma_start3A_40 = arith.constant 0 : i32
          %dma_start3A_41 = arith.constant 0 : i32
          %dma_start3A_42 = tpu.memref_slice %arg11[%dma_start3A_40, %dma_start3A_41] : memref<10112x128xf32, #tpu.memory_space<vmem_shared>> -> memref<10112x128xf32, #tpu.memory_space<vmem_shared>>
          tpu.enqueue_indirect_dma source(%arg10 : memref<128x128xf32, #tpu.memory_space<vmem>>) target(%dma_start3A_42 : memref<10112x128xf32, #tpu.memory_space<vmem_shared>>) offsets(%dma_start3A_39 : memref<128xi32, #tpu.memory_space<vmem>>) semaphore(%run_scoped3A : memref<!tpu.dma_semaphore, #tpu.memory_space<semaphore_mem>>) {add = true}
          %dma_wait3A_43 = arith.constant 0 : i32
          %dma_wait3A_44 = tpu.memref_slice %arg9[%scan3A_26, %dma_wait3A_43] : memref<79x128xi32, #tpu.memory_space<vmem>> -> memref<1x128xi32, #tpu.memory_space<vmem>>
          %dma_wait3A_45 = tpu.memref_squeeze %dma_wait3A_44 : memref<1x128xi32, #tpu.memory_space<vmem>> -> memref<128xi32, #tpu.memory_space<vmem>>
          %dma_wait3A_46 = arith.constant 0 : i32
          %dma_wait3A_47 = arith.constant 0 : i32
          %dma_wait3A_48 = tpu.memref_slice %arg11[%dma_wait3A_46, %dma_wait3A_47] : memref<10112x128xf32, #tpu.memory_space<vmem_shared>> -> memref<10112x128xf32, #tpu.memory_space<vmem_shared>>
          tpu.wait_indirect_dma semaphore(%run_scoped3A : memref<!tpu.dma_semaphore, #tpu.memory_space<semaphore_mem>>) src(%arg10 : memref<128x128xf32, #tpu.memory_space<vmem>>) dst(%dma_wait3A_48 : memref<10112x128xf32, #tpu.memory_space<vmem_shared>>)
          tpu.yield
        }) : () -> ()
      }
      %scan3A_25 = arith.constant 79 : i32
    } else {
    }
    %eq3A_5 = arith.constant 1 : i32
    %eq3A_6 = arith.cmpi eq, %arg0, %eq3A_5 : i32
    %convert_element_type3A_7 = arith.extui %eq3A_6 : i1 to i32
    %cond3A_8 = arith.constant 0 : i32
    %cond3A_9 = arith.cmpi ne, %convert_element_type3A_7, %cond3A_8 : i32
    scf.if %cond3A_9 {
      %scan3A = arith.constant 0 : i32
      %scan3A_21 = arith.constant 0 : i32
      %scan3A_22 = arith.constant 79 : i32
      %scan3A_23 = arith.addi %scan3A_21, %scan3A_22 : i32
      %scan3A_24 = arith.constant 1 : i32
      scf.for %scan3A_26 = %scan3A_21 to %scan3A_23 step %scan3A_24  : i32 {
        %dma_start3A = arith.constant 0 : i32
        %dma_start3A_27 = tpu.memref_slice %arg8[%scan3A_26, %dma_start3A] : memref<79x128xi32, #tpu.memory_space<vmem>> -> memref<1x128xi32, #tpu.memory_space<vmem>>
        %dma_start3A_28 = tpu.memref_squeeze %dma_start3A_27 : memref<1x128xi32, #tpu.memory_space<vmem>> -> memref<128xi32, #tpu.memory_space<vmem>>
        %dma_start3A_29 = arith.constant 0 : i32
        %dma_start3A_30 = arith.constant 0 : i32
        %dma_start3A_31 = tpu.memref_slice %arg5[%dma_start3A_29, %dma_start3A_30] : memref<40000x128xf32, #tpu.memory_space<hbm>> -> memref<40000x128xf32, #tpu.memory_space<hbm>>
        tpu.enqueue_indirect_dma source(%dma_start3A_31 : memref<40000x128xf32, #tpu.memory_space<hbm>>) target(%arg10 : memref<128x128xf32, #tpu.memory_space<vmem>>) offsets(%dma_start3A_28 : memref<128xi32, #tpu.memory_space<vmem>>) semaphore(%arg12 : memref<!tpu.dma_semaphore, #tpu.memory_space<semaphore_mem>>)
        %dma_wait3A = arith.constant 0 : i32
        %dma_wait3A_32 = tpu.memref_slice %arg8[%scan3A_26, %dma_wait3A] : memref<79x128xi32, #tpu.memory_space<vmem>> -> memref<1x128xi32, #tpu.memory_space<vmem>>
        %dma_wait3A_33 = tpu.memref_squeeze %dma_wait3A_32 : memref<1x128xi32, #tpu.memory_space<vmem>> -> memref<128xi32, #tpu.memory_space<vmem>>
        %dma_wait3A_34 = arith.constant 0 : i32
        %dma_wait3A_35 = arith.constant 0 : i32
        %dma_wait3A_36 = tpu.memref_slice %arg5[%dma_wait3A_34, %dma_wait3A_35] : memref<40000x128xf32, #tpu.memory_space<hbm>> -> memref<40000x128xf32, #tpu.memory_space<hbm>>
        tpu.wait_indirect_dma semaphore(%arg12 : memref<!tpu.dma_semaphore, #tpu.memory_space<semaphore_mem>>) src(%dma_wait3A_36 : memref<40000x128xf32, #tpu.memory_space<hbm>>) dst(%arg10 : memref<128x128xf32, #tpu.memory_space<vmem>>)
        "tpu.region"() ({
          %run_scoped3A = tpu.sem_alloc : memref<!tpu.dma_semaphore, #tpu.memory_space<semaphore_mem>>
          %dma_start3A_37 = arith.constant 0 : i32
          %dma_start3A_38 = tpu.memref_slice %arg9[%scan3A_26, %dma_start3A_37] : memref<79x128xi32, #tpu.memory_space<vmem>> -> memref<1x128xi32, #tpu.memory_space<vmem>>
          %dma_start3A_39 = tpu.memref_squeeze %dma_start3A_38 : memref<1x128xi32, #tpu.memory_space<vmem>> -> memref<128xi32, #tpu.memory_space<vmem>>
          %dma_start3A_40 = arith.constant 0 : i32
          %dma_start3A_41 = arith.constant 0 : i32
          %dma_start3A_42 = tpu.memref_slice %arg11[%dma_start3A_40, %dma_start3A_41] : memref<10112x128xf32, #tpu.memory_space<vmem_shared>> -> memref<10112x128xf32, #tpu.memory_space<vmem_shared>>
          tpu.enqueue_indirect_dma source(%arg10 : memref<128x128xf32, #tpu.memory_space<vmem>>) target(%dma_start3A_42 : memref<10112x128xf32, #tpu.memory_space<vmem_shared>>) offsets(%dma_start3A_39 : memref<128xi32, #tpu.memory_space<vmem>>) semaphore(%run_scoped3A : memref<!tpu.dma_semaphore, #tpu.memory_space<semaphore_mem>>) {add = true}
          %dma_wait3A_43 = arith.constant 0 : i32
          %dma_wait3A_44 = tpu.memref_slice %arg9[%scan3A_26, %dma_wait3A_43] : memref<79x128xi32, #tpu.memory_space<vmem>> -> memref<1x128xi32, #tpu.memory_space<vmem>>
          %dma_wait3A_45 = tpu.memref_squeeze %dma_wait3A_44 : memref<1x128xi32, #tpu.memory_space<vmem>> -> memref<128xi32, #tpu.memory_space<vmem>>
          %dma_wait3A_46 = arith.constant 0 : i32
          %dma_wait3A_47 = arith.constant 0 : i32
          %dma_wait3A_48 = tpu.memref_slice %arg11[%dma_wait3A_46, %dma_wait3A_47] : memref<10112x128xf32, #tpu.memory_space<vmem_shared>> -> memref<10112x128xf32, #tpu.memory_space<vmem_shared>>
          tpu.wait_indirect_dma semaphore(%run_scoped3A : memref<!tpu.dma_semaphore, #tpu.memory_space<semaphore_mem>>) src(%arg10 : memref<128x128xf32, #tpu.memory_space<vmem>>) dst(%dma_wait3A_48 : memref<10112x128xf32, #tpu.memory_space<vmem_shared>>)
          tpu.yield
        }) : () -> ()
      }
      %scan3A_25 = arith.constant 79 : i32
    } else {
    }
    %barrier3A_10 = arith.constant 0 : index
    tpu.barrier barrier_id(%barrier3A_10)
    %eq3A_11 = arith.constant 0 : i32
    %eq3A_12 = arith.cmpi eq, %arg0, %eq3A_11 : i32
    %convert_element_type3A_13 = arith.extui %eq3A_12 : i1 to i32
    %cond3A_14 = arith.constant 0 : i32
    %cond3A_15 = arith.cmpi ne, %convert_element_type3A_13, %cond3A_14 : i32
    scf.if %cond3A_15 {
      %mul3A_21 = arith.constant 632 : i32
      %mul3A_22 = arith.muli %arg1, %mul3A_21 : i32
      %mul3A_23 = arith.constant 632 : i32
      %mul3A_24 = arith.muli %arg1, %mul3A_23 : i32
      %run_scoped3A = arith.constant 0 : i32
      "tpu.region"() ({
        %run_scoped3A_25 = tpu.sem_alloc : memref<!tpu.dma_semaphore, #tpu.memory_space<semaphore_mem>>
        %dma_start3A = arith.constant 0 : i32
        %dma_start3A_26 = arith.constant 0 : i32
        %dma_start3A_27 = tpu.memref_slice %arg7[%run_scoped3A, %dma_start3A, %dma_start3A_26] : memref<2x10112x128xf32, #tpu.memory_space<hbm>> -> memref<1x10112x128xf32, #tpu.memory_space<hbm>>
        %dma_start3A_28 = tpu.memref_squeeze %dma_start3A_27 : memref<1x10112x128xf32, #tpu.memory_space<hbm>> -> memref<10112x128xf32, #tpu.memory_space<hbm>>
        %dma_start3A_29 = arith.constant 0 : i32
        %dma_start3A_30 = tpu.memref_slice %dma_start3A_28[%mul3A_24, %dma_start3A_29] : memref<10112x128xf32, #tpu.memory_space<hbm>> -> memref<632x128xf32, #tpu.memory_space<hbm>>
        %dma_start3A_31 = arith.constant 0 : i32
        %dma_start3A_32 = tpu.memref_slice %arg11[%mul3A_22, %dma_start3A_31] : memref<10112x128xf32, #tpu.memory_space<vmem_shared>> -> memref<632x128xf32, #tpu.memory_space<vmem_shared>>
        tpu.enqueue_dma source(%dma_start3A_32 : memref<632x128xf32, #tpu.memory_space<vmem_shared>>) target(%dma_start3A_30 : memref<632x128xf32, #tpu.memory_space<hbm>>) target_semaphore(%run_scoped3A_25 : memref<!tpu.dma_semaphore, #tpu.memory_space<semaphore_mem>>)
        %dma_wait3A = arith.constant 0 : i32
        %dma_wait3A_33 = arith.constant 0 : i32
        %dma_wait3A_34 = tpu.memref_slice %arg7[%run_scoped3A, %dma_wait3A, %dma_wait3A_33] : memref<2x10112x128xf32, #tpu.memory_space<hbm>> -> memref<1x10112x128xf32, #tpu.memory_space<hbm>>
        %dma_wait3A_35 = tpu.memref_squeeze %dma_wait3A_34 : memref<1x10112x128xf32, #tpu.memory_space<hbm>> -> memref<10112x128xf32, #tpu.memory_space<hbm>>
        %dma_wait3A_36 = arith.constant 0 : i32
        %dma_wait3A_37 = tpu.memref_slice %dma_wait3A_35[%mul3A_24, %dma_wait3A_36] : memref<10112x128xf32, #tpu.memory_space<hbm>> -> memref<632x128xf32, #tpu.memory_space<hbm>>
        %dma_wait3A_38 = arith.constant 0 : i32
        %dma_wait3A_39 = tpu.memref_slice %arg11[%mul3A_22, %dma_wait3A_38] : memref<10112x128xf32, #tpu.memory_space<vmem_shared>> -> memref<632x128xf32, #tpu.memory_space<vmem_shared>>
        tpu.wait_dma2 semaphore(%run_scoped3A_25 : memref<!tpu.dma_semaphore, #tpu.memory_space<semaphore_mem>>) src(%dma_wait3A_39 : memref<632x128xf32, #tpu.memory_space<vmem_shared>>) dst(%dma_wait3A_37 : memref<632x128xf32, #tpu.memory_space<hbm>>)
        tpu.yield
      }) : () -> ()
    } else {
    }
    %eq3A_16 = arith.constant 1 : i32
    %eq3A_17 = arith.cmpi eq, %arg0, %eq3A_16 : i32
    %convert_element_type3A_18 = arith.extui %eq3A_17 : i1 to i32
    %cond3A_19 = arith.constant 0 : i32
    %cond3A_20 = arith.cmpi ne, %convert_element_type3A_18, %cond3A_19 : i32
    scf.if %cond3A_20 {
      %mul3A_21 = arith.constant 632 : i32
      %mul3A_22 = arith.muli %arg1, %mul3A_21 : i32
      %mul3A_23 = arith.constant 632 : i32
      %mul3A_24 = arith.muli %arg1, %mul3A_23 : i32
      %run_scoped3A = arith.constant 1 : i32
      "tpu.region"() ({
        %run_scoped3A_25 = tpu.sem_alloc : memref<!tpu.dma_semaphore, #tpu.memory_space<semaphore_mem>>
        %dma_start3A = arith.constant 0 : i32
        %dma_start3A_26 = arith.constant 0 : i32
        %dma_start3A_27 = tpu.memref_slice %arg7[%run_scoped3A, %dma_start3A, %dma_start3A_26] : memref<2x10112x128xf32, #tpu.memory_space<hbm>> -> memref<1x10112x128xf32, #tpu.memory_space<hbm>>
        %dma_start3A_28 = tpu.memref_squeeze %dma_start3A_27 : memref<1x10112x128xf32, #tpu.memory_space<hbm>> -> memref<10112x128xf32, #tpu.memory_space<hbm>>
        %dma_start3A_29 = arith.constant 0 : i32
        %dma_start3A_30 = tpu.memref_slice %dma_start3A_28[%mul3A_24, %dma_start3A_29] : memref<10112x128xf32, #tpu.memory_space<hbm>> -> memref<632x128xf32, #tpu.memory_space<hbm>>
        %dma_start3A_31 = arith.constant 0 : i32
        %dma_start3A_32 = tpu.memref_slice %arg11[%mul3A_22, %dma_start3A_31] : memref<10112x128xf32, #tpu.memory_space<vmem_shared>> -> memref<632x128xf32, #tpu.memory_space<vmem_shared>>
        tpu.enqueue_dma source(%dma_start3A_32 : memref<632x128xf32, #tpu.memory_space<vmem_shared>>) target(%dma_start3A_30 : memref<632x128xf32, #tpu.memory_space<hbm>>) target_semaphore(%run_scoped3A_25 : memref<!tpu.dma_semaphore, #tpu.memory_space<semaphore_mem>>)
        %dma_wait3A = arith.constant 0 : i32
        %dma_wait3A_33 = arith.constant 0 : i32
        %dma_wait3A_34 = tpu.memref_slice %arg7[%run_scoped3A, %dma_wait3A, %dma_wait3A_33] : memref<2x10112x128xf32, #tpu.memory_space<hbm>> -> memref<1x10112x128xf32, #tpu.memory_space<hbm>>
        %dma_wait3A_35 = tpu.memref_squeeze %dma_wait3A_34 : memref<1x10112x128xf32, #tpu.memory_space<hbm>> -> memref<10112x128xf32, #tpu.memory_space<hbm>>
        %dma_wait3A_36 = arith.constant 0 : i32
        %dma_wait3A_37 = tpu.memref_slice %dma_wait3A_35[%mul3A_24, %dma_wait3A_36] : memref<10112x128xf32, #tpu.memory_space<hbm>> -> memref<632x128xf32, #tpu.memory_space<hbm>>
        %dma_wait3A_38 = arith.constant 0 : i32
        %dma_wait3A_39 = tpu.memref_slice %arg11[%mul3A_22, %dma_wait3A_38] : memref<10112x128xf32, #tpu.memory_space<vmem_shared>> -> memref<632x128xf32, #tpu.memory_space<vmem_shared>>
        tpu.wait_dma2 semaphore(%run_scoped3A_25 : memref<!tpu.dma_semaphore, #tpu.memory_space<semaphore_mem>>) src(%dma_wait3A_39 : memref<632x128xf32, #tpu.memory_space<vmem_shared>>) dst(%dma_wait3A_37 : memref<632x128xf32, #tpu.memory_space<hbm>>)
        tpu.yield
      }) : () -> ()
    } else {
    }
    return
  }
}

#map = affine_map<(d0, d1) -> (0, 0, 0)>
#map1 = affine_map<(d0, d1) -> (0, 0)>
module attributes {stable_mosaic.version = 14 : i64} {
  func.func @_sc_body(%arg0: i32, %arg1: i32, %arg2: memref<16x79x128xi32, #tpu.memory_space<hbm>>, %arg3: memref<16x79x128xi32, #tpu.memory_space<hbm>>, %arg4: memref<40000x128xf32, #tpu.memory_space<hbm>>, %arg5: memref<40000x128xf32, #tpu.memory_space<hbm>>, %arg6: memref<10112x128xf32, #tpu.memory_space<hbm>>, %arg7: memref<2x10112x128xf32, #tpu.memory_space<hbm>>, %arg8: memref<79x128xi32, #tpu.memory_space<vmem>>, %arg9: memref<79x128xi32, #tpu.memory_space<vmem>>, %arg10: memref<128x128xf32, #tpu.memory_space<vmem>>, %arg11: memref<10112x128xf32, #tpu.memory_space<vmem_shared>>, %arg12: memref<!tpu.dma_semaphore, #tpu.memory_space<semaphore_mem>>) attributes {dimension_semantics = [#tpu.dimension_semantics<core_parallel>, #tpu.dimension_semantics<subcore_parallel>], iteration_bounds = array<i64: 2, 16>, scalar_prefetch = 0 : i64, scratch_operands = 5 : i64, tpu.core_type = #tpu.core_type<sc_vector_subcore>, window_params = [{transform_indices = #map}, {transform_indices = #map}, {transform_indices = #map1}, {transform_indices = #map1}, {transform_indices = #map1}, {transform_indices = #map}]} {
    "tpu.region"() ({
      %run_scoped3A = tpu.sem_alloc : memref<!tpu.dma_semaphore, #tpu.memory_space<semaphore_mem>>
      %dma_start3A = arith.constant 0 : i32
      %dma_start3A_21 = arith.constant 0 : i32
      %dma_start3A_22 = tpu.memref_slice %arg2[%arg1, %dma_start3A, %dma_start3A_21] : memref<16x79x128xi32, #tpu.memory_space<hbm>> -> memref<1x79x128xi32, #tpu.memory_space<hbm>>
      %dma_start3A_23 = tpu.memref_squeeze %dma_start3A_22 : memref<1x79x128xi32, #tpu.memory_space<hbm>> -> memref<79x128xi32, #tpu.memory_space<hbm>>
      %dma_start3A_24 = arith.constant 0 : i32
      %dma_start3A_25 = arith.constant 0 : i32
      %dma_start3A_26 = tpu.memref_slice %arg2[%arg1, %dma_start3A_24, %dma_start3A_25] : memref<16x79x128xi32, #tpu.memory_space<hbm>> -> memref<1x79x128xi32, #tpu.memory_space<hbm>>
      %dma_start3A_27 = tpu.memref_squeeze %dma_start3A_26 : memref<1x79x128xi32, #tpu.memory_space<hbm>> -> memref<79x128xi32, #tpu.memory_space<hbm>>
      tpu.enqueue_dma source(%dma_start3A_27 : memref<79x128xi32, #tpu.memory_space<hbm>>) target(%arg8 : memref<79x128xi32, #tpu.memory_space<vmem>>) target_semaphore(%run_scoped3A : memref<!tpu.dma_semaphore, #tpu.memory_space<semaphore_mem>>)
      %dma_wait3A = arith.constant 0 : i32
      %dma_wait3A_28 = arith.constant 0 : i32
      %dma_wait3A_29 = tpu.memref_slice %arg2[%arg1, %dma_wait3A, %dma_wait3A_28] : memref<16x79x128xi32, #tpu.memory_space<hbm>> -> memref<1x79x128xi32, #tpu.memory_space<hbm>>
      %dma_wait3A_30 = tpu.memref_squeeze %dma_wait3A_29 : memref<1x79x128xi32, #tpu.memory_space<hbm>> -> memref<79x128xi32, #tpu.memory_space<hbm>>
      %dma_wait3A_31 = arith.constant 0 : i32
      %dma_wait3A_32 = arith.constant 0 : i32
      %dma_wait3A_33 = tpu.memref_slice %arg2[%arg1, %dma_wait3A_31, %dma_wait3A_32] : memref<16x79x128xi32, #tpu.memory_space<hbm>> -> memref<1x79x128xi32, #tpu.memory_space<hbm>>
      %dma_wait3A_34 = tpu.memref_squeeze %dma_wait3A_33 : memref<1x79x128xi32, #tpu.memory_space<hbm>> -> memref<79x128xi32, #tpu.memory_space<hbm>>
      tpu.wait_dma2 semaphore(%run_scoped3A : memref<!tpu.dma_semaphore, #tpu.memory_space<semaphore_mem>>) src(%dma_wait3A_34 : memref<79x128xi32, #tpu.memory_space<hbm>>) dst(%arg8 : memref<79x128xi32, #tpu.memory_space<vmem>>)
      tpu.yield
    }) : () -> ()
    "tpu.region"() ({
      %run_scoped3A = tpu.sem_alloc : memref<!tpu.dma_semaphore, #tpu.memory_space<semaphore_mem>>
      %dma_start3A = arith.constant 0 : i32
      %dma_start3A_21 = arith.constant 0 : i32
      %dma_start3A_22 = tpu.memref_slice %arg3[%arg1, %dma_start3A, %dma_start3A_21] : memref<16x79x128xi32, #tpu.memory_space<hbm>> -> memref<1x79x128xi32, #tpu.memory_space<hbm>>
      %dma_start3A_23 = tpu.memref_squeeze %dma_start3A_22 : memref<1x79x128xi32, #tpu.memory_space<hbm>> -> memref<79x128xi32, #tpu.memory_space<hbm>>
      %dma_start3A_24 = arith.constant 0 : i32
      %dma_start3A_25 = arith.constant 0 : i32
      %dma_start3A_26 = tpu.memref_slice %arg3[%arg1, %dma_start3A_24, %dma_start3A_25] : memref<16x79x128xi32, #tpu.memory_space<hbm>> -> memref<1x79x128xi32, #tpu.memory_space<hbm>>
      %dma_start3A_27 = tpu.memref_squeeze %dma_start3A_26 : memref<1x79x128xi32, #tpu.memory_space<hbm>> -> memref<79x128xi32, #tpu.memory_space<hbm>>
      tpu.enqueue_dma source(%dma_start3A_27 : memref<79x128xi32, #tpu.memory_space<hbm>>) target(%arg9 : memref<79x128xi32, #tpu.memory_space<vmem>>) target_semaphore(%run_scoped3A : memref<!tpu.dma_semaphore, #tpu.memory_space<semaphore_mem>>)
      %dma_wait3A = arith.constant 0 : i32
      %dma_wait3A_28 = arith.constant 0 : i32
      %dma_wait3A_29 = tpu.memref_slice %arg3[%arg1, %dma_wait3A, %dma_wait3A_28] : memref<16x79x128xi32, #tpu.memory_space<hbm>> -> memref<1x79x128xi32, #tpu.memory_space<hbm>>
      %dma_wait3A_30 = tpu.memref_squeeze %dma_wait3A_29 : memref<1x79x128xi32, #tpu.memory_space<hbm>> -> memref<79x128xi32, #tpu.memory_space<hbm>>
      %dma_wait3A_31 = arith.constant 0 : i32
      %dma_wait3A_32 = arith.constant 0 : i32
      %dma_wait3A_33 = tpu.memref_slice %arg3[%arg1, %dma_wait3A_31, %dma_wait3A_32] : memref<16x79x128xi32, #tpu.memory_space<hbm>> -> memref<1x79x128xi32, #tpu.memory_space<hbm>>
      %dma_wait3A_34 = tpu.memref_squeeze %dma_wait3A_33 : memref<1x79x128xi32, #tpu.memory_space<hbm>> -> memref<79x128xi32, #tpu.memory_space<hbm>>
      tpu.wait_dma2 semaphore(%run_scoped3A : memref<!tpu.dma_semaphore, #tpu.memory_space<semaphore_mem>>) src(%dma_wait3A_34 : memref<79x128xi32, #tpu.memory_space<hbm>>) dst(%arg9 : memref<79x128xi32, #tpu.memory_space<vmem>>)
      tpu.yield
    }) : () -> ()
    %mul3A = arith.constant 632 : i32
    %mul3A_0 = arith.muli %arg1, %mul3A : i32
    %mul3A_1 = arith.constant 632 : i32
    %mul3A_2 = arith.muli %arg1, %mul3A_1 : i32
    "tpu.region"() ({
      %run_scoped3A = tpu.sem_alloc : memref<!tpu.dma_semaphore, #tpu.memory_space<semaphore_mem>>
      %dma_start3A = arith.constant 0 : i32
      %dma_start3A_21 = tpu.memref_slice %arg11[%mul3A_2, %dma_start3A] : memref<10112x128xf32, #tpu.memory_space<vmem_shared>> -> memref<632x128xf32, #tpu.memory_space<vmem_shared>>
      %dma_start3A_22 = arith.constant 0 : i32
      %dma_start3A_23 = tpu.memref_slice %arg6[%mul3A_0, %dma_start3A_22] : memref<10112x128xf32, #tpu.memory_space<hbm>> -> memref<632x128xf32, #tpu.memory_space<hbm>>
      tpu.enqueue_dma source(%dma_start3A_23 : memref<632x128xf32, #tpu.memory_space<hbm>>) target(%dma_start3A_21 : memref<632x128xf32, #tpu.memory_space<vmem_shared>>) target_semaphore(%run_scoped3A : memref<!tpu.dma_semaphore, #tpu.memory_space<semaphore_mem>>)
      %dma_wait3A = arith.constant 0 : i32
      %dma_wait3A_24 = tpu.memref_slice %arg11[%mul3A_2, %dma_wait3A] : memref<10112x128xf32, #tpu.memory_space<vmem_shared>> -> memref<632x128xf32, #tpu.memory_space<vmem_shared>>
      %dma_wait3A_25 = arith.constant 0 : i32
      %dma_wait3A_26 = tpu.memref_slice %arg6[%mul3A_0, %dma_wait3A_25] : memref<10112x128xf32, #tpu.memory_space<hbm>> -> memref<632x128xf32, #tpu.memory_space<hbm>>
      tpu.wait_dma2 semaphore(%run_scoped3A : memref<!tpu.dma_semaphore, #tpu.memory_space<semaphore_mem>>) src(%dma_wait3A_26 : memref<632x128xf32, #tpu.memory_space<hbm>>) dst(%dma_wait3A_24 : memref<632x128xf32, #tpu.memory_space<vmem_shared>>)
      tpu.yield
    }) : () -> ()
    %barrier3A = arith.constant 0 : index
    tpu.barrier barrier_id(%barrier3A)
    %eq3A = arith.constant 0 : i32
    %eq3A_3 = arith.cmpi eq, %arg0, %eq3A : i32
    %convert_element_type3A = arith.extui %eq3A_3 : i1 to i32
    %cond3A = arith.constant 0 : i32
    %cond3A_4 = arith.cmpi ne, %convert_element_type3A, %cond3A : i32
    scf.if %cond3A_4 {
      %scan3A = arith.constant 0 : i32
      %scan3A_21 = arith.constant 0 : i32
      %scan3A_22 = arith.constant 79 : i32
      %scan3A_23 = arith.addi %scan3A_21, %scan3A_22 : i32
      %scan3A_24 = arith.constant 1 : i32
      scf.for %scan3A_26 = %scan3A_21 to %scan3A_23 step %scan3A_24  : i32 {
        %dma_start3A = arith.constant 0 : i32
        %dma_start3A_27 = tpu.memref_slice %arg8[%scan3A_26, %dma_start3A] : memref<79x128xi32, #tpu.memory_space<vmem>> -> memref<1x128xi32, #tpu.memory_space<vmem>>
        %dma_start3A_28 = tpu.memref_squeeze %dma_start3A_27 : memref<1x128xi32, #tpu.memory_space<vmem>> -> memref<128xi32, #tpu.memory_space<vmem>>
        %dma_start3A_29 = arith.constant 0 : i32
        %dma_start3A_30 = arith.constant 0 : i32
        %dma_start3A_31 = tpu.memref_slice %arg4[%dma_start3A_29, %dma_start3A_30] : memref<40000x128xf32, #tpu.memory_space<hbm>> -> memref<40000x128xf32, #tpu.memory_space<hbm>>
        tpu.enqueue_indirect_dma source(%dma_start3A_31 : memref<40000x128xf32, #tpu.memory_space<hbm>>) target(%arg10 : memref<128x128xf32, #tpu.memory_space<vmem>>) offsets(%dma_start3A_28 : memref<128xi32, #tpu.memory_space<vmem>>) semaphore(%arg12 : memref<!tpu.dma_semaphore, #tpu.memory_space<semaphore_mem>>)
        %dma_wait3A = arith.constant 0 : i32
        %dma_wait3A_32 = tpu.memref_slice %arg8[%scan3A_26, %dma_wait3A] : memref<79x128xi32, #tpu.memory_space<vmem>> -> memref<1x128xi32, #tpu.memory_space<vmem>>
        %dma_wait3A_33 = tpu.memref_squeeze %dma_wait3A_32 : memref<1x128xi32, #tpu.memory_space<vmem>> -> memref<128xi32, #tpu.memory_space<vmem>>
        %dma_wait3A_34 = arith.constant 0 : i32
        %dma_wait3A_35 = arith.constant 0 : i32
        %dma_wait3A_36 = tpu.memref_slice %arg4[%dma_wait3A_34, %dma_wait3A_35] : memref<40000x128xf32, #tpu.memory_space<hbm>> -> memref<40000x128xf32, #tpu.memory_space<hbm>>
        tpu.wait_indirect_dma semaphore(%arg12 : memref<!tpu.dma_semaphore, #tpu.memory_space<semaphore_mem>>) src(%dma_wait3A_36 : memref<40000x128xf32, #tpu.memory_space<hbm>>) dst(%arg10 : memref<128x128xf32, #tpu.memory_space<vmem>>)
        "tpu.region"() ({
          %run_scoped3A = tpu.sem_alloc : memref<!tpu.dma_semaphore, #tpu.memory_space<semaphore_mem>>
          %dma_start3A_37 = arith.constant 0 : i32
          %dma_start3A_38 = tpu.memref_slice %arg9[%scan3A_26, %dma_start3A_37] : memref<79x128xi32, #tpu.memory_space<vmem>> -> memref<1x128xi32, #tpu.memory_space<vmem>>
          %dma_start3A_39 = tpu.memref_squeeze %dma_start3A_38 : memref<1x128xi32, #tpu.memory_space<vmem>> -> memref<128xi32, #tpu.memory_space<vmem>>
          %dma_start3A_40 = arith.constant 0 : i32
          %dma_start3A_41 = arith.constant 0 : i32
          %dma_start3A_42 = tpu.memref_slice %arg11[%dma_start3A_40, %dma_start3A_41] : memref<10112x128xf32, #tpu.memory_space<vmem_shared>> -> memref<10112x128xf32, #tpu.memory_space<vmem_shared>>
          tpu.enqueue_indirect_dma source(%arg10 : memref<128x128xf32, #tpu.memory_space<vmem>>) target(%dma_start3A_42 : memref<10112x128xf32, #tpu.memory_space<vmem_shared>>) offsets(%dma_start3A_39 : memref<128xi32, #tpu.memory_space<vmem>>) semaphore(%run_scoped3A : memref<!tpu.dma_semaphore, #tpu.memory_space<semaphore_mem>>) {add = true}
          %dma_wait3A_43 = arith.constant 0 : i32
          %dma_wait3A_44 = tpu.memref_slice %arg9[%scan3A_26, %dma_wait3A_43] : memref<79x128xi32, #tpu.memory_space<vmem>> -> memref<1x128xi32, #tpu.memory_space<vmem>>
          %dma_wait3A_45 = tpu.memref_squeeze %dma_wait3A_44 : memref<1x128xi32, #tpu.memory_space<vmem>> -> memref<128xi32, #tpu.memory_space<vmem>>
          %dma_wait3A_46 = arith.constant 0 : i32
          %dma_wait3A_47 = arith.constant 0 : i32
          %dma_wait3A_48 = tpu.memref_slice %arg11[%dma_wait3A_46, %dma_wait3A_47] : memref<10112x128xf32, #tpu.memory_space<vmem_shared>> -> memref<10112x128xf32, #tpu.memory_space<vmem_shared>>
          tpu.wait_indirect_dma semaphore(%run_scoped3A : memref<!tpu.dma_semaphore, #tpu.memory_space<semaphore_mem>>) src(%arg10 : memref<128x128xf32, #tpu.memory_space<vmem>>) dst(%dma_wait3A_48 : memref<10112x128xf32, #tpu.memory_space<vmem_shared>>)
          tpu.yield
        }) : () -> ()
      }
      %scan3A_25 = arith.constant 79 : i32
    } else {
    }
    %eq3A_5 = arith.constant 1 : i32
    %eq3A_6 = arith.cmpi eq, %arg0, %eq3A_5 : i32
    %convert_element_type3A_7 = arith.extui %eq3A_6 : i1 to i32
    %cond3A_8 = arith.constant 0 : i32
    %cond3A_9 = arith.cmpi ne, %convert_element_type3A_7, %cond3A_8 : i32
    scf.if %cond3A_9 {
      %scan3A = arith.constant 0 : i32
      %scan3A_21 = arith.constant 0 : i32
      %scan3A_22 = arith.constant 79 : i32
      %scan3A_23 = arith.addi %scan3A_21, %scan3A_22 : i32
      %scan3A_24 = arith.constant 1 : i32
      scf.for %scan3A_26 = %scan3A_21 to %scan3A_23 step %scan3A_24  : i32 {
        %dma_start3A = arith.constant 0 : i32
        %dma_start3A_27 = tpu.memref_slice %arg8[%scan3A_26, %dma_start3A] : memref<79x128xi32, #tpu.memory_space<vmem>> -> memref<1x128xi32, #tpu.memory_space<vmem>>
        %dma_start3A_28 = tpu.memref_squeeze %dma_start3A_27 : memref<1x128xi32, #tpu.memory_space<vmem>> -> memref<128xi32, #tpu.memory_space<vmem>>
        %dma_start3A_29 = arith.constant 0 : i32
        %dma_start3A_30 = arith.constant 0 : i32
        %dma_start3A_31 = tpu.memref_slice %arg5[%dma_start3A_29, %dma_start3A_30] : memref<40000x128xf32, #tpu.memory_space<hbm>> -> memref<40000x128xf32, #tpu.memory_space<hbm>>
        tpu.enqueue_indirect_dma source(%dma_start3A_31 : memref<40000x128xf32, #tpu.memory_space<hbm>>) target(%arg10 : memref<128x128xf32, #tpu.memory_space<vmem>>) offsets(%dma_start3A_28 : memref<128xi32, #tpu.memory_space<vmem>>) semaphore(%arg12 : memref<!tpu.dma_semaphore, #tpu.memory_space<semaphore_mem>>)
        %dma_wait3A = arith.constant 0 : i32
        %dma_wait3A_32 = tpu.memref_slice %arg8[%scan3A_26, %dma_wait3A] : memref<79x128xi32, #tpu.memory_space<vmem>> -> memref<1x128xi32, #tpu.memory_space<vmem>>
        %dma_wait3A_33 = tpu.memref_squeeze %dma_wait3A_32 : memref<1x128xi32, #tpu.memory_space<vmem>> -> memref<128xi32, #tpu.memory_space<vmem>>
        %dma_wait3A_34 = arith.constant 0 : i32
        %dma_wait3A_35 = arith.constant 0 : i32
        %dma_wait3A_36 = tpu.memref_slice %arg5[%dma_wait3A_34, %dma_wait3A_35] : memref<40000x128xf32, #tpu.memory_space<hbm>> -> memref<40000x128xf32, #tpu.memory_space<hbm>>
        tpu.wait_indirect_dma semaphore(%arg12 : memref<!tpu.dma_semaphore, #tpu.memory_space<semaphore_mem>>) src(%dma_wait3A_36 : memref<40000x128xf32, #tpu.memory_space<hbm>>) dst(%arg10 : memref<128x128xf32, #tpu.memory_space<vmem>>)
        "tpu.region"() ({
          %run_scoped3A = tpu.sem_alloc : memref<!tpu.dma_semaphore, #tpu.memory_space<semaphore_mem>>
          %dma_start3A_37 = arith.constant 0 : i32
          %dma_start3A_38 = tpu.memref_slice %arg9[%scan3A_26, %dma_start3A_37] : memref<79x128xi32, #tpu.memory_space<vmem>> -> memref<1x128xi32, #tpu.memory_space<vmem>>
          %dma_start3A_39 = tpu.memref_squeeze %dma_start3A_38 : memref<1x128xi32, #tpu.memory_space<vmem>> -> memref<128xi32, #tpu.memory_space<vmem>>
          %dma_start3A_40 = arith.constant 0 : i32
          %dma_start3A_41 = arith.constant 0 : i32
          %dma_start3A_42 = tpu.memref_slice %arg11[%dma_start3A_40, %dma_start3A_41] : memref<10112x128xf32, #tpu.memory_space<vmem_shared>> -> memref<10112x128xf32, #tpu.memory_space<vmem_shared>>
          tpu.enqueue_indirect_dma source(%arg10 : memref<128x128xf32, #tpu.memory_space<vmem>>) target(%dma_start3A_42 : memref<10112x128xf32, #tpu.memory_space<vmem_shared>>) offsets(%dma_start3A_39 : memref<128xi32, #tpu.memory_space<vmem>>) semaphore(%run_scoped3A : memref<!tpu.dma_semaphore, #tpu.memory_space<semaphore_mem>>) {add = true}
          %dma_wait3A_43 = arith.constant 0 : i32
          %dma_wait3A_44 = tpu.memref_slice %arg9[%scan3A_26, %dma_wait3A_43] : memref<79x128xi32, #tpu.memory_space<vmem>> -> memref<1x128xi32, #tpu.memory_space<vmem>>
          %dma_wait3A_45 = tpu.memref_squeeze %dma_wait3A_44 : memref<1x128xi32, #tpu.memory_space<vmem>> -> memref<128xi32, #tpu.memory_space<vmem>>
          %dma_wait3A_46 = arith.constant 0 : i32
          %dma_wait3A_47 = arith.constant 0 : i32
          %dma_wait3A_48 = tpu.memref_slice %arg11[%dma_wait3A_46, %dma_wait3A_47] : memref<10112x128xf32, #tpu.memory_space<vmem_shared>> -> memref<10112x128xf32, #tpu.memory_space<vmem_shared>>
          tpu.wait_indirect_dma semaphore(%run_scoped3A : memref<!tpu.dma_semaphore, #tpu.memory_space<semaphore_mem>>) src(%arg10 : memref<128x128xf32, #tpu.memory_space<vmem>>) dst(%dma_wait3A_48 : memref<10112x128xf32, #tpu.memory_space<vmem_shared>>)
          tpu.yield
        }) : () -> ()
      }
      %scan3A_25 = arith.constant 79 : i32
    } else {
    }
    %barrier3A_10 = arith.constant 0 : index
    tpu.barrier barrier_id(%barrier3A_10)
    %eq3A_11 = arith.constant 0 : i32
    %eq3A_12 = arith.cmpi eq, %arg0, %eq3A_11 : i32
    %convert_element_type3A_13 = arith.extui %eq3A_12 : i1 to i32
    %cond3A_14 = arith.constant 0 : i32
    %cond3A_15 = arith.cmpi ne, %convert_element_type3A_13, %cond3A_14 : i32
    scf.if %cond3A_15 {
      %mul3A_21 = arith.constant 632 : i32
      %mul3A_22 = arith.muli %arg1, %mul3A_21 : i32
      %mul3A_23 = arith.constant 632 : i32
      %mul3A_24 = arith.muli %arg1, %mul3A_23 : i32
      %run_scoped3A = arith.constant 0 : i32
      "tpu.region"() ({
        %run_scoped3A_25 = tpu.sem_alloc : memref<!tpu.dma_semaphore, #tpu.memory_space<semaphore_mem>>
        %dma_start3A = arith.constant 0 : i32
        %dma_start3A_26 = arith.constant 0 : i32
        %dma_start3A_27 = tpu.memref_slice %arg7[%run_scoped3A, %dma_start3A, %dma_start3A_26] : memref<2x10112x128xf32, #tpu.memory_space<hbm>> -> memref<1x10112x128xf32, #tpu.memory_space<hbm>>
        %dma_start3A_28 = tpu.memref_squeeze %dma_start3A_27 : memref<1x10112x128xf32, #tpu.memory_space<hbm>> -> memref<10112x128xf32, #tpu.memory_space<hbm>>
        %dma_start3A_29 = arith.constant 0 : i32
        %dma_start3A_30 = tpu.memref_slice %dma_start3A_28[%mul3A_24, %dma_start3A_29] : memref<10112x128xf32, #tpu.memory_space<hbm>> -> memref<632x128xf32, #tpu.memory_space<hbm>>
        %dma_start3A_31 = arith.constant 0 : i32
        %dma_start3A_32 = tpu.memref_slice %arg11[%mul3A_22, %dma_start3A_31] : memref<10112x128xf32, #tpu.memory_space<vmem_shared>> -> memref<632x128xf32, #tpu.memory_space<vmem_shared>>
        tpu.enqueue_dma source(%dma_start3A_32 : memref<632x128xf32, #tpu.memory_space<vmem_shared>>) target(%dma_start3A_30 : memref<632x128xf32, #tpu.memory_space<hbm>>) target_semaphore(%run_scoped3A_25 : memref<!tpu.dma_semaphore, #tpu.memory_space<semaphore_mem>>)
        %dma_wait3A = arith.constant 0 : i32
        %dma_wait3A_33 = arith.constant 0 : i32
        %dma_wait3A_34 = tpu.memref_slice %arg7[%run_scoped3A, %dma_wait3A, %dma_wait3A_33] : memref<2x10112x128xf32, #tpu.memory_space<hbm>> -> memref<1x10112x128xf32, #tpu.memory_space<hbm>>
        %dma_wait3A_35 = tpu.memref_squeeze %dma_wait3A_34 : memref<1x10112x128xf32, #tpu.memory_space<hbm>> -> memref<10112x128xf32, #tpu.memory_space<hbm>>
        %dma_wait3A_36 = arith.constant 0 : i32
        %dma_wait3A_37 = tpu.memref_slice %dma_wait3A_35[%mul3A_24, %dma_wait3A_36] : memref<10112x128xf32, #tpu.memory_space<hbm>> -> memref<632x128xf32, #tpu.memory_space<hbm>>
        %dma_wait3A_38 = arith.constant 0 : i32
        %dma_wait3A_39 = tpu.memref_slice %arg11[%mul3A_22, %dma_wait3A_38] : memref<10112x128xf32, #tpu.memory_space<vmem_shared>> -> memref<632x128xf32, #tpu.memory_space<vmem_shared>>
        tpu.wait_dma2 semaphore(%run_scoped3A_25 : memref<!tpu.dma_semaphore, #tpu.memory_space<semaphore_mem>>) src(%dma_wait3A_39 : memref<632x128xf32, #tpu.memory_space<vmem_shared>>) dst(%dma_wait3A_37 : memref<632x128xf32, #tpu.memory_space<hbm>>)
        tpu.yield
      }) : () -> ()
    } else {
    }
    %eq3A_16 = arith.constant 1 : i32
    %eq3A_17 = arith.cmpi eq, %arg0, %eq3A_16 : i32
    %convert_element_type3A_18 = arith.extui %eq3A_17 : i1 to i32
    %cond3A_19 = arith.constant 0 : i32
    %cond3A_20 = arith.cmpi ne, %convert_element_type3A_18, %cond3A_19 : i32
    scf.if %cond3A_20 {
      %mul3A_21 = arith.constant 632 : i32
      %mul3A_22 = arith.muli %arg1, %mul3A_21 : i32
      %mul3A_23 = arith.constant 632 : i32
      %mul3A_24 = arith.muli %arg1, %mul3A_23 : i32
      %run_scoped3A = arith.constant 1 : i32
      "tpu.region"() ({
        %run_scoped3A_25 = tpu.sem_alloc : memref<!tpu.dma_semaphore, #tpu.memory_space<semaphore_mem>>
        %dma_start3A = arith.constant 0 : i32
        %dma_start3A_26 = arith.constant 0 : i32
        %dma_start3A_27 = tpu.memref_slice %arg7[%run_scoped3A, %dma_start3A, %dma_start3A_26] : memref<2x10112x128xf32, #tpu.memory_space<hbm>> -> memref<1x10112x128xf32, #tpu.memory_space<hbm>>
        %dma_start3A_28 = tpu.memref_squeeze %dma_start3A_27 : memref<1x10112x128xf32, #tpu.memory_space<hbm>> -> memref<10112x128xf32, #tpu.memory_space<hbm>>
        %dma_start3A_29 = arith.constant 0 : i32
        %dma_start3A_30 = tpu.memref_slice %dma_start3A_28[%mul3A_24, %dma_start3A_29] : memref<10112x128xf32, #tpu.memory_space<hbm>> -> memref<632x128xf32, #tpu.memory_space<hbm>>
        %dma_start3A_31 = arith.constant 0 : i32
        %dma_start3A_32 = tpu.memref_slice %arg11[%mul3A_22, %dma_start3A_31] : memref<10112x128xf32, #tpu.memory_space<vmem_shared>> -> memref<632x128xf32, #tpu.memory_space<vmem_shared>>
        tpu.enqueue_dma source(%dma_start3A_32 : memref<632x128xf32, #tpu.memory_space<vmem_shared>>) target(%dma_start3A_30 : memref<632x128xf32, #tpu.memory_space<hbm>>) target_semaphore(%run_scoped3A_25 : memref<!tpu.dma_semaphore, #tpu.memory_space<semaphore_mem>>)
        %dma_wait3A = arith.constant 0 : i32
        %dma_wait3A_33 = arith.constant 0 : i32
        %dma_wait3A_34 = tpu.memref_slice %arg7[%run_scoped3A, %dma_wait3A, %dma_wait3A_33] : memref<2x10112x128xf32, #tpu.memory_space<hbm>> -> memref<1x10112x128xf32, #tpu.memory_space<hbm>>
        %dma_wait3A_35 = tpu.memref_squeeze %dma_wait3A_34 : memref<1x10112x128xf32, #tpu.memory_space<hbm>> -> memref<10112x128xf32, #tpu.memory_space<hbm>>
        %dma_wait3A_36 = arith.constant 0 : i32
        %dma_wait3A_37 = tpu.memref_slice %dma_wait3A_35[%mul3A_24, %dma_wait3A_36] : memref<10112x128xf32, #tpu.memory_space<hbm>> -> memref<632x128xf32, #tpu.memory_space<hbm>>
        %dma_wait3A_38 = arith.constant 0 : i32
        %dma_wait3A_39 = tpu.memref_slice %arg11[%mul3A_22, %dma_wait3A_38] : memref<10112x128xf32, #tpu.memory_space<vmem_shared>> -> memref<632x128xf32, #tpu.memory_space<vmem_shared>>
        tpu.wait_dma2 semaphore(%run_scoped3A_25 : memref<!tpu.dma_semaphore, #tpu.memory_space<semaphore_mem>>) src(%dma_wait3A_39 : memref<632x128xf32, #tpu.memory_space<vmem_shared>>) dst(%dma_wait3A_37 : memref<632x128xf32, #tpu.memory_space<hbm>>)
        tpu.yield
      }) : () -> ()
    } else {
    }
    return
  }
}

#map = affine_map<(d0, d1) -> (0, 0, 0)>
#map1 = affine_map<(d0, d1) -> (0, 0)>
module attributes {stable_mosaic.version = 14 : i64} {
  func.func @_sc_body(%arg0: i32, %arg1: i32, %arg2: memref<16x79x128xi32, #tpu.memory_space<hbm>>, %arg3: memref<16x79x128xi32, #tpu.memory_space<hbm>>, %arg4: memref<40000x128xf32, #tpu.memory_space<hbm>>, %arg5: memref<40000x128xf32, #tpu.memory_space<hbm>>, %arg6: memref<10112x128xf32, #tpu.memory_space<hbm>>, %arg7: memref<2x10112x128xf32, #tpu.memory_space<hbm>>, %arg8: memref<79x128xi32, #tpu.memory_space<vmem>>, %arg9: memref<79x128xi32, #tpu.memory_space<vmem>>, %arg10: memref<128x128xf32, #tpu.memory_space<vmem>>, %arg11: memref<10112x128xf32, #tpu.memory_space<vmem_shared>>, %arg12: memref<!tpu.dma_semaphore, #tpu.memory_space<semaphore_mem>>) attributes {dimension_semantics = [#tpu.dimension_semantics<core_parallel>, #tpu.dimension_semantics<subcore_parallel>], iteration_bounds = array<i64: 2, 16>, scalar_prefetch = 0 : i64, scratch_operands = 5 : i64, tpu.core_type = #tpu.core_type<sc_vector_subcore>, window_params = [{transform_indices = #map}, {transform_indices = #map}, {transform_indices = #map1}, {transform_indices = #map1}, {transform_indices = #map1}, {transform_indices = #map}]} {
    "tpu.region"() ({
      %run_scoped3A = tpu.sem_alloc : memref<!tpu.dma_semaphore, #tpu.memory_space<semaphore_mem>>
      %dma_start3A = arith.constant 0 : i32
      %dma_start3A_21 = arith.constant 0 : i32
      %dma_start3A_22 = tpu.memref_slice %arg2[%arg1, %dma_start3A, %dma_start3A_21] : memref<16x79x128xi32, #tpu.memory_space<hbm>> -> memref<1x79x128xi32, #tpu.memory_space<hbm>>
      %dma_start3A_23 = tpu.memref_squeeze %dma_start3A_22 : memref<1x79x128xi32, #tpu.memory_space<hbm>> -> memref<79x128xi32, #tpu.memory_space<hbm>>
      %dma_start3A_24 = arith.constant 0 : i32
      %dma_start3A_25 = arith.constant 0 : i32
      %dma_start3A_26 = tpu.memref_slice %arg2[%arg1, %dma_start3A_24, %dma_start3A_25] : memref<16x79x128xi32, #tpu.memory_space<hbm>> -> memref<1x79x128xi32, #tpu.memory_space<hbm>>
      %dma_start3A_27 = tpu.memref_squeeze %dma_start3A_26 : memref<1x79x128xi32, #tpu.memory_space<hbm>> -> memref<79x128xi32, #tpu.memory_space<hbm>>
      tpu.enqueue_dma source(%dma_start3A_27 : memref<79x128xi32, #tpu.memory_space<hbm>>) target(%arg8 : memref<79x128xi32, #tpu.memory_space<vmem>>) target_semaphore(%run_scoped3A : memref<!tpu.dma_semaphore, #tpu.memory_space<semaphore_mem>>)
      %dma_wait3A = arith.constant 0 : i32
      %dma_wait3A_28 = arith.constant 0 : i32
      %dma_wait3A_29 = tpu.memref_slice %arg2[%arg1, %dma_wait3A, %dma_wait3A_28] : memref<16x79x128xi32, #tpu.memory_space<hbm>> -> memref<1x79x128xi32, #tpu.memory_space<hbm>>
      %dma_wait3A_30 = tpu.memref_squeeze %dma_wait3A_29 : memref<1x79x128xi32, #tpu.memory_space<hbm>> -> memref<79x128xi32, #tpu.memory_space<hbm>>
      %dma_wait3A_31 = arith.constant 0 : i32
      %dma_wait3A_32 = arith.constant 0 : i32
      %dma_wait3A_33 = tpu.memref_slice %arg2[%arg1, %dma_wait3A_31, %dma_wait3A_32] : memref<16x79x128xi32, #tpu.memory_space<hbm>> -> memref<1x79x128xi32, #tpu.memory_space<hbm>>
      %dma_wait3A_34 = tpu.memref_squeeze %dma_wait3A_33 : memref<1x79x128xi32, #tpu.memory_space<hbm>> -> memref<79x128xi32, #tpu.memory_space<hbm>>
      tpu.wait_dma2 semaphore(%run_scoped3A : memref<!tpu.dma_semaphore, #tpu.memory_space<semaphore_mem>>) src(%dma_wait3A_34 : memref<79x128xi32, #tpu.memory_space<hbm>>) dst(%arg8 : memref<79x128xi32, #tpu.memory_space<vmem>>)
      tpu.yield
    }) : () -> ()
    "tpu.region"() ({
      %run_scoped3A = tpu.sem_alloc : memref<!tpu.dma_semaphore, #tpu.memory_space<semaphore_mem>>
      %dma_start3A = arith.constant 0 : i32
      %dma_start3A_21 = arith.constant 0 : i32
      %dma_start3A_22 = tpu.memref_slice %arg3[%arg1, %dma_start3A, %dma_start3A_21] : memref<16x79x128xi32, #tpu.memory_space<hbm>> -> memref<1x79x128xi32, #tpu.memory_space<hbm>>
      %dma_start3A_23 = tpu.memref_squeeze %dma_start3A_22 : memref<1x79x128xi32, #tpu.memory_space<hbm>> -> memref<79x128xi32, #tpu.memory_space<hbm>>
      %dma_start3A_24 = arith.constant 0 : i32
      %dma_start3A_25 = arith.constant 0 : i32
      %dma_start3A_26 = tpu.memref_slice %arg3[%arg1, %dma_start3A_24, %dma_start3A_25] : memref<16x79x128xi32, #tpu.memory_space<hbm>> -> memref<1x79x128xi32, #tpu.memory_space<hbm>>
      %dma_start3A_27 = tpu.memref_squeeze %dma_start3A_26 : memref<1x79x128xi32, #tpu.memory_space<hbm>> -> memref<79x128xi32, #tpu.memory_space<hbm>>
      tpu.enqueue_dma source(%dma_start3A_27 : memref<79x128xi32, #tpu.memory_space<hbm>>) target(%arg9 : memref<79x128xi32, #tpu.memory_space<vmem>>) target_semaphore(%run_scoped3A : memref<!tpu.dma_semaphore, #tpu.memory_space<semaphore_mem>>)
      %dma_wait3A = arith.constant 0 : i32
      %dma_wait3A_28 = arith.constant 0 : i32
      %dma_wait3A_29 = tpu.memref_slice %arg3[%arg1, %dma_wait3A, %dma_wait3A_28] : memref<16x79x128xi32, #tpu.memory_space<hbm>> -> memref<1x79x128xi32, #tpu.memory_space<hbm>>
      %dma_wait3A_30 = tpu.memref_squeeze %dma_wait3A_29 : memref<1x79x128xi32, #tpu.memory_space<hbm>> -> memref<79x128xi32, #tpu.memory_space<hbm>>
      %dma_wait3A_31 = arith.constant 0 : i32
      %dma_wait3A_32 = arith.constant 0 : i32
      %dma_wait3A_33 = tpu.memref_slice %arg3[%arg1, %dma_wait3A_31, %dma_wait3A_32] : memref<16x79x128xi32, #tpu.memory_space<hbm>> -> memref<1x79x128xi32, #tpu.memory_space<hbm>>
      %dma_wait3A_34 = tpu.memref_squeeze %dma_wait3A_33 : memref<1x79x128xi32, #tpu.memory_space<hbm>> -> memref<79x128xi32, #tpu.memory_space<hbm>>
      tpu.wait_dma2 semaphore(%run_scoped3A : memref<!tpu.dma_semaphore, #tpu.memory_space<semaphore_mem>>) src(%dma_wait3A_34 : memref<79x128xi32, #tpu.memory_space<hbm>>) dst(%arg9 : memref<79x128xi32, #tpu.memory_space<vmem>>)
      tpu.yield
    }) : () -> ()
    %mul3A = arith.constant 632 : i32
    %mul3A_0 = arith.muli %arg1, %mul3A : i32
    %mul3A_1 = arith.constant 632 : i32
    %mul3A_2 = arith.muli %arg1, %mul3A_1 : i32
    "tpu.region"() ({
      %run_scoped3A = tpu.sem_alloc : memref<!tpu.dma_semaphore, #tpu.memory_space<semaphore_mem>>
      %dma_start3A = arith.constant 0 : i32
      %dma_start3A_21 = tpu.memref_slice %arg11[%mul3A_2, %dma_start3A] : memref<10112x128xf32, #tpu.memory_space<vmem_shared>> -> memref<632x128xf32, #tpu.memory_space<vmem_shared>>
      %dma_start3A_22 = arith.constant 0 : i32
      %dma_start3A_23 = tpu.memref_slice %arg6[%mul3A_0, %dma_start3A_22] : memref<10112x128xf32, #tpu.memory_space<hbm>> -> memref<632x128xf32, #tpu.memory_space<hbm>>
      tpu.enqueue_dma source(%dma_start3A_23 : memref<632x128xf32, #tpu.memory_space<hbm>>) target(%dma_start3A_21 : memref<632x128xf32, #tpu.memory_space<vmem_shared>>) target_semaphore(%run_scoped3A : memref<!tpu.dma_semaphore, #tpu.memory_space<semaphore_mem>>)
      %dma_wait3A = arith.constant 0 : i32
      %dma_wait3A_24 = tpu.memref_slice %arg11[%mul3A_2, %dma_wait3A] : memref<10112x128xf32, #tpu.memory_space<vmem_shared>> -> memref<632x128xf32, #tpu.memory_space<vmem_shared>>
      %dma_wait3A_25 = arith.constant 0 : i32
      %dma_wait3A_26 = tpu.memref_slice %arg6[%mul3A_0, %dma_wait3A_25] : memref<10112x128xf32, #tpu.memory_space<hbm>> -> memref<632x128xf32, #tpu.memory_space<hbm>>
      tpu.wait_dma2 semaphore(%run_scoped3A : memref<!tpu.dma_semaphore, #tpu.memory_space<semaphore_mem>>) src(%dma_wait3A_26 : memref<632x128xf32, #tpu.memory_space<hbm>>) dst(%dma_wait3A_24 : memref<632x128xf32, #tpu.memory_space<vmem_shared>>)
      tpu.yield
    }) : () -> ()
    %barrier3A = arith.constant 0 : index
    tpu.barrier barrier_id(%barrier3A)
    %eq3A = arith.constant 0 : i32
    %eq3A_3 = arith.cmpi eq, %arg0, %eq3A : i32
    %convert_element_type3A = arith.extui %eq3A_3 : i1 to i32
    %cond3A = arith.constant 0 : i32
    %cond3A_4 = arith.cmpi ne, %convert_element_type3A, %cond3A : i32
    scf.if %cond3A_4 {
      %scan3A = arith.constant 0 : i32
      %scan3A_21 = arith.constant 0 : i32
      %scan3A_22 = arith.constant 79 : i32
      %scan3A_23 = arith.addi %scan3A_21, %scan3A_22 : i32
      %scan3A_24 = arith.constant 1 : i32
      scf.for %scan3A_26 = %scan3A_21 to %scan3A_23 step %scan3A_24  : i32 {
        %dma_start3A = arith.constant 0 : i32
        %dma_start3A_27 = tpu.memref_slice %arg8[%scan3A_26, %dma_start3A] : memref<79x128xi32, #tpu.memory_space<vmem>> -> memref<1x128xi32, #tpu.memory_space<vmem>>
        %dma_start3A_28 = tpu.memref_squeeze %dma_start3A_27 : memref<1x128xi32, #tpu.memory_space<vmem>> -> memref<128xi32, #tpu.memory_space<vmem>>
        %dma_start3A_29 = arith.constant 0 : i32
        %dma_start3A_30 = arith.constant 0 : i32
        %dma_start3A_31 = tpu.memref_slice %arg4[%dma_start3A_29, %dma_start3A_30] : memref<40000x128xf32, #tpu.memory_space<hbm>> -> memref<40000x128xf32, #tpu.memory_space<hbm>>
        tpu.enqueue_indirect_dma source(%dma_start3A_31 : memref<40000x128xf32, #tpu.memory_space<hbm>>) target(%arg10 : memref<128x128xf32, #tpu.memory_space<vmem>>) offsets(%dma_start3A_28 : memref<128xi32, #tpu.memory_space<vmem>>) semaphore(%arg12 : memref<!tpu.dma_semaphore, #tpu.memory_space<semaphore_mem>>)
        %dma_wait3A = arith.constant 0 : i32
        %dma_wait3A_32 = tpu.memref_slice %arg8[%scan3A_26, %dma_wait3A] : memref<79x128xi32, #tpu.memory_space<vmem>> -> memref<1x128xi32, #tpu.memory_space<vmem>>
        %dma_wait3A_33 = tpu.memref_squeeze %dma_wait3A_32 : memref<1x128xi32, #tpu.memory_space<vmem>> -> memref<128xi32, #tpu.memory_space<vmem>>
        %dma_wait3A_34 = arith.constant 0 : i32
        %dma_wait3A_35 = arith.constant 0 : i32
        %dma_wait3A_36 = tpu.memref_slice %arg4[%dma_wait3A_34, %dma_wait3A_35] : memref<40000x128xf32, #tpu.memory_space<hbm>> -> memref<40000x128xf32, #tpu.memory_space<hbm>>
        tpu.wait_indirect_dma semaphore(%arg12 : memref<!tpu.dma_semaphore, #tpu.memory_space<semaphore_mem>>) src(%dma_wait3A_36 : memref<40000x128xf32, #tpu.memory_space<hbm>>) dst(%arg10 : memref<128x128xf32, #tpu.memory_space<vmem>>)
        "tpu.region"() ({
          %run_scoped3A = tpu.sem_alloc : memref<!tpu.dma_semaphore, #tpu.memory_space<semaphore_mem>>
          %dma_start3A_37 = arith.constant 0 : i32
          %dma_start3A_38 = tpu.memref_slice %arg9[%scan3A_26, %dma_start3A_37] : memref<79x128xi32, #tpu.memory_space<vmem>> -> memref<1x128xi32, #tpu.memory_space<vmem>>
          %dma_start3A_39 = tpu.memref_squeeze %dma_start3A_38 : memref<1x128xi32, #tpu.memory_space<vmem>> -> memref<128xi32, #tpu.memory_space<vmem>>
          %dma_start3A_40 = arith.constant 0 : i32
          %dma_start3A_41 = arith.constant 0 : i32
          %dma_start3A_42 = tpu.memref_slice %arg11[%dma_start3A_40, %dma_start3A_41] : memref<10112x128xf32, #tpu.memory_space<vmem_shared>> -> memref<10112x128xf32, #tpu.memory_space<vmem_shared>>
          tpu.enqueue_indirect_dma source(%arg10 : memref<128x128xf32, #tpu.memory_space<vmem>>) target(%dma_start3A_42 : memref<10112x128xf32, #tpu.memory_space<vmem_shared>>) offsets(%dma_start3A_39 : memref<128xi32, #tpu.memory_space<vmem>>) semaphore(%run_scoped3A : memref<!tpu.dma_semaphore, #tpu.memory_space<semaphore_mem>>) {add = true}
          %dma_wait3A_43 = arith.constant 0 : i32
          %dma_wait3A_44 = tpu.memref_slice %arg9[%scan3A_26, %dma_wait3A_43] : memref<79x128xi32, #tpu.memory_space<vmem>> -> memref<1x128xi32, #tpu.memory_space<vmem>>
          %dma_wait3A_45 = tpu.memref_squeeze %dma_wait3A_44 : memref<1x128xi32, #tpu.memory_space<vmem>> -> memref<128xi32, #tpu.memory_space<vmem>>
          %dma_wait3A_46 = arith.constant 0 : i32
          %dma_wait3A_47 = arith.constant 0 : i32
          %dma_wait3A_48 = tpu.memref_slice %arg11[%dma_wait3A_46, %dma_wait3A_47] : memref<10112x128xf32, #tpu.memory_space<vmem_shared>> -> memref<10112x128xf32, #tpu.memory_space<vmem_shared>>
          tpu.wait_indirect_dma semaphore(%run_scoped3A : memref<!tpu.dma_semaphore, #tpu.memory_space<semaphore_mem>>) src(%arg10 : memref<128x128xf32, #tpu.memory_space<vmem>>) dst(%dma_wait3A_48 : memref<10112x128xf32, #tpu.memory_space<vmem_shared>>)
          tpu.yield
        }) : () -> ()
      }
      %scan3A_25 = arith.constant 79 : i32
    } else {
    }
    %eq3A_5 = arith.constant 1 : i32
    %eq3A_6 = arith.cmpi eq, %arg0, %eq3A_5 : i32
    %convert_element_type3A_7 = arith.extui %eq3A_6 : i1 to i32
    %cond3A_8 = arith.constant 0 : i32
    %cond3A_9 = arith.cmpi ne, %convert_element_type3A_7, %cond3A_8 : i32
    scf.if %cond3A_9 {
      %scan3A = arith.constant 0 : i32
      %scan3A_21 = arith.constant 0 : i32
      %scan3A_22 = arith.constant 79 : i32
      %scan3A_23 = arith.addi %scan3A_21, %scan3A_22 : i32
      %scan3A_24 = arith.constant 1 : i32
      scf.for %scan3A_26 = %scan3A_21 to %scan3A_23 step %scan3A_24  : i32 {
        %dma_start3A = arith.constant 0 : i32
        %dma_start3A_27 = tpu.memref_slice %arg8[%scan3A_26, %dma_start3A] : memref<79x128xi32, #tpu.memory_space<vmem>> -> memref<1x128xi32, #tpu.memory_space<vmem>>
        %dma_start3A_28 = tpu.memref_squeeze %dma_start3A_27 : memref<1x128xi32, #tpu.memory_space<vmem>> -> memref<128xi32, #tpu.memory_space<vmem>>
        %dma_start3A_29 = arith.constant 0 : i32
        %dma_start3A_30 = arith.constant 0 : i32
        %dma_start3A_31 = tpu.memref_slice %arg5[%dma_start3A_29, %dma_start3A_30] : memref<40000x128xf32, #tpu.memory_space<hbm>> -> memref<40000x128xf32, #tpu.memory_space<hbm>>
        tpu.enqueue_indirect_dma source(%dma_start3A_31 : memref<40000x128xf32, #tpu.memory_space<hbm>>) target(%arg10 : memref<128x128xf32, #tpu.memory_space<vmem>>) offsets(%dma_start3A_28 : memref<128xi32, #tpu.memory_space<vmem>>) semaphore(%arg12 : memref<!tpu.dma_semaphore, #tpu.memory_space<semaphore_mem>>)
        %dma_wait3A = arith.constant 0 : i32
        %dma_wait3A_32 = tpu.memref_slice %arg8[%scan3A_26, %dma_wait3A] : memref<79x128xi32, #tpu.memory_space<vmem>> -> memref<1x128xi32, #tpu.memory_space<vmem>>
        %dma_wait3A_33 = tpu.memref_squeeze %dma_wait3A_32 : memref<1x128xi32, #tpu.memory_space<vmem>> -> memref<128xi32, #tpu.memory_space<vmem>>
        %dma_wait3A_34 = arith.constant 0 : i32
        %dma_wait3A_35 = arith.constant 0 : i32
        %dma_wait3A_36 = tpu.memref_slice %arg5[%dma_wait3A_34, %dma_wait3A_35] : memref<40000x128xf32, #tpu.memory_space<hbm>> -> memref<40000x128xf32, #tpu.memory_space<hbm>>
        tpu.wait_indirect_dma semaphore(%arg12 : memref<!tpu.dma_semaphore, #tpu.memory_space<semaphore_mem>>) src(%dma_wait3A_36 : memref<40000x128xf32, #tpu.memory_space<hbm>>) dst(%arg10 : memref<128x128xf32, #tpu.memory_space<vmem>>)
        "tpu.region"() ({
          %run_scoped3A = tpu.sem_alloc : memref<!tpu.dma_semaphore, #tpu.memory_space<semaphore_mem>>
          %dma_start3A_37 = arith.constant 0 : i32
          %dma_start3A_38 = tpu.memref_slice %arg9[%scan3A_26, %dma_start3A_37] : memref<79x128xi32, #tpu.memory_space<vmem>> -> memref<1x128xi32, #tpu.memory_space<vmem>>
          %dma_start3A_39 = tpu.memref_squeeze %dma_start3A_38 : memref<1x128xi32, #tpu.memory_space<vmem>> -> memref<128xi32, #tpu.memory_space<vmem>>
          %dma_start3A_40 = arith.constant 0 : i32
          %dma_start3A_41 = arith.constant 0 : i32
          %dma_start3A_42 = tpu.memref_slice %arg11[%dma_start3A_40, %dma_start3A_41] : memref<10112x128xf32, #tpu.memory_space<vmem_shared>> -> memref<10112x128xf32, #tpu.memory_space<vmem_shared>>
          tpu.enqueue_indirect_dma source(%arg10 : memref<128x128xf32, #tpu.memory_space<vmem>>) target(%dma_start3A_42 : memref<10112x128xf32, #tpu.memory_space<vmem_shared>>) offsets(%dma_start3A_39 : memref<128xi32, #tpu.memory_space<vmem>>) semaphore(%run_scoped3A : memref<!tpu.dma_semaphore, #tpu.memory_space<semaphore_mem>>) {add = true}
          %dma_wait3A_43 = arith.constant 0 : i32
          %dma_wait3A_44 = tpu.memref_slice %arg9[%scan3A_26, %dma_wait3A_43] : memref<79x128xi32, #tpu.memory_space<vmem>> -> memref<1x128xi32, #tpu.memory_space<vmem>>
          %dma_wait3A_45 = tpu.memref_squeeze %dma_wait3A_44 : memref<1x128xi32, #tpu.memory_space<vmem>> -> memref<128xi32, #tpu.memory_space<vmem>>
          %dma_wait3A_46 = arith.constant 0 : i32
          %dma_wait3A_47 = arith.constant 0 : i32
          %dma_wait3A_48 = tpu.memref_slice %arg11[%dma_wait3A_46, %dma_wait3A_47] : memref<10112x128xf32, #tpu.memory_space<vmem_shared>> -> memref<10112x128xf32, #tpu.memory_space<vmem_shared>>
          tpu.wait_indirect_dma semaphore(%run_scoped3A : memref<!tpu.dma_semaphore, #tpu.memory_space<semaphore_mem>>) src(%arg10 : memref<128x128xf32, #tpu.memory_space<vmem>>) dst(%dma_wait3A_48 : memref<10112x128xf32, #tpu.memory_space<vmem_shared>>)
          tpu.yield
        }) : () -> ()
      }
      %scan3A_25 = arith.constant 79 : i32
    } else {
    }
    %barrier3A_10 = arith.constant 0 : index
    tpu.barrier barrier_id(%barrier3A_10)
    %eq3A_11 = arith.constant 0 : i32
    %eq3A_12 = arith.cmpi eq, %arg0, %eq3A_11 : i32
    %convert_element_type3A_13 = arith.extui %eq3A_12 : i1 to i32
    %cond3A_14 = arith.constant 0 : i32
    %cond3A_15 = arith.cmpi ne, %convert_element_type3A_13, %cond3A_14 : i32
    scf.if %cond3A_15 {
      %mul3A_21 = arith.constant 632 : i32
      %mul3A_22 = arith.muli %arg1, %mul3A_21 : i32
      %mul3A_23 = arith.constant 632 : i32
      %mul3A_24 = arith.muli %arg1, %mul3A_23 : i32
      %run_scoped3A = arith.constant 0 : i32
      "tpu.region"() ({
        %run_scoped3A_25 = tpu.sem_alloc : memref<!tpu.dma_semaphore, #tpu.memory_space<semaphore_mem>>
        %dma_start3A = arith.constant 0 : i32
        %dma_start3A_26 = arith.constant 0 : i32
        %dma_start3A_27 = tpu.memref_slice %arg7[%run_scoped3A, %dma_start3A, %dma_start3A_26] : memref<2x10112x128xf32, #tpu.memory_space<hbm>> -> memref<1x10112x128xf32, #tpu.memory_space<hbm>>
        %dma_start3A_28 = tpu.memref_squeeze %dma_start3A_27 : memref<1x10112x128xf32, #tpu.memory_space<hbm>> -> memref<10112x128xf32, #tpu.memory_space<hbm>>
        %dma_start3A_29 = arith.constant 0 : i32
        %dma_start3A_30 = tpu.memref_slice %dma_start3A_28[%mul3A_24, %dma_start3A_29] : memref<10112x128xf32, #tpu.memory_space<hbm>> -> memref<632x128xf32, #tpu.memory_space<hbm>>
        %dma_start3A_31 = arith.constant 0 : i32
        %dma_start3A_32 = tpu.memref_slice %arg11[%mul3A_22, %dma_start3A_31] : memref<10112x128xf32, #tpu.memory_space<vmem_shared>> -> memref<632x128xf32, #tpu.memory_space<vmem_shared>>
        tpu.enqueue_dma source(%dma_start3A_32 : memref<632x128xf32, #tpu.memory_space<vmem_shared>>) target(%dma_start3A_30 : memref<632x128xf32, #tpu.memory_space<hbm>>) target_semaphore(%run_scoped3A_25 : memref<!tpu.dma_semaphore, #tpu.memory_space<semaphore_mem>>)
        %dma_wait3A = arith.constant 0 : i32
        %dma_wait3A_33 = arith.constant 0 : i32
        %dma_wait3A_34 = tpu.memref_slice %arg7[%run_scoped3A, %dma_wait3A, %dma_wait3A_33] : memref<2x10112x128xf32, #tpu.memory_space<hbm>> -> memref<1x10112x128xf32, #tpu.memory_space<hbm>>
        %dma_wait3A_35 = tpu.memref_squeeze %dma_wait3A_34 : memref<1x10112x128xf32, #tpu.memory_space<hbm>> -> memref<10112x128xf32, #tpu.memory_space<hbm>>
        %dma_wait3A_36 = arith.constant 0 : i32
        %dma_wait3A_37 = tpu.memref_slice %dma_wait3A_35[%mul3A_24, %dma_wait3A_36] : memref<10112x128xf32, #tpu.memory_space<hbm>> -> memref<632x128xf32, #tpu.memory_space<hbm>>
        %dma_wait3A_38 = arith.constant 0 : i32
        %dma_wait3A_39 = tpu.memref_slice %arg11[%mul3A_22, %dma_wait3A_38] : memref<10112x128xf32, #tpu.memory_space<vmem_shared>> -> memref<632x128xf32, #tpu.memory_space<vmem_shared>>
        tpu.wait_dma2 semaphore(%run_scoped3A_25 : memref<!tpu.dma_semaphore, #tpu.memory_space<semaphore_mem>>) src(%dma_wait3A_39 : memref<632x128xf32, #tpu.memory_space<vmem_shared>>) dst(%dma_wait3A_37 : memref<632x128xf32, #tpu.memory_space<hbm>>)
        tpu.yield
      }) : () -> ()
    } else {
    }
    %eq3A_16 = arith.constant 1 : i32
    %eq3A_17 = arith.cmpi eq, %arg0, %eq3A_16 : i32
    %convert_element_type3A_18 = arith.extui %eq3A_17 : i1 to i32
    %cond3A_19 = arith.constant 0 : i32
    %cond3A_20 = arith.cmpi ne, %convert_element_type3A_18, %cond3A_19 : i32
    scf.if %cond3A_20 {
      %mul3A_21 = arith.constant 632 : i32
      %mul3A_22 = arith.muli %arg1, %mul3A_21 : i32
      %mul3A_23 = arith.constant 632 : i32
      %mul3A_24 = arith.muli %arg1, %mul3A_23 : i32
      %run_scoped3A = arith.constant 1 : i32
      "tpu.region"() ({
        %run_scoped3A_25 = tpu.sem_alloc : memref<!tpu.dma_semaphore, #tpu.memory_space<semaphore_mem>>
        %dma_start3A = arith.constant 0 : i32
        %dma_start3A_26 = arith.constant 0 : i32
        %dma_start3A_27 = tpu.memref_slice %arg7[%run_scoped3A, %dma_start3A, %dma_start3A_26] : memref<2x10112x128xf32, #tpu.memory_space<hbm>> -> memref<1x10112x128xf32, #tpu.memory_space<hbm>>
        %dma_start3A_28 = tpu.memref_squeeze %dma_start3A_27 : memref<1x10112x128xf32, #tpu.memory_space<hbm>> -> memref<10112x128xf32, #tpu.memory_space<hbm>>
        %dma_start3A_29 = arith.constant 0 : i32
        %dma_start3A_30 = tpu.memref_slice %dma_start3A_28[%mul3A_24, %dma_start3A_29] : memref<10112x128xf32, #tpu.memory_space<hbm>> -> memref<632x128xf32, #tpu.memory_space<hbm>>
        %dma_start3A_31 = arith.constant 0 : i32
        %dma_start3A_32 = tpu.memref_slice %arg11[%mul3A_22, %dma_start3A_31] : memref<10112x128xf32, #tpu.memory_space<vmem_shared>> -> memref<632x128xf32, #tpu.memory_space<vmem_shared>>
        tpu.enqueue_dma source(%dma_start3A_32 : memref<632x128xf32, #tpu.memory_space<vmem_shared>>) target(%dma_start3A_30 : memref<632x128xf32, #tpu.memory_space<hbm>>) target_semaphore(%run_scoped3A_25 : memref<!tpu.dma_semaphore, #tpu.memory_space<semaphore_mem>>)
        %dma_wait3A = arith.constant 0 : i32
        %dma_wait3A_33 = arith.constant 0 : i32
        %dma_wait3A_34 = tpu.memref_slice %arg7[%run_scoped3A, %dma_wait3A, %dma_wait3A_33] : memref<2x10112x128xf32, #tpu.memory_space<hbm>> -> memref<1x10112x128xf32, #tpu.memory_space<hbm>>
        %dma_wait3A_35 = tpu.memref_squeeze %dma_wait3A_34 : memref<1x10112x128xf32, #tpu.memory_space<hbm>> -> memref<10112x128xf32, #tpu.memory_space<hbm>>
        %dma_wait3A_36 = arith.constant 0 : i32
        %dma_wait3A_37 = tpu.memref_slice %dma_wait3A_35[%mul3A_24, %dma_wait3A_36] : memref<10112x128xf32, #tpu.memory_space<hbm>> -> memref<632x128xf32, #tpu.memory_space<hbm>>
        %dma_wait3A_38 = arith.constant 0 : i32
        %dma_wait3A_39 = tpu.memref_slice %arg11[%mul3A_22, %dma_wait3A_38] : memref<10112x128xf32, #tpu.memory_space<vmem_shared>> -> memref<632x128xf32, #tpu.memory_space<vmem_shared>>
        tpu.wait_dma2 semaphore(%run_scoped3A_25 : memref<!tpu.dma_semaphore, #tpu.memory_space<semaphore_mem>>) src(%dma_wait3A_39 : memref<632x128xf32, #tpu.memory_space<vmem_shared>>) dst(%dma_wait3A_37 : memref<632x128xf32, #tpu.memory_space<hbm>>)
        tpu.yield
      }) : () -> ()
    } else {
    }
    return
  }
}

#map = affine_map<(d0, d1) -> (0, 0, 0)>
#map1 = affine_map<(d0, d1) -> (0, 0)>
module attributes {stable_mosaic.version = 14 : i64} {
  func.func @_sc_body(%arg0: i32, %arg1: i32, %arg2: memref<16x79x128xi32, #tpu.memory_space<hbm>>, %arg3: memref<16x79x128xi32, #tpu.memory_space<hbm>>, %arg4: memref<40000x128xf32, #tpu.memory_space<hbm>>, %arg5: memref<40000x128xf32, #tpu.memory_space<hbm>>, %arg6: memref<10112x128xf32, #tpu.memory_space<hbm>>, %arg7: memref<2x10112x128xf32, #tpu.memory_space<hbm>>, %arg8: memref<79x128xi32, #tpu.memory_space<vmem>>, %arg9: memref<79x128xi32, #tpu.memory_space<vmem>>, %arg10: memref<128x128xf32, #tpu.memory_space<vmem>>, %arg11: memref<10112x128xf32, #tpu.memory_space<vmem_shared>>, %arg12: memref<!tpu.dma_semaphore, #tpu.memory_space<semaphore_mem>>) attributes {dimension_semantics = [#tpu.dimension_semantics<core_parallel>, #tpu.dimension_semantics<subcore_parallel>], iteration_bounds = array<i64: 2, 16>, scalar_prefetch = 0 : i64, scratch_operands = 5 : i64, tpu.core_type = #tpu.core_type<sc_vector_subcore>, window_params = [{transform_indices = #map}, {transform_indices = #map}, {transform_indices = #map1}, {transform_indices = #map1}, {transform_indices = #map1}, {transform_indices = #map}]} {
    "tpu.region"() ({
      %run_scoped3A = tpu.sem_alloc : memref<!tpu.dma_semaphore, #tpu.memory_space<semaphore_mem>>
      %dma_start3A = arith.constant 0 : i32
      %dma_start3A_21 = arith.constant 0 : i32
      %dma_start3A_22 = tpu.memref_slice %arg2[%arg1, %dma_start3A, %dma_start3A_21] : memref<16x79x128xi32, #tpu.memory_space<hbm>> -> memref<1x79x128xi32, #tpu.memory_space<hbm>>
      %dma_start3A_23 = tpu.memref_squeeze %dma_start3A_22 : memref<1x79x128xi32, #tpu.memory_space<hbm>> -> memref<79x128xi32, #tpu.memory_space<hbm>>
      %dma_start3A_24 = arith.constant 0 : i32
      %dma_start3A_25 = arith.constant 0 : i32
      %dma_start3A_26 = tpu.memref_slice %arg2[%arg1, %dma_start3A_24, %dma_start3A_25] : memref<16x79x128xi32, #tpu.memory_space<hbm>> -> memref<1x79x128xi32, #tpu.memory_space<hbm>>
      %dma_start3A_27 = tpu.memref_squeeze %dma_start3A_26 : memref<1x79x128xi32, #tpu.memory_space<hbm>> -> memref<79x128xi32, #tpu.memory_space<hbm>>
      tpu.enqueue_dma source(%dma_start3A_27 : memref<79x128xi32, #tpu.memory_space<hbm>>) target(%arg8 : memref<79x128xi32, #tpu.memory_space<vmem>>) target_semaphore(%run_scoped3A : memref<!tpu.dma_semaphore, #tpu.memory_space<semaphore_mem>>)
      %dma_wait3A = arith.constant 0 : i32
      %dma_wait3A_28 = arith.constant 0 : i32
      %dma_wait3A_29 = tpu.memref_slice %arg2[%arg1, %dma_wait3A, %dma_wait3A_28] : memref<16x79x128xi32, #tpu.memory_space<hbm>> -> memref<1x79x128xi32, #tpu.memory_space<hbm>>
      %dma_wait3A_30 = tpu.memref_squeeze %dma_wait3A_29 : memref<1x79x128xi32, #tpu.memory_space<hbm>> -> memref<79x128xi32, #tpu.memory_space<hbm>>
      %dma_wait3A_31 = arith.constant 0 : i32
      %dma_wait3A_32 = arith.constant 0 : i32
      %dma_wait3A_33 = tpu.memref_slice %arg2[%arg1, %dma_wait3A_31, %dma_wait3A_32] : memref<16x79x128xi32, #tpu.memory_space<hbm>> -> memref<1x79x128xi32, #tpu.memory_space<hbm>>
      %dma_wait3A_34 = tpu.memref_squeeze %dma_wait3A_33 : memref<1x79x128xi32, #tpu.memory_space<hbm>> -> memref<79x128xi32, #tpu.memory_space<hbm>>
      tpu.wait_dma2 semaphore(%run_scoped3A : memref<!tpu.dma_semaphore, #tpu.memory_space<semaphore_mem>>) src(%dma_wait3A_34 : memref<79x128xi32, #tpu.memory_space<hbm>>) dst(%arg8 : memref<79x128xi32, #tpu.memory_space<vmem>>)
      tpu.yield
    }) : () -> ()
    "tpu.region"() ({
      %run_scoped3A = tpu.sem_alloc : memref<!tpu.dma_semaphore, #tpu.memory_space<semaphore_mem>>
      %dma_start3A = arith.constant 0 : i32
      %dma_start3A_21 = arith.constant 0 : i32
      %dma_start3A_22 = tpu.memref_slice %arg3[%arg1, %dma_start3A, %dma_start3A_21] : memref<16x79x128xi32, #tpu.memory_space<hbm>> -> memref<1x79x128xi32, #tpu.memory_space<hbm>>
      %dma_start3A_23 = tpu.memref_squeeze %dma_start3A_22 : memref<1x79x128xi32, #tpu.memory_space<hbm>> -> memref<79x128xi32, #tpu.memory_space<hbm>>
      %dma_start3A_24 = arith.constant 0 : i32
      %dma_start3A_25 = arith.constant 0 : i32
      %dma_start3A_26 = tpu.memref_slice %arg3[%arg1, %dma_start3A_24, %dma_start3A_25] : memref<16x79x128xi32, #tpu.memory_space<hbm>> -> memref<1x79x128xi32, #tpu.memory_space<hbm>>
      %dma_start3A_27 = tpu.memref_squeeze %dma_start3A_26 : memref<1x79x128xi32, #tpu.memory_space<hbm>> -> memref<79x128xi32, #tpu.memory_space<hbm>>
      tpu.enqueue_dma source(%dma_start3A_27 : memref<79x128xi32, #tpu.memory_space<hbm>>) target(%arg9 : memref<79x128xi32, #tpu.memory_space<vmem>>) target_semaphore(%run_scoped3A : memref<!tpu.dma_semaphore, #tpu.memory_space<semaphore_mem>>)
      %dma_wait3A = arith.constant 0 : i32
      %dma_wait3A_28 = arith.constant 0 : i32
      %dma_wait3A_29 = tpu.memref_slice %arg3[%arg1, %dma_wait3A, %dma_wait3A_28] : memref<16x79x128xi32, #tpu.memory_space<hbm>> -> memref<1x79x128xi32, #tpu.memory_space<hbm>>
      %dma_wait3A_30 = tpu.memref_squeeze %dma_wait3A_29 : memref<1x79x128xi32, #tpu.memory_space<hbm>> -> memref<79x128xi32, #tpu.memory_space<hbm>>
      %dma_wait3A_31 = arith.constant 0 : i32
      %dma_wait3A_32 = arith.constant 0 : i32
      %dma_wait3A_33 = tpu.memref_slice %arg3[%arg1, %dma_wait3A_31, %dma_wait3A_32] : memref<16x79x128xi32, #tpu.memory_space<hbm>> -> memref<1x79x128xi32, #tpu.memory_space<hbm>>
      %dma_wait3A_34 = tpu.memref_squeeze %dma_wait3A_33 : memref<1x79x128xi32, #tpu.memory_space<hbm>> -> memref<79x128xi32, #tpu.memory_space<hbm>>
      tpu.wait_dma2 semaphore(%run_scoped3A : memref<!tpu.dma_semaphore, #tpu.memory_space<semaphore_mem>>) src(%dma_wait3A_34 : memref<79x128xi32, #tpu.memory_space<hbm>>) dst(%arg9 : memref<79x128xi32, #tpu.memory_space<vmem>>)
      tpu.yield
    }) : () -> ()
    %mul3A = arith.constant 632 : i32
    %mul3A_0 = arith.muli %arg1, %mul3A : i32
    %mul3A_1 = arith.constant 632 : i32
    %mul3A_2 = arith.muli %arg1, %mul3A_1 : i32
    "tpu.region"() ({
      %run_scoped3A = tpu.sem_alloc : memref<!tpu.dma_semaphore, #tpu.memory_space<semaphore_mem>>
      %dma_start3A = arith.constant 0 : i32
      %dma_start3A_21 = tpu.memref_slice %arg11[%mul3A_2, %dma_start3A] : memref<10112x128xf32, #tpu.memory_space<vmem_shared>> -> memref<632x128xf32, #tpu.memory_space<vmem_shared>>
      %dma_start3A_22 = arith.constant 0 : i32
      %dma_start3A_23 = tpu.memref_slice %arg6[%mul3A_0, %dma_start3A_22] : memref<10112x128xf32, #tpu.memory_space<hbm>> -> memref<632x128xf32, #tpu.memory_space<hbm>>
      tpu.enqueue_dma source(%dma_start3A_23 : memref<632x128xf32, #tpu.memory_space<hbm>>) target(%dma_start3A_21 : memref<632x128xf32, #tpu.memory_space<vmem_shared>>) target_semaphore(%run_scoped3A : memref<!tpu.dma_semaphore, #tpu.memory_space<semaphore_mem>>)
      %dma_wait3A = arith.constant 0 : i32
      %dma_wait3A_24 = tpu.memref_slice %arg11[%mul3A_2, %dma_wait3A] : memref<10112x128xf32, #tpu.memory_space<vmem_shared>> -> memref<632x128xf32, #tpu.memory_space<vmem_shared>>
      %dma_wait3A_25 = arith.constant 0 : i32
      %dma_wait3A_26 = tpu.memref_slice %arg6[%mul3A_0, %dma_wait3A_25] : memref<10112x128xf32, #tpu.memory_space<hbm>> -> memref<632x128xf32, #tpu.memory_space<hbm>>
      tpu.wait_dma2 semaphore(%run_scoped3A : memref<!tpu.dma_semaphore, #tpu.memory_space<semaphore_mem>>) src(%dma_wait3A_26 : memref<632x128xf32, #tpu.memory_space<hbm>>) dst(%dma_wait3A_24 : memref<632x128xf32, #tpu.memory_space<vmem_shared>>)
      tpu.yield
    }) : () -> ()
    %barrier3A = arith.constant 0 : index
    tpu.barrier barrier_id(%barrier3A)
    %eq3A = arith.constant 0 : i32
    %eq3A_3 = arith.cmpi eq, %arg0, %eq3A : i32
    %convert_element_type3A = arith.extui %eq3A_3 : i1 to i32
    %cond3A = arith.constant 0 : i32
    %cond3A_4 = arith.cmpi ne, %convert_element_type3A, %cond3A : i32
    scf.if %cond3A_4 {
      %scan3A = arith.constant 0 : i32
      %scan3A_21 = arith.constant 0 : i32
      %scan3A_22 = arith.constant 79 : i32
      %scan3A_23 = arith.addi %scan3A_21, %scan3A_22 : i32
      %scan3A_24 = arith.constant 1 : i32
      scf.for %scan3A_26 = %scan3A_21 to %scan3A_23 step %scan3A_24  : i32 {
        %dma_start3A = arith.constant 0 : i32
        %dma_start3A_27 = tpu.memref_slice %arg8[%scan3A_26, %dma_start3A] : memref<79x128xi32, #tpu.memory_space<vmem>> -> memref<1x128xi32, #tpu.memory_space<vmem>>
        %dma_start3A_28 = tpu.memref_squeeze %dma_start3A_27 : memref<1x128xi32, #tpu.memory_space<vmem>> -> memref<128xi32, #tpu.memory_space<vmem>>
        %dma_start3A_29 = arith.constant 0 : i32
        %dma_start3A_30 = arith.constant 0 : i32
        %dma_start3A_31 = tpu.memref_slice %arg4[%dma_start3A_29, %dma_start3A_30] : memref<40000x128xf32, #tpu.memory_space<hbm>> -> memref<40000x128xf32, #tpu.memory_space<hbm>>
        tpu.enqueue_indirect_dma source(%dma_start3A_31 : memref<40000x128xf32, #tpu.memory_space<hbm>>) target(%arg10 : memref<128x128xf32, #tpu.memory_space<vmem>>) offsets(%dma_start3A_28 : memref<128xi32, #tpu.memory_space<vmem>>) semaphore(%arg12 : memref<!tpu.dma_semaphore, #tpu.memory_space<semaphore_mem>>)
        %dma_wait3A = arith.constant 0 : i32
        %dma_wait3A_32 = tpu.memref_slice %arg8[%scan3A_26, %dma_wait3A] : memref<79x128xi32, #tpu.memory_space<vmem>> -> memref<1x128xi32, #tpu.memory_space<vmem>>
        %dma_wait3A_33 = tpu.memref_squeeze %dma_wait3A_32 : memref<1x128xi32, #tpu.memory_space<vmem>> -> memref<128xi32, #tpu.memory_space<vmem>>
        %dma_wait3A_34 = arith.constant 0 : i32
        %dma_wait3A_35 = arith.constant 0 : i32
        %dma_wait3A_36 = tpu.memref_slice %arg4[%dma_wait3A_34, %dma_wait3A_35] : memref<40000x128xf32, #tpu.memory_space<hbm>> -> memref<40000x128xf32, #tpu.memory_space<hbm>>
        tpu.wait_indirect_dma semaphore(%arg12 : memref<!tpu.dma_semaphore, #tpu.memory_space<semaphore_mem>>) src(%dma_wait3A_36 : memref<40000x128xf32, #tpu.memory_space<hbm>>) dst(%arg10 : memref<128x128xf32, #tpu.memory_space<vmem>>)
        "tpu.region"() ({
          %run_scoped3A = tpu.sem_alloc : memref<!tpu.dma_semaphore, #tpu.memory_space<semaphore_mem>>
          %dma_start3A_37 = arith.constant 0 : i32
          %dma_start3A_38 = tpu.memref_slice %arg9[%scan3A_26, %dma_start3A_37] : memref<79x128xi32, #tpu.memory_space<vmem>> -> memref<1x128xi32, #tpu.memory_space<vmem>>
          %dma_start3A_39 = tpu.memref_squeeze %dma_start3A_38 : memref<1x128xi32, #tpu.memory_space<vmem>> -> memref<128xi32, #tpu.memory_space<vmem>>
          %dma_start3A_40 = arith.constant 0 : i32
          %dma_start3A_41 = arith.constant 0 : i32
          %dma_start3A_42 = tpu.memref_slice %arg11[%dma_start3A_40, %dma_start3A_41] : memref<10112x128xf32, #tpu.memory_space<vmem_shared>> -> memref<10112x128xf32, #tpu.memory_space<vmem_shared>>
          tpu.enqueue_indirect_dma source(%arg10 : memref<128x128xf32, #tpu.memory_space<vmem>>) target(%dma_start3A_42 : memref<10112x128xf32, #tpu.memory_space<vmem_shared>>) offsets(%dma_start3A_39 : memref<128xi32, #tpu.memory_space<vmem>>) semaphore(%run_scoped3A : memref<!tpu.dma_semaphore, #tpu.memory_space<semaphore_mem>>) {add = true}
          %dma_wait3A_43 = arith.constant 0 : i32
          %dma_wait3A_44 = tpu.memref_slice %arg9[%scan3A_26, %dma_wait3A_43] : memref<79x128xi32, #tpu.memory_space<vmem>> -> memref<1x128xi32, #tpu.memory_space<vmem>>
          %dma_wait3A_45 = tpu.memref_squeeze %dma_wait3A_44 : memref<1x128xi32, #tpu.memory_space<vmem>> -> memref<128xi32, #tpu.memory_space<vmem>>
          %dma_wait3A_46 = arith.constant 0 : i32
          %dma_wait3A_47 = arith.constant 0 : i32
          %dma_wait3A_48 = tpu.memref_slice %arg11[%dma_wait3A_46, %dma_wait3A_47] : memref<10112x128xf32, #tpu.memory_space<vmem_shared>> -> memref<10112x128xf32, #tpu.memory_space<vmem_shared>>
          tpu.wait_indirect_dma semaphore(%run_scoped3A : memref<!tpu.dma_semaphore, #tpu.memory_space<semaphore_mem>>) src(%arg10 : memref<128x128xf32, #tpu.memory_space<vmem>>) dst(%dma_wait3A_48 : memref<10112x128xf32, #tpu.memory_space<vmem_shared>>)
          tpu.yield
        }) : () -> ()
      }
      %scan3A_25 = arith.constant 79 : i32
    } else {
    }
    %eq3A_5 = arith.constant 1 : i32
    %eq3A_6 = arith.cmpi eq, %arg0, %eq3A_5 : i32
    %convert_element_type3A_7 = arith.extui %eq3A_6 : i1 to i32
    %cond3A_8 = arith.constant 0 : i32
    %cond3A_9 = arith.cmpi ne, %convert_element_type3A_7, %cond3A_8 : i32
    scf.if %cond3A_9 {
      %scan3A = arith.constant 0 : i32
      %scan3A_21 = arith.constant 0 : i32
      %scan3A_22 = arith.constant 79 : i32
      %scan3A_23 = arith.addi %scan3A_21, %scan3A_22 : i32
      %scan3A_24 = arith.constant 1 : i32
      scf.for %scan3A_26 = %scan3A_21 to %scan3A_23 step %scan3A_24  : i32 {
        %dma_start3A = arith.constant 0 : i32
        %dma_start3A_27 = tpu.memref_slice %arg8[%scan3A_26, %dma_start3A] : memref<79x128xi32, #tpu.memory_space<vmem>> -> memref<1x128xi32, #tpu.memory_space<vmem>>
        %dma_start3A_28 = tpu.memref_squeeze %dma_start3A_27 : memref<1x128xi32, #tpu.memory_space<vmem>> -> memref<128xi32, #tpu.memory_space<vmem>>
        %dma_start3A_29 = arith.constant 0 : i32
        %dma_start3A_30 = arith.constant 0 : i32
        %dma_start3A_31 = tpu.memref_slice %arg5[%dma_start3A_29, %dma_start3A_30] : memref<40000x128xf32, #tpu.memory_space<hbm>> -> memref<40000x128xf32, #tpu.memory_space<hbm>>
        tpu.enqueue_indirect_dma source(%dma_start3A_31 : memref<40000x128xf32, #tpu.memory_space<hbm>>) target(%arg10 : memref<128x128xf32, #tpu.memory_space<vmem>>) offsets(%dma_start3A_28 : memref<128xi32, #tpu.memory_space<vmem>>) semaphore(%arg12 : memref<!tpu.dma_semaphore, #tpu.memory_space<semaphore_mem>>)
        %dma_wait3A = arith.constant 0 : i32
        %dma_wait3A_32 = tpu.memref_slice %arg8[%scan3A_26, %dma_wait3A] : memref<79x128xi32, #tpu.memory_space<vmem>> -> memref<1x128xi32, #tpu.memory_space<vmem>>
        %dma_wait3A_33 = tpu.memref_squeeze %dma_wait3A_32 : memref<1x128xi32, #tpu.memory_space<vmem>> -> memref<128xi32, #tpu.memory_space<vmem>>
        %dma_wait3A_34 = arith.constant 0 : i32
        %dma_wait3A_35 = arith.constant 0 : i32
        %dma_wait3A_36 = tpu.memref_slice %arg5[%dma_wait3A_34, %dma_wait3A_35] : memref<40000x128xf32, #tpu.memory_space<hbm>> -> memref<40000x128xf32, #tpu.memory_space<hbm>>
        tpu.wait_indirect_dma semaphore(%arg12 : memref<!tpu.dma_semaphore, #tpu.memory_space<semaphore_mem>>) src(%dma_wait3A_36 : memref<40000x128xf32, #tpu.memory_space<hbm>>) dst(%arg10 : memref<128x128xf32, #tpu.memory_space<vmem>>)
        "tpu.region"() ({
          %run_scoped3A = tpu.sem_alloc : memref<!tpu.dma_semaphore, #tpu.memory_space<semaphore_mem>>
          %dma_start3A_37 = arith.constant 0 : i32
          %dma_start3A_38 = tpu.memref_slice %arg9[%scan3A_26, %dma_start3A_37] : memref<79x128xi32, #tpu.memory_space<vmem>> -> memref<1x128xi32, #tpu.memory_space<vmem>>
          %dma_start3A_39 = tpu.memref_squeeze %dma_start3A_38 : memref<1x128xi32, #tpu.memory_space<vmem>> -> memref<128xi32, #tpu.memory_space<vmem>>
          %dma_start3A_40 = arith.constant 0 : i32
          %dma_start3A_41 = arith.constant 0 : i32
          %dma_start3A_42 = tpu.memref_slice %arg11[%dma_start3A_40, %dma_start3A_41] : memref<10112x128xf32, #tpu.memory_space<vmem_shared>> -> memref<10112x128xf32, #tpu.memory_space<vmem_shared>>
          tpu.enqueue_indirect_dma source(%arg10 : memref<128x128xf32, #tpu.memory_space<vmem>>) target(%dma_start3A_42 : memref<10112x128xf32, #tpu.memory_space<vmem_shared>>) offsets(%dma_start3A_39 : memref<128xi32, #tpu.memory_space<vmem>>) semaphore(%run_scoped3A : memref<!tpu.dma_semaphore, #tpu.memory_space<semaphore_mem>>) {add = true}
          %dma_wait3A_43 = arith.constant 0 : i32
          %dma_wait3A_44 = tpu.memref_slice %arg9[%scan3A_26, %dma_wait3A_43] : memref<79x128xi32, #tpu.memory_space<vmem>> -> memref<1x128xi32, #tpu.memory_space<vmem>>
          %dma_wait3A_45 = tpu.memref_squeeze %dma_wait3A_44 : memref<1x128xi32, #tpu.memory_space<vmem>> -> memref<128xi32, #tpu.memory_space<vmem>>
          %dma_wait3A_46 = arith.constant 0 : i32
          %dma_wait3A_47 = arith.constant 0 : i32
          %dma_wait3A_48 = tpu.memref_slice %arg11[%dma_wait3A_46, %dma_wait3A_47] : memref<10112x128xf32, #tpu.memory_space<vmem_shared>> -> memref<10112x128xf32, #tpu.memory_space<vmem_shared>>
          tpu.wait_indirect_dma semaphore(%run_scoped3A : memref<!tpu.dma_semaphore, #tpu.memory_space<semaphore_mem>>) src(%arg10 : memref<128x128xf32, #tpu.memory_space<vmem>>) dst(%dma_wait3A_48 : memref<10112x128xf32, #tpu.memory_space<vmem_shared>>)
          tpu.yield
        }) : () -> ()
      }
      %scan3A_25 = arith.constant 79 : i32
    } else {
    }
    %barrier3A_10 = arith.constant 0 : index
    tpu.barrier barrier_id(%barrier3A_10)
    %eq3A_11 = arith.constant 0 : i32
    %eq3A_12 = arith.cmpi eq, %arg0, %eq3A_11 : i32
    %convert_element_type3A_13 = arith.extui %eq3A_12 : i1 to i32
    %cond3A_14 = arith.constant 0 : i32
    %cond3A_15 = arith.cmpi ne, %convert_element_type3A_13, %cond3A_14 : i32
    scf.if %cond3A_15 {
      %mul3A_21 = arith.constant 632 : i32
      %mul3A_22 = arith.muli %arg1, %mul3A_21 : i32
      %mul3A_23 = arith.constant 632 : i32
      %mul3A_24 = arith.muli %arg1, %mul3A_23 : i32
      %run_scoped3A = arith.constant 0 : i32
      "tpu.region"() ({
        %run_scoped3A_25 = tpu.sem_alloc : memref<!tpu.dma_semaphore, #tpu.memory_space<semaphore_mem>>
        %dma_start3A = arith.constant 0 : i32
        %dma_start3A_26 = arith.constant 0 : i32
        %dma_start3A_27 = tpu.memref_slice %arg7[%run_scoped3A, %dma_start3A, %dma_start3A_26] : memref<2x10112x128xf32, #tpu.memory_space<hbm>> -> memref<1x10112x128xf32, #tpu.memory_space<hbm>>
        %dma_start3A_28 = tpu.memref_squeeze %dma_start3A_27 : memref<1x10112x128xf32, #tpu.memory_space<hbm>> -> memref<10112x128xf32, #tpu.memory_space<hbm>>
        %dma_start3A_29 = arith.constant 0 : i32
        %dma_start3A_30 = tpu.memref_slice %dma_start3A_28[%mul3A_24, %dma_start3A_29] : memref<10112x128xf32, #tpu.memory_space<hbm>> -> memref<632x128xf32, #tpu.memory_space<hbm>>
        %dma_start3A_31 = arith.constant 0 : i32
        %dma_start3A_32 = tpu.memref_slice %arg11[%mul3A_22, %dma_start3A_31] : memref<10112x128xf32, #tpu.memory_space<vmem_shared>> -> memref<632x128xf32, #tpu.memory_space<vmem_shared>>
        tpu.enqueue_dma source(%dma_start3A_32 : memref<632x128xf32, #tpu.memory_space<vmem_shared>>) target(%dma_start3A_30 : memref<632x128xf32, #tpu.memory_space<hbm>>) target_semaphore(%run_scoped3A_25 : memref<!tpu.dma_semaphore, #tpu.memory_space<semaphore_mem>>)
        %dma_wait3A = arith.constant 0 : i32
        %dma_wait3A_33 = arith.constant 0 : i32
        %dma_wait3A_34 = tpu.memref_slice %arg7[%run_scoped3A, %dma_wait3A, %dma_wait3A_33] : memref<2x10112x128xf32, #tpu.memory_space<hbm>> -> memref<1x10112x128xf32, #tpu.memory_space<hbm>>
        %dma_wait3A_35 = tpu.memref_squeeze %dma_wait3A_34 : memref<1x10112x128xf32, #tpu.memory_space<hbm>> -> memref<10112x128xf32, #tpu.memory_space<hbm>>
        %dma_wait3A_36 = arith.constant 0 : i32
        %dma_wait3A_37 = tpu.memref_slice %dma_wait3A_35[%mul3A_24, %dma_wait3A_36] : memref<10112x128xf32, #tpu.memory_space<hbm>> -> memref<632x128xf32, #tpu.memory_space<hbm>>
        %dma_wait3A_38 = arith.constant 0 : i32
        %dma_wait3A_39 = tpu.memref_slice %arg11[%mul3A_22, %dma_wait3A_38] : memref<10112x128xf32, #tpu.memory_space<vmem_shared>> -> memref<632x128xf32, #tpu.memory_space<vmem_shared>>
        tpu.wait_dma2 semaphore(%run_scoped3A_25 : memref<!tpu.dma_semaphore, #tpu.memory_space<semaphore_mem>>) src(%dma_wait3A_39 : memref<632x128xf32, #tpu.memory_space<vmem_shared>>) dst(%dma_wait3A_37 : memref<632x128xf32, #tpu.memory_space<hbm>>)
        tpu.yield
      }) : () -> ()
    } else {
    }
    %eq3A_16 = arith.constant 1 : i32
    %eq3A_17 = arith.cmpi eq, %arg0, %eq3A_16 : i32
    %convert_element_type3A_18 = arith.extui %eq3A_17 : i1 to i32
    %cond3A_19 = arith.constant 0 : i32
    %cond3A_20 = arith.cmpi ne, %convert_element_type3A_18, %cond3A_19 : i32
    scf.if %cond3A_20 {
      %mul3A_21 = arith.constant 632 : i32
      %mul3A_22 = arith.muli %arg1, %mul3A_21 : i32
      %mul3A_23 = arith.constant 632 : i32
      %mul3A_24 = arith.muli %arg1, %mul3A_23 : i32
      %run_scoped3A = arith.constant 1 : i32
      "tpu.region"() ({
        %run_scoped3A_25 = tpu.sem_alloc : memref<!tpu.dma_semaphore, #tpu.memory_space<semaphore_mem>>
        %dma_start3A = arith.constant 0 : i32
        %dma_start3A_26 = arith.constant 0 : i32
        %dma_start3A_27 = tpu.memref_slice %arg7[%run_scoped3A, %dma_start3A, %dma_start3A_26] : memref<2x10112x128xf32, #tpu.memory_space<hbm>> -> memref<1x10112x128xf32, #tpu.memory_space<hbm>>
        %dma_start3A_28 = tpu.memref_squeeze %dma_start3A_27 : memref<1x10112x128xf32, #tpu.memory_space<hbm>> -> memref<10112x128xf32, #tpu.memory_space<hbm>>
        %dma_start3A_29 = arith.constant 0 : i32
        %dma_start3A_30 = tpu.memref_slice %dma_start3A_28[%mul3A_24, %dma_start3A_29] : memref<10112x128xf32, #tpu.memory_space<hbm>> -> memref<632x128xf32, #tpu.memory_space<hbm>>
        %dma_start3A_31 = arith.constant 0 : i32
        %dma_start3A_32 = tpu.memref_slice %arg11[%mul3A_22, %dma_start3A_31] : memref<10112x128xf32, #tpu.memory_space<vmem_shared>> -> memref<632x128xf32, #tpu.memory_space<vmem_shared>>
        tpu.enqueue_dma source(%dma_start3A_32 : memref<632x128xf32, #tpu.memory_space<vmem_shared>>) target(%dma_start3A_30 : memref<632x128xf32, #tpu.memory_space<hbm>>) target_semaphore(%run_scoped3A_25 : memref<!tpu.dma_semaphore, #tpu.memory_space<semaphore_mem>>)
        %dma_wait3A = arith.constant 0 : i32
        %dma_wait3A_33 = arith.constant 0 : i32
        %dma_wait3A_34 = tpu.memref_slice %arg7[%run_scoped3A, %dma_wait3A, %dma_wait3A_33] : memref<2x10112x128xf32, #tpu.memory_space<hbm>> -> memref<1x10112x128xf32, #tpu.memory_space<hbm>>
        %dma_wait3A_35 = tpu.memref_squeeze %dma_wait3A_34 : memref<1x10112x128xf32, #tpu.memory_space<hbm>> -> memref<10112x128xf32, #tpu.memory_space<hbm>>
        %dma_wait3A_36 = arith.constant 0 : i32
        %dma_wait3A_37 = tpu.memref_slice %dma_wait3A_35[%mul3A_24, %dma_wait3A_36] : memref<10112x128xf32, #tpu.memory_space<hbm>> -> memref<632x128xf32, #tpu.memory_space<hbm>>
        %dma_wait3A_38 = arith.constant 0 : i32
        %dma_wait3A_39 = tpu.memref_slice %arg11[%mul3A_22, %dma_wait3A_38] : memref<10112x128xf32, #tpu.memory_space<vmem_shared>> -> memref<632x128xf32, #tpu.memory_space<vmem_shared>>
        tpu.wait_dma2 semaphore(%run_scoped3A_25 : memref<!tpu.dma_semaphore, #tpu.memory_space<semaphore_mem>>) src(%dma_wait3A_39 : memref<632x128xf32, #tpu.memory_space<vmem_shared>>) dst(%dma_wait3A_37 : memref<632x128xf32, #tpu.memory_space<hbm>>)
        tpu.yield
      }) : () -> ()
    } else {
    }
    return
  }
}

#map = affine_map<(d0, d1) -> (0, 0, 0)>
#map1 = affine_map<(d0, d1) -> (0, 0)>
module attributes {stable_mosaic.version = 14 : i64} {
  func.func @_sc_body(%arg0: i32, %arg1: i32, %arg2: memref<16x79x128xi32, #tpu.memory_space<hbm>>, %arg3: memref<16x79x128xi32, #tpu.memory_space<hbm>>, %arg4: memref<40000x128xf32, #tpu.memory_space<hbm>>, %arg5: memref<40000x128xf32, #tpu.memory_space<hbm>>, %arg6: memref<10112x128xf32, #tpu.memory_space<hbm>>, %arg7: memref<2x10112x128xf32, #tpu.memory_space<hbm>>, %arg8: memref<79x128xi32, #tpu.memory_space<vmem>>, %arg9: memref<79x128xi32, #tpu.memory_space<vmem>>, %arg10: memref<128x128xf32, #tpu.memory_space<vmem>>, %arg11: memref<10112x128xf32, #tpu.memory_space<vmem_shared>>, %arg12: memref<!tpu.dma_semaphore, #tpu.memory_space<semaphore_mem>>) attributes {dimension_semantics = [#tpu.dimension_semantics<core_parallel>, #tpu.dimension_semantics<subcore_parallel>], iteration_bounds = array<i64: 2, 16>, scalar_prefetch = 0 : i64, scratch_operands = 5 : i64, tpu.core_type = #tpu.core_type<sc_vector_subcore>, window_params = [{transform_indices = #map}, {transform_indices = #map}, {transform_indices = #map1}, {transform_indices = #map1}, {transform_indices = #map1}, {transform_indices = #map}]} {
    "tpu.region"() ({
      %run_scoped3A = tpu.sem_alloc : memref<!tpu.dma_semaphore, #tpu.memory_space<semaphore_mem>>
      %dma_start3A = arith.constant 0 : i32
      %dma_start3A_21 = arith.constant 0 : i32
      %dma_start3A_22 = tpu.memref_slice %arg2[%arg1, %dma_start3A, %dma_start3A_21] : memref<16x79x128xi32, #tpu.memory_space<hbm>> -> memref<1x79x128xi32, #tpu.memory_space<hbm>>
      %dma_start3A_23 = tpu.memref_squeeze %dma_start3A_22 : memref<1x79x128xi32, #tpu.memory_space<hbm>> -> memref<79x128xi32, #tpu.memory_space<hbm>>
      %dma_start3A_24 = arith.constant 0 : i32
      %dma_start3A_25 = arith.constant 0 : i32
      %dma_start3A_26 = tpu.memref_slice %arg2[%arg1, %dma_start3A_24, %dma_start3A_25] : memref<16x79x128xi32, #tpu.memory_space<hbm>> -> memref<1x79x128xi32, #tpu.memory_space<hbm>>
      %dma_start3A_27 = tpu.memref_squeeze %dma_start3A_26 : memref<1x79x128xi32, #tpu.memory_space<hbm>> -> memref<79x128xi32, #tpu.memory_space<hbm>>
      tpu.enqueue_dma source(%dma_start3A_27 : memref<79x128xi32, #tpu.memory_space<hbm>>) target(%arg8 : memref<79x128xi32, #tpu.memory_space<vmem>>) target_semaphore(%run_scoped3A : memref<!tpu.dma_semaphore, #tpu.memory_space<semaphore_mem>>)
      %dma_wait3A = arith.constant 0 : i32
      %dma_wait3A_28 = arith.constant 0 : i32
      %dma_wait3A_29 = tpu.memref_slice %arg2[%arg1, %dma_wait3A, %dma_wait3A_28] : memref<16x79x128xi32, #tpu.memory_space<hbm>> -> memref<1x79x128xi32, #tpu.memory_space<hbm>>
      %dma_wait3A_30 = tpu.memref_squeeze %dma_wait3A_29 : memref<1x79x128xi32, #tpu.memory_space<hbm>> -> memref<79x128xi32, #tpu.memory_space<hbm>>
      %dma_wait3A_31 = arith.constant 0 : i32
      %dma_wait3A_32 = arith.constant 0 : i32
      %dma_wait3A_33 = tpu.memref_slice %arg2[%arg1, %dma_wait3A_31, %dma_wait3A_32] : memref<16x79x128xi32, #tpu.memory_space<hbm>> -> memref<1x79x128xi32, #tpu.memory_space<hbm>>
      %dma_wait3A_34 = tpu.memref_squeeze %dma_wait3A_33 : memref<1x79x128xi32, #tpu.memory_space<hbm>> -> memref<79x128xi32, #tpu.memory_space<hbm>>
      tpu.wait_dma2 semaphore(%run_scoped3A : memref<!tpu.dma_semaphore, #tpu.memory_space<semaphore_mem>>) src(%dma_wait3A_34 : memref<79x128xi32, #tpu.memory_space<hbm>>) dst(%arg8 : memref<79x128xi32, #tpu.memory_space<vmem>>)
      tpu.yield
    }) : () -> ()
    "tpu.region"() ({
      %run_scoped3A = tpu.sem_alloc : memref<!tpu.dma_semaphore, #tpu.memory_space<semaphore_mem>>
      %dma_start3A = arith.constant 0 : i32
      %dma_start3A_21 = arith.constant 0 : i32
      %dma_start3A_22 = tpu.memref_slice %arg3[%arg1, %dma_start3A, %dma_start3A_21] : memref<16x79x128xi32, #tpu.memory_space<hbm>> -> memref<1x79x128xi32, #tpu.memory_space<hbm>>
      %dma_start3A_23 = tpu.memref_squeeze %dma_start3A_22 : memref<1x79x128xi32, #tpu.memory_space<hbm>> -> memref<79x128xi32, #tpu.memory_space<hbm>>
      %dma_start3A_24 = arith.constant 0 : i32
      %dma_start3A_25 = arith.constant 0 : i32
      %dma_start3A_26 = tpu.memref_slice %arg3[%arg1, %dma_start3A_24, %dma_start3A_25] : memref<16x79x128xi32, #tpu.memory_space<hbm>> -> memref<1x79x128xi32, #tpu.memory_space<hbm>>
      %dma_start3A_27 = tpu.memref_squeeze %dma_start3A_26 : memref<1x79x128xi32, #tpu.memory_space<hbm>> -> memref<79x128xi32, #tpu.memory_space<hbm>>
      tpu.enqueue_dma source(%dma_start3A_27 : memref<79x128xi32, #tpu.memory_space<hbm>>) target(%arg9 : memref<79x128xi32, #tpu.memory_space<vmem>>) target_semaphore(%run_scoped3A : memref<!tpu.dma_semaphore, #tpu.memory_space<semaphore_mem>>)
      %dma_wait3A = arith.constant 0 : i32
      %dma_wait3A_28 = arith.constant 0 : i32
      %dma_wait3A_29 = tpu.memref_slice %arg3[%arg1, %dma_wait3A, %dma_wait3A_28] : memref<16x79x128xi32, #tpu.memory_space<hbm>> -> memref<1x79x128xi32, #tpu.memory_space<hbm>>
      %dma_wait3A_30 = tpu.memref_squeeze %dma_wait3A_29 : memref<1x79x128xi32, #tpu.memory_space<hbm>> -> memref<79x128xi32, #tpu.memory_space<hbm>>
      %dma_wait3A_31 = arith.constant 0 : i32
      %dma_wait3A_32 = arith.constant 0 : i32
      %dma_wait3A_33 = tpu.memref_slice %arg3[%arg1, %dma_wait3A_31, %dma_wait3A_32] : memref<16x79x128xi32, #tpu.memory_space<hbm>> -> memref<1x79x128xi32, #tpu.memory_space<hbm>>
      %dma_wait3A_34 = tpu.memref_squeeze %dma_wait3A_33 : memref<1x79x128xi32, #tpu.memory_space<hbm>> -> memref<79x128xi32, #tpu.memory_space<hbm>>
      tpu.wait_dma2 semaphore(%run_scoped3A : memref<!tpu.dma_semaphore, #tpu.memory_space<semaphore_mem>>) src(%dma_wait3A_34 : memref<79x128xi32, #tpu.memory_space<hbm>>) dst(%arg9 : memref<79x128xi32, #tpu.memory_space<vmem>>)
      tpu.yield
    }) : () -> ()
    %mul3A = arith.constant 632 : i32
    %mul3A_0 = arith.muli %arg1, %mul3A : i32
    %mul3A_1 = arith.constant 632 : i32
    %mul3A_2 = arith.muli %arg1, %mul3A_1 : i32
    "tpu.region"() ({
      %run_scoped3A = tpu.sem_alloc : memref<!tpu.dma_semaphore, #tpu.memory_space<semaphore_mem>>
      %dma_start3A = arith.constant 0 : i32
      %dma_start3A_21 = tpu.memref_slice %arg11[%mul3A_2, %dma_start3A] : memref<10112x128xf32, #tpu.memory_space<vmem_shared>> -> memref<632x128xf32, #tpu.memory_space<vmem_shared>>
      %dma_start3A_22 = arith.constant 0 : i32
      %dma_start3A_23 = tpu.memref_slice %arg6[%mul3A_0, %dma_start3A_22] : memref<10112x128xf32, #tpu.memory_space<hbm>> -> memref<632x128xf32, #tpu.memory_space<hbm>>
      tpu.enqueue_dma source(%dma_start3A_23 : memref<632x128xf32, #tpu.memory_space<hbm>>) target(%dma_start3A_21 : memref<632x128xf32, #tpu.memory_space<vmem_shared>>) target_semaphore(%run_scoped3A : memref<!tpu.dma_semaphore, #tpu.memory_space<semaphore_mem>>)
      %dma_wait3A = arith.constant 0 : i32
      %dma_wait3A_24 = tpu.memref_slice %arg11[%mul3A_2, %dma_wait3A] : memref<10112x128xf32, #tpu.memory_space<vmem_shared>> -> memref<632x128xf32, #tpu.memory_space<vmem_shared>>
      %dma_wait3A_25 = arith.constant 0 : i32
      %dma_wait3A_26 = tpu.memref_slice %arg6[%mul3A_0, %dma_wait3A_25] : memref<10112x128xf32, #tpu.memory_space<hbm>> -> memref<632x128xf32, #tpu.memory_space<hbm>>
      tpu.wait_dma2 semaphore(%run_scoped3A : memref<!tpu.dma_semaphore, #tpu.memory_space<semaphore_mem>>) src(%dma_wait3A_26 : memref<632x128xf32, #tpu.memory_space<hbm>>) dst(%dma_wait3A_24 : memref<632x128xf32, #tpu.memory_space<vmem_shared>>)
      tpu.yield
    }) : () -> ()
    %barrier3A = arith.constant 0 : index
    tpu.barrier barrier_id(%barrier3A)
    %eq3A = arith.constant 0 : i32
    %eq3A_3 = arith.cmpi eq, %arg0, %eq3A : i32
    %convert_element_type3A = arith.extui %eq3A_3 : i1 to i32
    %cond3A = arith.constant 0 : i32
    %cond3A_4 = arith.cmpi ne, %convert_element_type3A, %cond3A : i32
    scf.if %cond3A_4 {
      %scan3A = arith.constant 0 : i32
      %scan3A_21 = arith.constant 0 : i32
      %scan3A_22 = arith.constant 79 : i32
      %scan3A_23 = arith.addi %scan3A_21, %scan3A_22 : i32
      %scan3A_24 = arith.constant 1 : i32
      scf.for %scan3A_26 = %scan3A_21 to %scan3A_23 step %scan3A_24  : i32 {
        %dma_start3A = arith.constant 0 : i32
        %dma_start3A_27 = tpu.memref_slice %arg8[%scan3A_26, %dma_start3A] : memref<79x128xi32, #tpu.memory_space<vmem>> -> memref<1x128xi32, #tpu.memory_space<vmem>>
        %dma_start3A_28 = tpu.memref_squeeze %dma_start3A_27 : memref<1x128xi32, #tpu.memory_space<vmem>> -> memref<128xi32, #tpu.memory_space<vmem>>
        %dma_start3A_29 = arith.constant 0 : i32
        %dma_start3A_30 = arith.constant 0 : i32
        %dma_start3A_31 = tpu.memref_slice %arg4[%dma_start3A_29, %dma_start3A_30] : memref<40000x128xf32, #tpu.memory_space<hbm>> -> memref<40000x128xf32, #tpu.memory_space<hbm>>
        tpu.enqueue_indirect_dma source(%dma_start3A_31 : memref<40000x128xf32, #tpu.memory_space<hbm>>) target(%arg10 : memref<128x128xf32, #tpu.memory_space<vmem>>) offsets(%dma_start3A_28 : memref<128xi32, #tpu.memory_space<vmem>>) semaphore(%arg12 : memref<!tpu.dma_semaphore, #tpu.memory_space<semaphore_mem>>)
        %dma_wait3A = arith.constant 0 : i32
        %dma_wait3A_32 = tpu.memref_slice %arg8[%scan3A_26, %dma_wait3A] : memref<79x128xi32, #tpu.memory_space<vmem>> -> memref<1x128xi32, #tpu.memory_space<vmem>>
        %dma_wait3A_33 = tpu.memref_squeeze %dma_wait3A_32 : memref<1x128xi32, #tpu.memory_space<vmem>> -> memref<128xi32, #tpu.memory_space<vmem>>
        %dma_wait3A_34 = arith.constant 0 : i32
        %dma_wait3A_35 = arith.constant 0 : i32
        %dma_wait3A_36 = tpu.memref_slice %arg4[%dma_wait3A_34, %dma_wait3A_35] : memref<40000x128xf32, #tpu.memory_space<hbm>> -> memref<40000x128xf32, #tpu.memory_space<hbm>>
        tpu.wait_indirect_dma semaphore(%arg12 : memref<!tpu.dma_semaphore, #tpu.memory_space<semaphore_mem>>) src(%dma_wait3A_36 : memref<40000x128xf32, #tpu.memory_space<hbm>>) dst(%arg10 : memref<128x128xf32, #tpu.memory_space<vmem>>)
        "tpu.region"() ({
          %run_scoped3A = tpu.sem_alloc : memref<!tpu.dma_semaphore, #tpu.memory_space<semaphore_mem>>
          %dma_start3A_37 = arith.constant 0 : i32
          %dma_start3A_38 = tpu.memref_slice %arg9[%scan3A_26, %dma_start3A_37] : memref<79x128xi32, #tpu.memory_space<vmem>> -> memref<1x128xi32, #tpu.memory_space<vmem>>
          %dma_start3A_39 = tpu.memref_squeeze %dma_start3A_38 : memref<1x128xi32, #tpu.memory_space<vmem>> -> memref<128xi32, #tpu.memory_space<vmem>>
          %dma_start3A_40 = arith.constant 0 : i32
          %dma_start3A_41 = arith.constant 0 : i32
          %dma_start3A_42 = tpu.memref_slice %arg11[%dma_start3A_40, %dma_start3A_41] : memref<10112x128xf32, #tpu.memory_space<vmem_shared>> -> memref<10112x128xf32, #tpu.memory_space<vmem_shared>>
          tpu.enqueue_indirect_dma source(%arg10 : memref<128x128xf32, #tpu.memory_space<vmem>>) target(%dma_start3A_42 : memref<10112x128xf32, #tpu.memory_space<vmem_shared>>) offsets(%dma_start3A_39 : memref<128xi32, #tpu.memory_space<vmem>>) semaphore(%run_scoped3A : memref<!tpu.dma_semaphore, #tpu.memory_space<semaphore_mem>>) {add = true}
          %dma_wait3A_43 = arith.constant 0 : i32
          %dma_wait3A_44 = tpu.memref_slice %arg9[%scan3A_26, %dma_wait3A_43] : memref<79x128xi32, #tpu.memory_space<vmem>> -> memref<1x128xi32, #tpu.memory_space<vmem>>
          %dma_wait3A_45 = tpu.memref_squeeze %dma_wait3A_44 : memref<1x128xi32, #tpu.memory_space<vmem>> -> memref<128xi32, #tpu.memory_space<vmem>>
          %dma_wait3A_46 = arith.constant 0 : i32
          %dma_wait3A_47 = arith.constant 0 : i32
          %dma_wait3A_48 = tpu.memref_slice %arg11[%dma_wait3A_46, %dma_wait3A_47] : memref<10112x128xf32, #tpu.memory_space<vmem_shared>> -> memref<10112x128xf32, #tpu.memory_space<vmem_shared>>
          tpu.wait_indirect_dma semaphore(%run_scoped3A : memref<!tpu.dma_semaphore, #tpu.memory_space<semaphore_mem>>) src(%arg10 : memref<128x128xf32, #tpu.memory_space<vmem>>) dst(%dma_wait3A_48 : memref<10112x128xf32, #tpu.memory_space<vmem_shared>>)
          tpu.yield
        }) : () -> ()
      }
      %scan3A_25 = arith.constant 79 : i32
    } else {
    }
    %eq3A_5 = arith.constant 1 : i32
    %eq3A_6 = arith.cmpi eq, %arg0, %eq3A_5 : i32
    %convert_element_type3A_7 = arith.extui %eq3A_6 : i1 to i32
    %cond3A_8 = arith.constant 0 : i32
    %cond3A_9 = arith.cmpi ne, %convert_element_type3A_7, %cond3A_8 : i32
    scf.if %cond3A_9 {
      %scan3A = arith.constant 0 : i32
      %scan3A_21 = arith.constant 0 : i32
      %scan3A_22 = arith.constant 79 : i32
      %scan3A_23 = arith.addi %scan3A_21, %scan3A_22 : i32
      %scan3A_24 = arith.constant 1 : i32
      scf.for %scan3A_26 = %scan3A_21 to %scan3A_23 step %scan3A_24  : i32 {
        %dma_start3A = arith.constant 0 : i32
        %dma_start3A_27 = tpu.memref_slice %arg8[%scan3A_26, %dma_start3A] : memref<79x128xi32, #tpu.memory_space<vmem>> -> memref<1x128xi32, #tpu.memory_space<vmem>>
        %dma_start3A_28 = tpu.memref_squeeze %dma_start3A_27 : memref<1x128xi32, #tpu.memory_space<vmem>> -> memref<128xi32, #tpu.memory_space<vmem>>
        %dma_start3A_29 = arith.constant 0 : i32
        %dma_start3A_30 = arith.constant 0 : i32
        %dma_start3A_31 = tpu.memref_slice %arg5[%dma_start3A_29, %dma_start3A_30] : memref<40000x128xf32, #tpu.memory_space<hbm>> -> memref<40000x128xf32, #tpu.memory_space<hbm>>
        tpu.enqueue_indirect_dma source(%dma_start3A_31 : memref<40000x128xf32, #tpu.memory_space<hbm>>) target(%arg10 : memref<128x128xf32, #tpu.memory_space<vmem>>) offsets(%dma_start3A_28 : memref<128xi32, #tpu.memory_space<vmem>>) semaphore(%arg12 : memref<!tpu.dma_semaphore, #tpu.memory_space<semaphore_mem>>)
        %dma_wait3A = arith.constant 0 : i32
        %dma_wait3A_32 = tpu.memref_slice %arg8[%scan3A_26, %dma_wait3A] : memref<79x128xi32, #tpu.memory_space<vmem>> -> memref<1x128xi32, #tpu.memory_space<vmem>>
        %dma_wait3A_33 = tpu.memref_squeeze %dma_wait3A_32 : memref<1x128xi32, #tpu.memory_space<vmem>> -> memref<128xi32, #tpu.memory_space<vmem>>
        %dma_wait3A_34 = arith.constant 0 : i32
        %dma_wait3A_35 = arith.constant 0 : i32
        %dma_wait3A_36 = tpu.memref_slice %arg5[%dma_wait3A_34, %dma_wait3A_35] : memref<40000x128xf32, #tpu.memory_space<hbm>> -> memref<40000x128xf32, #tpu.memory_space<hbm>>
        tpu.wait_indirect_dma semaphore(%arg12 : memref<!tpu.dma_semaphore, #tpu.memory_space<semaphore_mem>>) src(%dma_wait3A_36 : memref<40000x128xf32, #tpu.memory_space<hbm>>) dst(%arg10 : memref<128x128xf32, #tpu.memory_space<vmem>>)
        "tpu.region"() ({
          %run_scoped3A = tpu.sem_alloc : memref<!tpu.dma_semaphore, #tpu.memory_space<semaphore_mem>>
          %dma_start3A_37 = arith.constant 0 : i32
          %dma_start3A_38 = tpu.memref_slice %arg9[%scan3A_26, %dma_start3A_37] : memref<79x128xi32, #tpu.memory_space<vmem>> -> memref<1x128xi32, #tpu.memory_space<vmem>>
          %dma_start3A_39 = tpu.memref_squeeze %dma_start3A_38 : memref<1x128xi32, #tpu.memory_space<vmem>> -> memref<128xi32, #tpu.memory_space<vmem>>
          %dma_start3A_40 = arith.constant 0 : i32
          %dma_start3A_41 = arith.constant 0 : i32
          %dma_start3A_42 = tpu.memref_slice %arg11[%dma_start3A_40, %dma_start3A_41] : memref<10112x128xf32, #tpu.memory_space<vmem_shared>> -> memref<10112x128xf32, #tpu.memory_space<vmem_shared>>
          tpu.enqueue_indirect_dma source(%arg10 : memref<128x128xf32, #tpu.memory_space<vmem>>) target(%dma_start3A_42 : memref<10112x128xf32, #tpu.memory_space<vmem_shared>>) offsets(%dma_start3A_39 : memref<128xi32, #tpu.memory_space<vmem>>) semaphore(%run_scoped3A : memref<!tpu.dma_semaphore, #tpu.memory_space<semaphore_mem>>) {add = true}
          %dma_wait3A_43 = arith.constant 0 : i32
          %dma_wait3A_44 = tpu.memref_slice %arg9[%scan3A_26, %dma_wait3A_43] : memref<79x128xi32, #tpu.memory_space<vmem>> -> memref<1x128xi32, #tpu.memory_space<vmem>>
          %dma_wait3A_45 = tpu.memref_squeeze %dma_wait3A_44 : memref<1x128xi32, #tpu.memory_space<vmem>> -> memref<128xi32, #tpu.memory_space<vmem>>
          %dma_wait3A_46 = arith.constant 0 : i32
          %dma_wait3A_47 = arith.constant 0 : i32
          %dma_wait3A_48 = tpu.memref_slice %arg11[%dma_wait3A_46, %dma_wait3A_47] : memref<10112x128xf32, #tpu.memory_space<vmem_shared>> -> memref<10112x128xf32, #tpu.memory_space<vmem_shared>>
          tpu.wait_indirect_dma semaphore(%run_scoped3A : memref<!tpu.dma_semaphore, #tpu.memory_space<semaphore_mem>>) src(%arg10 : memref<128x128xf32, #tpu.memory_space<vmem>>) dst(%dma_wait3A_48 : memref<10112x128xf32, #tpu.memory_space<vmem_shared>>)
          tpu.yield
        }) : () -> ()
      }
      %scan3A_25 = arith.constant 79 : i32
    } else {
    }
    %barrier3A_10 = arith.constant 0 : index
    tpu.barrier barrier_id(%barrier3A_10)
    %eq3A_11 = arith.constant 0 : i32
    %eq3A_12 = arith.cmpi eq, %arg0, %eq3A_11 : i32
    %convert_element_type3A_13 = arith.extui %eq3A_12 : i1 to i32
    %cond3A_14 = arith.constant 0 : i32
    %cond3A_15 = arith.cmpi ne, %convert_element_type3A_13, %cond3A_14 : i32
    scf.if %cond3A_15 {
      %mul3A_21 = arith.constant 632 : i32
      %mul3A_22 = arith.muli %arg1, %mul3A_21 : i32
      %mul3A_23 = arith.constant 632 : i32
      %mul3A_24 = arith.muli %arg1, %mul3A_23 : i32
      %run_scoped3A = arith.constant 0 : i32
      "tpu.region"() ({
        %run_scoped3A_25 = tpu.sem_alloc : memref<!tpu.dma_semaphore, #tpu.memory_space<semaphore_mem>>
        %dma_start3A = arith.constant 0 : i32
        %dma_start3A_26 = arith.constant 0 : i32
        %dma_start3A_27 = tpu.memref_slice %arg7[%run_scoped3A, %dma_start3A, %dma_start3A_26] : memref<2x10112x128xf32, #tpu.memory_space<hbm>> -> memref<1x10112x128xf32, #tpu.memory_space<hbm>>
        %dma_start3A_28 = tpu.memref_squeeze %dma_start3A_27 : memref<1x10112x128xf32, #tpu.memory_space<hbm>> -> memref<10112x128xf32, #tpu.memory_space<hbm>>
        %dma_start3A_29 = arith.constant 0 : i32
        %dma_start3A_30 = tpu.memref_slice %dma_start3A_28[%mul3A_24, %dma_start3A_29] : memref<10112x128xf32, #tpu.memory_space<hbm>> -> memref<632x128xf32, #tpu.memory_space<hbm>>
        %dma_start3A_31 = arith.constant 0 : i32
        %dma_start3A_32 = tpu.memref_slice %arg11[%mul3A_22, %dma_start3A_31] : memref<10112x128xf32, #tpu.memory_space<vmem_shared>> -> memref<632x128xf32, #tpu.memory_space<vmem_shared>>
        tpu.enqueue_dma source(%dma_start3A_32 : memref<632x128xf32, #tpu.memory_space<vmem_shared>>) target(%dma_start3A_30 : memref<632x128xf32, #tpu.memory_space<hbm>>) target_semaphore(%run_scoped3A_25 : memref<!tpu.dma_semaphore, #tpu.memory_space<semaphore_mem>>)
        %dma_wait3A = arith.constant 0 : i32
        %dma_wait3A_33 = arith.constant 0 : i32
        %dma_wait3A_34 = tpu.memref_slice %arg7[%run_scoped3A, %dma_wait3A, %dma_wait3A_33] : memref<2x10112x128xf32, #tpu.memory_space<hbm>> -> memref<1x10112x128xf32, #tpu.memory_space<hbm>>
        %dma_wait3A_35 = tpu.memref_squeeze %dma_wait3A_34 : memref<1x10112x128xf32, #tpu.memory_space<hbm>> -> memref<10112x128xf32, #tpu.memory_space<hbm>>
        %dma_wait3A_36 = arith.constant 0 : i32
        %dma_wait3A_37 = tpu.memref_slice %dma_wait3A_35[%mul3A_24, %dma_wait3A_36] : memref<10112x128xf32, #tpu.memory_space<hbm>> -> memref<632x128xf32, #tpu.memory_space<hbm>>
        %dma_wait3A_38 = arith.constant 0 : i32
        %dma_wait3A_39 = tpu.memref_slice %arg11[%mul3A_22, %dma_wait3A_38] : memref<10112x128xf32, #tpu.memory_space<vmem_shared>> -> memref<632x128xf32, #tpu.memory_space<vmem_shared>>
        tpu.wait_dma2 semaphore(%run_scoped3A_25 : memref<!tpu.dma_semaphore, #tpu.memory_space<semaphore_mem>>) src(%dma_wait3A_39 : memref<632x128xf32, #tpu.memory_space<vmem_shared>>) dst(%dma_wait3A_37 : memref<632x128xf32, #tpu.memory_space<hbm>>)
        tpu.yield
      }) : () -> ()
    } else {
    }
    %eq3A_16 = arith.constant 1 : i32
    %eq3A_17 = arith.cmpi eq, %arg0, %eq3A_16 : i32
    %convert_element_type3A_18 = arith.extui %eq3A_17 : i1 to i32
    %cond3A_19 = arith.constant 0 : i32
    %cond3A_20 = arith.cmpi ne, %convert_element_type3A_18, %cond3A_19 : i32
    scf.if %cond3A_20 {
      %mul3A_21 = arith.constant 632 : i32
      %mul3A_22 = arith.muli %arg1, %mul3A_21 : i32
      %mul3A_23 = arith.constant 632 : i32
      %mul3A_24 = arith.muli %arg1, %mul3A_23 : i32
      %run_scoped3A = arith.constant 1 : i32
      "tpu.region"() ({
        %run_scoped3A_25 = tpu.sem_alloc : memref<!tpu.dma_semaphore, #tpu.memory_space<semaphore_mem>>
        %dma_start3A = arith.constant 0 : i32
        %dma_start3A_26 = arith.constant 0 : i32
        %dma_start3A_27 = tpu.memref_slice %arg7[%run_scoped3A, %dma_start3A, %dma_start3A_26] : memref<2x10112x128xf32, #tpu.memory_space<hbm>> -> memref<1x10112x128xf32, #tpu.memory_space<hbm>>
        %dma_start3A_28 = tpu.memref_squeeze %dma_start3A_27 : memref<1x10112x128xf32, #tpu.memory_space<hbm>> -> memref<10112x128xf32, #tpu.memory_space<hbm>>
        %dma_start3A_29 = arith.constant 0 : i32
        %dma_start3A_30 = tpu.memref_slice %dma_start3A_28[%mul3A_24, %dma_start3A_29] : memref<10112x128xf32, #tpu.memory_space<hbm>> -> memref<632x128xf32, #tpu.memory_space<hbm>>
        %dma_start3A_31 = arith.constant 0 : i32
        %dma_start3A_32 = tpu.memref_slice %arg11[%mul3A_22, %dma_start3A_31] : memref<10112x128xf32, #tpu.memory_space<vmem_shared>> -> memref<632x128xf32, #tpu.memory_space<vmem_shared>>
        tpu.enqueue_dma source(%dma_start3A_32 : memref<632x128xf32, #tpu.memory_space<vmem_shared>>) target(%dma_start3A_30 : memref<632x128xf32, #tpu.memory_space<hbm>>) target_semaphore(%run_scoped3A_25 : memref<!tpu.dma_semaphore, #tpu.memory_space<semaphore_mem>>)
        %dma_wait3A = arith.constant 0 : i32
        %dma_wait3A_33 = arith.constant 0 : i32
        %dma_wait3A_34 = tpu.memref_slice %arg7[%run_scoped3A, %dma_wait3A, %dma_wait3A_33] : memref<2x10112x128xf32, #tpu.memory_space<hbm>> -> memref<1x10112x128xf32, #tpu.memory_space<hbm>>
        %dma_wait3A_35 = tpu.memref_squeeze %dma_wait3A_34 : memref<1x10112x128xf32, #tpu.memory_space<hbm>> -> memref<10112x128xf32, #tpu.memory_space<hbm>>
        %dma_wait3A_36 = arith.constant 0 : i32
        %dma_wait3A_37 = tpu.memref_slice %dma_wait3A_35[%mul3A_24, %dma_wait3A_36] : memref<10112x128xf32, #tpu.memory_space<hbm>> -> memref<632x128xf32, #tpu.memory_space<hbm>>
        %dma_wait3A_38 = arith.constant 0 : i32
        %dma_wait3A_39 = tpu.memref_slice %arg11[%mul3A_22, %dma_wait3A_38] : memref<10112x128xf32, #tpu.memory_space<vmem_shared>> -> memref<632x128xf32, #tpu.memory_space<vmem_shared>>
        tpu.wait_dma2 semaphore(%run_scoped3A_25 : memref<!tpu.dma_semaphore, #tpu.memory_space<semaphore_mem>>) src(%dma_wait3A_39 : memref<632x128xf32, #tpu.memory_space<vmem_shared>>) dst(%dma_wait3A_37 : memref<632x128xf32, #tpu.memory_space<hbm>>)
        tpu.yield
      }) : () -> ()
    } else {
    }
    return
  }
}

module attributes {stable_mosaic.version = 14 : i64} {
  func.func @_t_body(%arg0: i32, %arg1: memref<1000x256xf32, #tpu.memory_space<vmem>>, %arg2: memref<4x256x256xf32, #tpu.memory_space<vmem>>, %arg3: memref<4x1x256xf32, #tpu.memory_space<vmem>>, %arg4: memref<4x1000x128xf32, #tpu.memory_space<vmem>>, %arg5: memref<4x1000x128xf32, #tpu.memory_space<vmem>>) attributes {dimension_semantics = [#tpu.dimension_semantics<arbitrary>], iteration_bounds = array<i64: 10>, scalar_prefetch = 0 : i64, scratch_operands = 0 : i64, tpu.core_type = #tpu.core_type<tc>, window_params = [{transform_indices = @transform_0, window_bounds = array<i64: 1000, 256>}, {pipeline_mode = #tpu.pipeline_mode<synchronous>, transform_indices = @transform_1, window_bounds = array<i64: 4, 256, 256>}, {pipeline_mode = #tpu.pipeline_mode<synchronous>, transform_indices = @transform_2, window_bounds = array<i64: 4, 1, 256>}, {transform_indices = @transform_3, window_bounds = array<i64: 4, 1000, 128>}, {transform_indices = @transform_4, window_bounds = array<i64: 4, 1000, 128>}]} {
    %get3A = arith.constant 0 : index
    %get3A_0 = arith.constant 0 : index
    %get3A_1 = vector.load %arg1[%get3A, %get3A_0] : memref<1000x256xf32, #tpu.memory_space<vmem>>, vector<1000x256xf32>
    %get3A_2 = arith.constant 0 : index
    %get3A_3 = arith.constant 0 : index
    %get3A_4 = arith.constant 0 : index
    %get3A_5 = vector.load %arg2[%get3A_2, %get3A_3, %get3A_4] : memref<4x256x256xf32, #tpu.memory_space<vmem>>, vector<1x256x256xf32>
    %get3A_6 = vector.shape_cast %get3A_5 : vector<1x256x256xf32> to vector<256x256xf32>
    %dot_general3A = arith.constant dense<0.000000e+00> : vector<1000x256xf32>
    %dot_general3A_7 = tpu.matmul %get3A_1, %get3A_6, %dot_general3A {dimension_numbers = #tpu.dot_dimension_numbers<[1], [0], [0], [1], [0, 0, 1, 1], [], []>, transpose_lhs_hint = false} : vector<1000x256xf32>, vector<256x256xf32>, vector<1000x256xf32> -> vector<1000x256xf32>
    %get3A_8 = arith.constant 0 : index
    %get3A_9 = arith.constant 0 : index
    %get3A_10 = arith.constant 0 : index
    %get3A_11 = vector.load %arg3[%get3A_8, %get3A_9, %get3A_10] : memref<4x1x256xf32, #tpu.memory_space<vmem>>, vector<1x1x256xf32>
    %get3A_12 = vector.shape_cast %get3A_11 : vector<1x1x256xf32> to vector<1x256xf32>
    %add3A = vector.broadcast %get3A_12 : vector<1x256xf32> to vector<1000x256xf32>
    %add3A_13 = arith.addf %dot_general3A_7, %add3A : vector<1000x256xf32>
    %slice3A = vector.extract_strided_slice %add3A_13 {offsets = [0, 0], sizes = [1000, 128], strides = [1, 1]} : vector<1000x256xf32> to vector<1000x128xf32>
    %swap3A = arith.constant 0 : index
    %swap3A_14 = arith.constant 0 : index
    %swap3A_15 = arith.constant 0 : index
    %swap3A_16 = vector.load %arg4[%swap3A, %swap3A_14, %swap3A_15] : memref<4x1000x128xf32, #tpu.memory_space<vmem>>, vector<1x1000x128xf32>
    %swap3A_17 = vector.shape_cast %swap3A_16 : vector<1x1000x128xf32> to vector<1000x128xf32>
    %swap3A_18 = vector.shape_cast %slice3A : vector<1000x128xf32> to vector<1x1000x128xf32>
    tpu.vector_store %arg4[%swap3A, %swap3A_14, %swap3A_15], %swap3A_18 {strides = array<i32>} : memref<4x1000x128xf32, #tpu.memory_space<vmem>>, vector<1x1000x128xf32>,
    %slice3A_19 = vector.extract_strided_slice %add3A_13 {offsets = [0, 128], sizes = [1000, 128], strides = [1, 1]} : vector<1000x256xf32> to vector<1000x128xf32>
    %swap3A_20 = arith.constant 0 : index
    %swap3A_21 = arith.constant 0 : index
    %swap3A_22 = arith.constant 0 : index
    %swap3A_23 = vector.load %arg5[%swap3A_20, %swap3A_21, %swap3A_22] : memref<4x1000x128xf32, #tpu.memory_space<vmem>>, vector<1x1000x128xf32>
    %swap3A_24 = vector.shape_cast %swap3A_23 : vector<1x1000x128xf32> to vector<1000x128xf32>
    %swap3A_25 = vector.shape_cast %slice3A_19 : vector<1000x128xf32> to vector<1x1000x128xf32>
    tpu.vector_store %arg5[%swap3A_20, %swap3A_21, %swap3A_22], %swap3A_25 {strides = array<i32>} : memref<4x1000x128xf32, #tpu.memory_space<vmem>>, vector<1x1000x128xf32>,
    %get3A_26 = arith.constant 1 : index
    %get3A_27 = arith.constant 0 : index
    %get3A_28 = arith.constant 0 : index
    %get3A_29 = vector.load %arg2[%get3A_26, %get3A_27, %get3A_28] : memref<4x256x256xf32, #tpu.memory_space<vmem>>, vector<1x256x256xf32>
    %get3A_30 = vector.shape_cast %get3A_29 : vector<1x256x256xf32> to vector<256x256xf32>
    %dot_general3A_31 = arith.constant dense<0.000000e+00> : vector<1000x256xf32>
    %dot_general3A_32 = tpu.matmul %get3A_1, %get3A_30, %dot_general3A_31 {dimension_numbers = #tpu.dot_dimension_numbers<[1], [0], [0], [1], [0, 0, 1, 1], [], []>, transpose_lhs_hint = false} : vector<1000x256xf32>, vector<256x256xf32>, vector<1000x256xf32> -> vector<1000x256xf32>
    %get3A_33 = arith.constant 1 : index
    %get3A_34 = arith.constant 0 : index
    %get3A_35 = arith.constant 0 : index
    %get3A_36 = vector.load %arg3[%get3A_33, %get3A_34, %get3A_35] : memref<4x1x256xf32, #tpu.memory_space<vmem>>, vector<1x1x256xf32>
    %get3A_37 = vector.shape_cast %get3A_36 : vector<1x1x256xf32> to vector<1x256xf32>
    %add3A_38 = vector.broadcast %get3A_37 : vector<1x256xf32> to vector<1000x256xf32>
    %add3A_39 = arith.addf %dot_general3A_32, %add3A_38 : vector<1000x256xf32>
    %slice3A_40 = vector.extract_strided_slice %add3A_39 {offsets = [0, 0], sizes = [1000, 128], strides = [1, 1]} : vector<1000x256xf32> to vector<1000x128xf32>
    %swap3A_41 = arith.constant 1 : index
    %swap3A_42 = arith.constant 0 : index
    %swap3A_43 = arith.constant 0 : index
    %swap3A_44 = vector.load %arg4[%swap3A_41, %swap3A_42, %swap3A_43] : memref<4x1000x128xf32, #tpu.memory_space<vmem>>, vector<1x1000x128xf32>
    %swap3A_45 = vector.shape_cast %swap3A_44 : vector<1x1000x128xf32> to vector<1000x128xf32>
    %swap3A_46 = vector.shape_cast %slice3A_40 : vector<1000x128xf32> to vector<1x1000x128xf32>
    tpu.vector_store %arg4[%swap3A_41, %swap3A_42, %swap3A_43], %swap3A_46 {strides = array<i32>} : memref<4x1000x128xf32, #tpu.memory_space<vmem>>, vector<1x1000x128xf32>,
    %slice3A_47 = vector.extract_strided_slice %add3A_39 {offsets = [0, 128], sizes = [1000, 128], strides = [1, 1]} : vector<1000x256xf32> to vector<1000x128xf32>
    %swap3A_48 = arith.constant 1 : index
    %swap3A_49 = arith.constant 0 : index
    %swap3A_50 = arith.constant 0 : index
    %swap3A_51 = vector.load %arg5[%swap3A_48, %swap3A_49, %swap3A_50] : memref<4x1000x128xf32, #tpu.memory_space<vmem>>, vector<1x1000x128xf32>
    %swap3A_52 = vector.shape_cast %swap3A_51 : vector<1x1000x128xf32> to vector<1000x128xf32>
    %swap3A_53 = vector.shape_cast %slice3A_47 : vector<1000x128xf32> to vector<1x1000x128xf32>
    tpu.vector_store %arg5[%swap3A_48, %swap3A_49, %swap3A_50], %swap3A_53 {strides = array<i32>} : memref<4x1000x128xf32, #tpu.memory_space<vmem>>, vector<1x1000x128xf32>,
    %get3A_54 = arith.constant 2 : index
    %get3A_55 = arith.constant 0 : index
    %get3A_56 = arith.constant 0 : index
    %get3A_57 = vector.load %arg2[%get3A_54, %get3A_55, %get3A_56] : memref<4x256x256xf32, #tpu.memory_space<vmem>>, vector<1x256x256xf32>
    %get3A_58 = vector.shape_cast %get3A_57 : vector<1x256x256xf32> to vector<256x256xf32>
    %dot_general3A_59 = arith.constant dense<0.000000e+00> : vector<1000x256xf32>
    %dot_general3A_60 = tpu.matmul %get3A_1, %get3A_58, %dot_general3A_59 {dimension_numbers = #tpu.dot_dimension_numbers<[1], [0], [0], [1], [0, 0, 1, 1], [], []>, transpose_lhs_hint = false} : vector<1000x256xf32>, vector<256x256xf32>, vector<1000x256xf32> -> vector<1000x256xf32>
    %get3A_61 = arith.constant 2 : index
    %get3A_62 = arith.constant 0 : index
    %get3A_63 = arith.constant 0 : index
    %get3A_64 = vector.load %arg3[%get3A_61, %get3A_62, %get3A_63] : memref<4x1x256xf32, #tpu.memory_space<vmem>>, vector<1x1x256xf32>
    %get3A_65 = vector.shape_cast %get3A_64 : vector<1x1x256xf32> to vector<1x256xf32>
    %add3A_66 = vector.broadcast %get3A_65 : vector<1x256xf32> to vector<1000x256xf32>
    %add3A_67 = arith.addf %dot_general3A_60, %add3A_66 : vector<1000x256xf32>
    %slice3A_68 = vector.extract_strided_slice %add3A_67 {offsets = [0, 0], sizes = [1000, 128], strides = [1, 1]} : vector<1000x256xf32> to vector<1000x128xf32>
    %swap3A_69 = arith.constant 2 : index
    %swap3A_70 = arith.constant 0 : index
    %swap3A_71 = arith.constant 0 : index
    %swap3A_72 = vector.load %arg4[%swap3A_69, %swap3A_70, %swap3A_71] : memref<4x1000x128xf32, #tpu.memory_space<vmem>>, vector<1x1000x128xf32>
    %swap3A_73 = vector.shape_cast %swap3A_72 : vector<1x1000x128xf32> to vector<1000x128xf32>
    %swap3A_74 = vector.shape_cast %slice3A_68 : vector<1000x128xf32> to vector<1x1000x128xf32>
    tpu.vector_store %arg4[%swap3A_69, %swap3A_70, %swap3A_71], %swap3A_74 {strides = array<i32>} : memref<4x1000x128xf32, #tpu.memory_space<vmem>>, vector<1x1000x128xf32>,
    %slice3A_75 = vector.extract_strided_slice %add3A_67 {offsets = [0, 128], sizes = [1000, 128], strides = [1, 1]} : vector<1000x256xf32> to vector<1000x128xf32>
    %swap3A_76 = arith.constant 2 : index
    %swap3A_77 = arith.constant 0 : index
    %swap3A_78 = arith.constant 0 : index
    %swap3A_79 = vector.load %arg5[%swap3A_76, %swap3A_77, %swap3A_78] : memref<4x1000x128xf32, #tpu.memory_space<vmem>>, vector<1x1000x128xf32>
    %swap3A_80 = vector.shape_cast %swap3A_79 : vector<1x1000x128xf32> to vector<1000x128xf32>
    %swap3A_81 = vector.shape_cast %slice3A_75 : vector<1000x128xf32> to vector<1x1000x128xf32>
    tpu.vector_store %arg5[%swap3A_76, %swap3A_77, %swap3A_78], %swap3A_81 {strides = array<i32>} : memref<4x1000x128xf32, #tpu.memory_space<vmem>>, vector<1x1000x128xf32>,
    %get3A_82 = arith.constant 3 : index
    %get3A_83 = arith.constant 0 : index
    %get3A_84 = arith.constant 0 : index
    %get3A_85 = vector.load %arg2[%get3A_82, %get3A_83, %get3A_84] : memref<4x256x256xf32, #tpu.memory_space<vmem>>, vector<1x256x256xf32>
    %get3A_86 = vector.shape_cast %get3A_85 : vector<1x256x256xf32> to vector<256x256xf32>
    %dot_general3A_87 = arith.constant dense<0.000000e+00> : vector<1000x256xf32>
    %dot_general3A_88 = tpu.matmul %get3A_1, %get3A_86, %dot_general3A_87 {dimension_numbers = #tpu.dot_dimension_numbers<[1], [0], [0], [1], [0, 0, 1, 1], [], []>, transpose_lhs_hint = false} : vector<1000x256xf32>, vector<256x256xf32>, vector<1000x256xf32> -> vector<1000x256xf32>
    %get3A_89 = arith.constant 3 : index
    %get3A_90 = arith.constant 0 : index
    %get3A_91 = arith.constant 0 : index
    %get3A_92 = vector.load %arg3[%get3A_89, %get3A_90, %get3A_91] : memref<4x1x256xf32, #tpu.memory_space<vmem>>, vector<1x1x256xf32>
    %get3A_93 = vector.shape_cast %get3A_92 : vector<1x1x256xf32> to vector<1x256xf32>
    %add3A_94 = vector.broadcast %get3A_93 : vector<1x256xf32> to vector<1000x256xf32>
    %add3A_95 = arith.addf %dot_general3A_88, %add3A_94 : vector<1000x256xf32>
    %slice3A_96 = vector.extract_strided_slice %add3A_95 {offsets = [0, 0], sizes = [1000, 128], strides = [1, 1]} : vector<1000x256xf32> to vector<1000x128xf32>
    %swap3A_97 = arith.constant 3 : index
    %swap3A_98 = arith.constant 0 : index
    %swap3A_99 = arith.constant 0 : index
    %swap3A_100 = vector.load %arg4[%swap3A_97, %swap3A_98, %swap3A_99] : memref<4x1000x128xf32, #tpu.memory_space<vmem>>, vector<1x1000x128xf32>
    %swap3A_101 = vector.shape_cast %swap3A_100 : vector<1x1000x128xf32> to vector<1000x128xf32>
    %swap3A_102 = vector.shape_cast %slice3A_96 : vector<1000x128xf32> to vector<1x1000x128xf32>
    tpu.vector_store %arg4[%swap3A_97, %swap3A_98, %swap3A_99], %swap3A_102 {strides = array<i32>} : memref<4x1000x128xf32, #tpu.memory_space<vmem>>, vector<1x1000x128xf32>,
    %slice3A_103 = vector.extract_strided_slice %add3A_95 {offsets = [0, 128], sizes = [1000, 128], strides = [1, 1]} : vector<1000x256xf32> to vector<1000x128xf32>
    %swap3A_104 = arith.constant 3 : index
    %swap3A_105 = arith.constant 0 : index
    %swap3A_106 = arith.constant 0 : index
    %swap3A_107 = vector.load %arg5[%swap3A_104, %swap3A_105, %swap3A_106] : memref<4x1000x128xf32, #tpu.memory_space<vmem>>, vector<1x1000x128xf32>
    %swap3A_108 = vector.shape_cast %swap3A_107 : vector<1x1000x128xf32> to vector<1000x128xf32>
    %swap3A_109 = vector.shape_cast %slice3A_103 : vector<1000x128xf32> to vector<1x1000x128xf32>
    tpu.vector_store %arg5[%swap3A_104, %swap3A_105, %swap3A_106], %swap3A_109 {strides = array<i32>} : memref<4x1000x128xf32, #tpu.memory_space<vmem>>, vector<1x1000x128xf32>,
    return
  }
  func.func @transform_0(%arg0: i32) -> (i32, i32) {
    %c0_i32 = arith.constant 0 : i32
    %c0_i32_0 = arith.constant 0 : i32
    return %arg0, %c0_i32 : i32, i32
  }
  func.func @transform_1(%arg0: i32) -> (i32, i32, i32) {
    %c0_i32 = arith.constant 0 : i32
    %c0_i32_0 = arith.constant 0 : i32
    %c0_i32_1 = arith.constant 0 : i32
    %c0_i32_2 = arith.constant 0 : i32
    return %c0_i32, %c0_i32_0, %c0_i32_1 : i32, i32, i32
  }
  func.func @transform_2(%arg0: i32) -> (i32, i32, i32) {
    %c0_i32 = arith.constant 0 : i32
    %c0_i32_0 = arith.constant 0 : i32
    %c0_i32_1 = arith.constant 0 : i32
    %c0_i32_2 = arith.constant 0 : i32
    return %c0_i32, %c0_i32_0, %c0_i32_1 : i32, i32, i32
  }
  func.func @transform_3(%arg0: i32) -> (i32, i32, i32) {
    %c0_i32 = arith.constant 0 : i32
    %c0_i32_0 = arith.constant 0 : i32
    %c0_i32_1 = arith.constant 0 : i32
    return %c0_i32, %arg0, %c0_i32_0 : i32, i32, i32
  }
  func.func @transform_4(%arg0: i32) -> (i32, i32, i32) {
    %c0_i32 = arith.constant 0 : i32
    %c0_i32_0 = arith.constant 0 : i32
    %c0_i32_1 = arith.constant 0 : i32
    return %c0_i32, %arg0, %c0_i32_0 : i32, i32, i32
  }
}

module attributes {stable_mosaic.version = 14 : i64} {
  func.func @_a_body(%arg0: i32, %arg1: memref<1000x256xf32, #tpu.memory_space<vmem>>, %arg2: memref<2x1000x128xf32, #tpu.memory_space<vmem>>, %arg3: memref<256x768xf32, #tpu.memory_space<vmem>>, %arg4: memref<256x768xf32, #tpu.memory_space<vmem>>, %arg5: memref<1x768xf32, #tpu.memory_space<vmem>>, %arg6: memref<1x768xf32, #tpu.memory_space<vmem>>, %arg7: memref<4x256x256xf32, #tpu.memory_space<vmem>>, %arg8: memref<4x1x256xf32, #tpu.memory_space<vmem>>, %arg9: memref<1000x256xf32, #tpu.memory_space<vmem>>, %arg10: memref<4x1000x128xf32, #tpu.memory_space<vmem>>, %arg11: memref<4x1000x128xf32, #tpu.memory_space<vmem>>) attributes {dimension_semantics = [#tpu.dimension_semantics<arbitrary>], iteration_bounds = array<i64: 10>, scalar_prefetch = 0 : i64, scratch_operands = 0 : i64, tpu.core_type = #tpu.core_type<tc>, window_params = [{transform_indices = @transform_0, window_bounds = array<i64: 1000, 256>}, {transform_indices = @transform_1, window_bounds = array<i64: 2, 1000, 128>}, {pipeline_mode = #tpu.pipeline_mode<synchronous>, transform_indices = @transform_2, window_bounds = array<i64: 256, 768>}, {pipeline_mode = #tpu.pipeline_mode<synchronous>, transform_indices = @transform_3, window_bounds = array<i64: 256, 768>}, {pipeline_mode = #tpu.pipeline_mode<synchronous>, transform_indices = @transform_4, window_bounds = array<i64: 1, 768>}, {pipeline_mode = #tpu.pipeline_mode<synchronous>, transform_indices = @transform_5, window_bounds = array<i64: 1, 768>}, {pipeline_mode = #tpu.pipeline_mode<synchronous>, transform_indices = @transform_6, window_bounds = array<i64: 4, 256, 256>}, {pipeline_mode = #tpu.pipeline_mode<synchronous>, transform_indices = @transform_7, window_bounds = array<i64: 4, 1, 256>}, {transform_indices = @transform_8, window_bounds = array<i64: 1000, 256>}, {transform_indices = @transform_9, window_bounds = array<i64: 4, 1000, 128>}, {transform_indices = @transform_10, window_bounds = array<i64: 4, 1000, 128>}]} {
    %get3A = arith.constant 0 : index
    %get3A_0 = arith.constant 0 : index
    %get3A_1 = vector.load %arg1[%get3A, %get3A_0] : memref<1000x256xf32, #tpu.memory_space<vmem>>, vector<1000x256xf32>
    %get3A_2 = arith.constant 0 : index
    %get3A_3 = arith.constant 0 : index
    %get3A_4 = arith.constant 0 : index
    %get3A_5 = vector.load %arg2[%get3A_2, %get3A_3, %get3A_4] : memref<2x1000x128xf32, #tpu.memory_space<vmem>>, vector<1x1000x128xf32>
    %get3A_6 = vector.shape_cast %get3A_5 : vector<1x1000x128xf32> to vector<1000x128xf32>
    %get3A_7 = arith.constant 1 : index
    %get3A_8 = arith.constant 0 : index
    %get3A_9 = arith.constant 0 : index
    %get3A_10 = vector.load %arg2[%get3A_7, %get3A_8, %get3A_9] : memref<2x1000x128xf32, #tpu.memory_space<vmem>>, vector<1x1000x128xf32>
    %get3A_11 = vector.shape_cast %get3A_10 : vector<1x1000x128xf32> to vector<1000x128xf32>
    %concatenate3A = tpu.concatenate %get3A_6, %get3A_11 in 1 : vector<1000x128xf32>, vector<1000x128xf32> -> vector<1000x256xf32>
    %get3A_12 = arith.constant 0 : index
    %get3A_13 = arith.constant 0 : index
    %get3A_14 = vector.load %arg3[%get3A_12, %get3A_13] : memref<256x768xf32, #tpu.memory_space<vmem>>, vector<256x768xf32>
    %dot_general3A = arith.constant dense<0.000000e+00> : vector<1000x768xf32>
    %dot_general3A_15 = tpu.matmul %concatenate3A, %get3A_14, %dot_general3A {dimension_numbers = #tpu.dot_dimension_numbers<[1], [0], [0], [1], [0, 0, 1, 1], [], []>, transpose_lhs_hint = false} : vector<1000x256xf32>, vector<256x768xf32>, vector<1000x768xf32> -> vector<1000x768xf32>
    %get3A_16 = arith.constant 0 : index
    %get3A_17 = arith.constant 0 : index
    %get3A_18 = vector.load %arg5[%get3A_16, %get3A_17] : memref<1x768xf32, #tpu.memory_space<vmem>>, vector<1x768xf32>
    %add3A = vector.broadcast %get3A_18 : vector<1x768xf32> to vector<1000x768xf32>
    %add3A_19 = arith.addf %dot_general3A_15, %add3A : vector<1000x768xf32>
    %get3A_20 = arith.constant 0 : index
    %get3A_21 = arith.constant 0 : index
    %get3A_22 = vector.load %arg4[%get3A_20, %get3A_21] : memref<256x768xf32, #tpu.memory_space<vmem>>, vector<256x768xf32>
    %dot_general3A_23 = arith.constant dense<0.000000e+00> : vector<1000x768xf32>
    %dot_general3A_24 = tpu.matmul %get3A_1, %get3A_22, %dot_general3A_23 {dimension_numbers = #tpu.dot_dimension_numbers<[1], [0], [0], [1], [0, 0, 1, 1], [], []>, transpose_lhs_hint = false} : vector<1000x256xf32>, vector<256x768xf32>, vector<1000x768xf32> -> vector<1000x768xf32>
    %get3A_25 = arith.constant 0 : index
    %get3A_26 = arith.constant 0 : index
    %get3A_27 = vector.load %arg6[%get3A_25, %get3A_26] : memref<1x768xf32, #tpu.memory_space<vmem>>, vector<1x768xf32>
    %add3A_28 = vector.broadcast %get3A_27 : vector<1x768xf32> to vector<1000x768xf32>
    %add3A_29 = arith.addf %dot_general3A_24, %add3A_28 : vector<1000x768xf32>
    %slice3A = vector.extract_strided_slice %add3A_19 {offsets = [0, 0], sizes = [1000, 256], strides = [1, 1]} : vector<1000x768xf32> to vector<1000x256xf32>
    %slice3A_30 = vector.extract_strided_slice %add3A_29 {offsets = [0, 0], sizes = [1000, 256], strides = [1, 1]} : vector<1000x768xf32> to vector<1000x256xf32>
    %add3A_31 = arith.addf %slice3A, %slice3A_30 : vector<1000x256xf32>
    %logistic3A = arith.negf %add3A_31 : vector<1000x256xf32>
    %logistic3A_32 = math.exp %logistic3A : vector<1000x256xf32>
    %logistic3A_33 = arith.constant 1.000000e+00 : f32
    %logistic3A_34 = vector.broadcast %logistic3A_33 : f32 to vector<1000x256xf32>
    %logistic3A_35 = arith.addf %logistic3A_34, %logistic3A_32 : vector<1000x256xf32>
    %logistic3A_36 = arith.divf %logistic3A_34, %logistic3A_35 : vector<1000x256xf32>
    %slice3A_37 = vector.extract_strided_slice %add3A_19 {offsets = [0, 256], sizes = [1000, 256], strides = [1, 1]} : vector<1000x768xf32> to vector<1000x256xf32>
    %slice3A_38 = vector.extract_strided_slice %add3A_29 {offsets = [0, 256], sizes = [1000, 256], strides = [1, 1]} : vector<1000x768xf32> to vector<1000x256xf32>
    %add3A_39 = arith.addf %slice3A_37, %slice3A_38 : vector<1000x256xf32>
    %logistic3A_40 = arith.negf %add3A_39 : vector<1000x256xf32>
    %logistic3A_41 = math.exp %logistic3A_40 : vector<1000x256xf32>
    %logistic3A_42 = arith.constant 1.000000e+00 : f32
    %logistic3A_43 = vector.broadcast %logistic3A_42 : f32 to vector<1000x256xf32>
    %logistic3A_44 = arith.addf %logistic3A_43, %logistic3A_41 : vector<1000x256xf32>
    %logistic3A_45 = arith.divf %logistic3A_43, %logistic3A_44 : vector<1000x256xf32>
    %slice3A_46 = vector.extract_strided_slice %add3A_19 {offsets = [0, 512], sizes = [1000, 256], strides = [1, 1]} : vector<1000x768xf32> to vector<1000x256xf32>
    %slice3A_47 = vector.extract_strided_slice %add3A_29 {offsets = [0, 512], sizes = [1000, 256], strides = [1, 1]} : vector<1000x768xf32> to vector<1000x256xf32>
    %mul3A = arith.mulf %logistic3A_36, %slice3A_47 : vector<1000x256xf32>
    %add3A_48 = arith.addf %slice3A_46, %mul3A : vector<1000x256xf32>
    %tanh3A = math.tanh %add3A_48 : vector<1000x256xf32>
    %sub3A = arith.constant 1.000000e+00 : f32
    %sub3A_49 = vector.broadcast %sub3A : f32 to vector<1000x256xf32>
    %sub3A_50 = arith.subf %sub3A_49, %logistic3A_45 : vector<1000x256xf32>
    %mul3A_51 = arith.mulf %sub3A_50, %tanh3A : vector<1000x256xf32>
    %mul3A_52 = arith.mulf %logistic3A_45, %get3A_1 : vector<1000x256xf32>
    %add3A_53 = arith.addf %mul3A_51, %mul3A_52 : vector<1000x256xf32>
    %swap3A = arith.constant 0 : index
    %swap3A_54 = arith.constant 0 : index
    %swap3A_55 = vector.load %arg9[%swap3A, %swap3A_54] : memref<1000x256xf32, #tpu.memory_space<vmem>>, vector<1000x256xf32>
    tpu.vector_store %arg9[%swap3A, %swap3A_54], %add3A_53 {strides = array<i32>} : memref<1000x256xf32, #tpu.memory_space<vmem>>, vector<1000x256xf32>,
    %get3A_56 = arith.constant 0 : index
    %get3A_57 = arith.constant 0 : index
    %get3A_58 = arith.constant 0 : index
    %get3A_59 = vector.load %arg7[%get3A_56, %get3A_57, %get3A_58] : memref<4x256x256xf32, #tpu.memory_space<vmem>>, vector<1x256x256xf32>
    %get3A_60 = vector.shape_cast %get3A_59 : vector<1x256x256xf32> to vector<256x256xf32>
    %dot_general3A_61 = arith.constant dense<0.000000e+00> : vector<1000x256xf32>
    %dot_general3A_62 = tpu.matmul %add3A_53, %get3A_60, %dot_general3A_61 {dimension_numbers = #tpu.dot_dimension_numbers<[1], [0], [0], [1], [0, 0, 1, 1], [], []>, transpose_lhs_hint = false} : vector<1000x256xf32>, vector<256x256xf32>, vector<1000x256xf32> -> vector<1000x256xf32>
    %get3A_63 = arith.constant 0 : index
    %get3A_64 = arith.constant 0 : index
    %get3A_65 = arith.constant 0 : index
    %get3A_66 = vector.load %arg8[%get3A_63, %get3A_64, %get3A_65] : memref<4x1x256xf32, #tpu.memory_space<vmem>>, vector<1x1x256xf32>
    %get3A_67 = vector.shape_cast %get3A_66 : vector<1x1x256xf32> to vector<1x256xf32>
    %add3A_68 = vector.broadcast %get3A_67 : vector<1x256xf32> to vector<1000x256xf32>
    %add3A_69 = arith.addf %dot_general3A_62, %add3A_68 : vector<1000x256xf32>
    %slice3A_70 = vector.extract_strided_slice %add3A_69 {offsets = [0, 0], sizes = [1000, 128], strides = [1, 1]} : vector<1000x256xf32> to vector<1000x128xf32>
    %swap3A_71 = arith.constant 0 : index
    %swap3A_72 = arith.constant 0 : index
    %swap3A_73 = arith.constant 0 : index
    %swap3A_74 = vector.load %arg10[%swap3A_71, %swap3A_72, %swap3A_73] : memref<4x1000x128xf32, #tpu.memory_space<vmem>>, vector<1x1000x128xf32>
    %swap3A_75 = vector.shape_cast %swap3A_74 : vector<1x1000x128xf32> to vector<1000x128xf32>
    %swap3A_76 = vector.shape_cast %slice3A_70 : vector<1000x128xf32> to vector<1x1000x128xf32>
    tpu.vector_store %arg10[%swap3A_71, %swap3A_72, %swap3A_73], %swap3A_76 {strides = array<i32>} : memref<4x1000x128xf32, #tpu.memory_space<vmem>>, vector<1x1000x128xf32>,
    %slice3A_77 = vector.extract_strided_slice %add3A_69 {offsets = [0, 128], sizes = [1000, 128], strides = [1, 1]} : vector<1000x256xf32> to vector<1000x128xf32>
    %swap3A_78 = arith.constant 0 : index
    %swap3A_79 = arith.constant 0 : index
    %swap3A_80 = arith.constant 0 : index
    %swap3A_81 = vector.load %arg11[%swap3A_78, %swap3A_79, %swap3A_80] : memref<4x1000x128xf32, #tpu.memory_space<vmem>>, vector<1x1000x128xf32>
    %swap3A_82 = vector.shape_cast %swap3A_81 : vector<1x1000x128xf32> to vector<1000x128xf32>
    %swap3A_83 = vector.shape_cast %slice3A_77 : vector<1000x128xf32> to vector<1x1000x128xf32>
    tpu.vector_store %arg11[%swap3A_78, %swap3A_79, %swap3A_80], %swap3A_83 {strides = array<i32>} : memref<4x1000x128xf32, #tpu.memory_space<vmem>>, vector<1x1000x128xf32>,
    %get3A_84 = arith.constant 1 : index
    %get3A_85 = arith.constant 0 : index
    %get3A_86 = arith.constant 0 : index
    %get3A_87 = vector.load %arg7[%get3A_84, %get3A_85, %get3A_86] : memref<4x256x256xf32, #tpu.memory_space<vmem>>, vector<1x256x256xf32>
    %get3A_88 = vector.shape_cast %get3A_87 : vector<1x256x256xf32> to vector<256x256xf32>
    %dot_general3A_89 = arith.constant dense<0.000000e+00> : vector<1000x256xf32>
    %dot_general3A_90 = tpu.matmul %add3A_53, %get3A_88, %dot_general3A_89 {dimension_numbers = #tpu.dot_dimension_numbers<[1], [0], [0], [1], [0, 0, 1, 1], [], []>, transpose_lhs_hint = false} : vector<1000x256xf32>, vector<256x256xf32>, vector<1000x256xf32> -> vector<1000x256xf32>
    %get3A_91 = arith.constant 1 : index
    %get3A_92 = arith.constant 0 : index
    %get3A_93 = arith.constant 0 : index
    %get3A_94 = vector.load %arg8[%get3A_91, %get3A_92, %get3A_93] : memref<4x1x256xf32, #tpu.memory_space<vmem>>, vector<1x1x256xf32>
    %get3A_95 = vector.shape_cast %get3A_94 : vector<1x1x256xf32> to vector<1x256xf32>
    %add3A_96 = vector.broadcast %get3A_95 : vector<1x256xf32> to vector<1000x256xf32>
    %add3A_97 = arith.addf %dot_general3A_90, %add3A_96 : vector<1000x256xf32>
    %slice3A_98 = vector.extract_strided_slice %add3A_97 {offsets = [0, 0], sizes = [1000, 128], strides = [1, 1]} : vector<1000x256xf32> to vector<1000x128xf32>
    %swap3A_99 = arith.constant 1 : index
    %swap3A_100 = arith.constant 0 : index
    %swap3A_101 = arith.constant 0 : index
    %swap3A_102 = vector.load %arg10[%swap3A_99, %swap3A_100, %swap3A_101] : memref<4x1000x128xf32, #tpu.memory_space<vmem>>, vector<1x1000x128xf32>
    %swap3A_103 = vector.shape_cast %swap3A_102 : vector<1x1000x128xf32> to vector<1000x128xf32>
    %swap3A_104 = vector.shape_cast %slice3A_98 : vector<1000x128xf32> to vector<1x1000x128xf32>
    tpu.vector_store %arg10[%swap3A_99, %swap3A_100, %swap3A_101], %swap3A_104 {strides = array<i32>} : memref<4x1000x128xf32, #tpu.memory_space<vmem>>, vector<1x1000x128xf32>,
    %slice3A_105 = vector.extract_strided_slice %add3A_97 {offsets = [0, 128], sizes = [1000, 128], strides = [1, 1]} : vector<1000x256xf32> to vector<1000x128xf32>
    %swap3A_106 = arith.constant 1 : index
    %swap3A_107 = arith.constant 0 : index
    %swap3A_108 = arith.constant 0 : index
    %swap3A_109 = vector.load %arg11[%swap3A_106, %swap3A_107, %swap3A_108] : memref<4x1000x128xf32, #tpu.memory_space<vmem>>, vector<1x1000x128xf32>
    %swap3A_110 = vector.shape_cast %swap3A_109 : vector<1x1000x128xf32> to vector<1000x128xf32>
    %swap3A_111 = vector.shape_cast %slice3A_105 : vector<1000x128xf32> to vector<1x1000x128xf32>
    tpu.vector_store %arg11[%swap3A_106, %swap3A_107, %swap3A_108], %swap3A_111 {strides = array<i32>} : memref<4x1000x128xf32, #tpu.memory_space<vmem>>, vector<1x1000x128xf32>,
    %get3A_112 = arith.constant 2 : index
    %get3A_113 = arith.constant 0 : index
    %get3A_114 = arith.constant 0 : index
    %get3A_115 = vector.load %arg7[%get3A_112, %get3A_113, %get3A_114] : memref<4x256x256xf32, #tpu.memory_space<vmem>>, vector<1x256x256xf32>
    %get3A_116 = vector.shape_cast %get3A_115 : vector<1x256x256xf32> to vector<256x256xf32>
    %dot_general3A_117 = arith.constant dense<0.000000e+00> : vector<1000x256xf32>
    %dot_general3A_118 = tpu.matmul %add3A_53, %get3A_116, %dot_general3A_117 {dimension_numbers = #tpu.dot_dimension_numbers<[1], [0], [0], [1], [0, 0, 1, 1], [], []>, transpose_lhs_hint = false} : vector<1000x256xf32>, vector<256x256xf32>, vector<1000x256xf32> -> vector<1000x256xf32>
    %get3A_119 = arith.constant 2 : index
    %get3A_120 = arith.constant 0 : index
    %get3A_121 = arith.constant 0 : index
    %get3A_122 = vector.load %arg8[%get3A_119, %get3A_120, %get3A_121] : memref<4x1x256xf32, #tpu.memory_space<vmem>>, vector<1x1x256xf32>
    %get3A_123 = vector.shape_cast %get3A_122 : vector<1x1x256xf32> to vector<1x256xf32>
    %add3A_124 = vector.broadcast %get3A_123 : vector<1x256xf32> to vector<1000x256xf32>
    %add3A_125 = arith.addf %dot_general3A_118, %add3A_124 : vector<1000x256xf32>
    %slice3A_126 = vector.extract_strided_slice %add3A_125 {offsets = [0, 0], sizes = [1000, 128], strides = [1, 1]} : vector<1000x256xf32> to vector<1000x128xf32>
    %swap3A_127 = arith.constant 2 : index
    %swap3A_128 = arith.constant 0 : index
    %swap3A_129 = arith.constant 0 : index
    %swap3A_130 = vector.load %arg10[%swap3A_127, %swap3A_128, %swap3A_129] : memref<4x1000x128xf32, #tpu.memory_space<vmem>>, vector<1x1000x128xf32>
    %swap3A_131 = vector.shape_cast %swap3A_130 : vector<1x1000x128xf32> to vector<1000x128xf32>
    %swap3A_132 = vector.shape_cast %slice3A_126 : vector<1000x128xf32> to vector<1x1000x128xf32>
    tpu.vector_store %arg10[%swap3A_127, %swap3A_128, %swap3A_129], %swap3A_132 {strides = array<i32>} : memref<4x1000x128xf32, #tpu.memory_space<vmem>>, vector<1x1000x128xf32>,
    %slice3A_133 = vector.extract_strided_slice %add3A_125 {offsets = [0, 128], sizes = [1000, 128], strides = [1, 1]} : vector<1000x256xf32> to vector<1000x128xf32>
    %swap3A_134 = arith.constant 2 : index
    %swap3A_135 = arith.constant 0 : index
    %swap3A_136 = arith.constant 0 : index
    %swap3A_137 = vector.load %arg11[%swap3A_134, %swap3A_135, %swap3A_136] : memref<4x1000x128xf32, #tpu.memory_space<vmem>>, vector<1x1000x128xf32>
    %swap3A_138 = vector.shape_cast %swap3A_137 : vector<1x1000x128xf32> to vector<1000x128xf32>
    %swap3A_139 = vector.shape_cast %slice3A_133 : vector<1000x128xf32> to vector<1x1000x128xf32>
    tpu.vector_store %arg11[%swap3A_134, %swap3A_135, %swap3A_136], %swap3A_139 {strides = array<i32>} : memref<4x1000x128xf32, #tpu.memory_space<vmem>>, vector<1x1000x128xf32>,
    %get3A_140 = arith.constant 3 : index
    %get3A_141 = arith.constant 0 : index
    %get3A_142 = arith.constant 0 : index
    %get3A_143 = vector.load %arg7[%get3A_140, %get3A_141, %get3A_142] : memref<4x256x256xf32, #tpu.memory_space<vmem>>, vector<1x256x256xf32>
    %get3A_144 = vector.shape_cast %get3A_143 : vector<1x256x256xf32> to vector<256x256xf32>
    %dot_general3A_145 = arith.constant dense<0.000000e+00> : vector<1000x256xf32>
    %dot_general3A_146 = tpu.matmul %add3A_53, %get3A_144, %dot_general3A_145 {dimension_numbers = #tpu.dot_dimension_numbers<[1], [0], [0], [1], [0, 0, 1, 1], [], []>, transpose_lhs_hint = false} : vector<1000x256xf32>, vector<256x256xf32>, vector<1000x256xf32> -> vector<1000x256xf32>
    %get3A_147 = arith.constant 3 : index
    %get3A_148 = arith.constant 0 : index
    %get3A_149 = arith.constant 0 : index
    %get3A_150 = vector.load %arg8[%get3A_147, %get3A_148, %get3A_149] : memref<4x1x256xf32, #tpu.memory_space<vmem>>, vector<1x1x256xf32>
    %get3A_151 = vector.shape_cast %get3A_150 : vector<1x1x256xf32> to vector<1x256xf32>
    %add3A_152 = vector.broadcast %get3A_151 : vector<1x256xf32> to vector<1000x256xf32>
    %add3A_153 = arith.addf %dot_general3A_146, %add3A_152 : vector<1000x256xf32>
    %slice3A_154 = vector.extract_strided_slice %add3A_153 {offsets = [0, 0], sizes = [1000, 128], strides = [1, 1]} : vector<1000x256xf32> to vector<1000x128xf32>
    %swap3A_155 = arith.constant 3 : index
    %swap3A_156 = arith.constant 0 : index
    %swap3A_157 = arith.constant 0 : index
    %swap3A_158 = vector.load %arg10[%swap3A_155, %swap3A_156, %swap3A_157] : memref<4x1000x128xf32, #tpu.memory_space<vmem>>, vector<1x1000x128xf32>
    %swap3A_159 = vector.shape_cast %swap3A_158 : vector<1x1000x128xf32> to vector<1000x128xf32>
    %swap3A_160 = vector.shape_cast %slice3A_154 : vector<1000x128xf32> to vector<1x1000x128xf32>
    tpu.vector_store %arg10[%swap3A_155, %swap3A_156, %swap3A_157], %swap3A_160 {strides = array<i32>} : memref<4x1000x128xf32, #tpu.memory_space<vmem>>, vector<1x1000x128xf32>,
    %slice3A_161 = vector.extract_strided_slice %add3A_153 {offsets = [0, 128], sizes = [1000, 128], strides = [1, 1]} : vector<1000x256xf32> to vector<1000x128xf32>
    %swap3A_162 = arith.constant 3 : index
    %swap3A_163 = arith.constant 0 : index
    %swap3A_164 = arith.constant 0 : index
    %swap3A_165 = vector.load %arg11[%swap3A_162, %swap3A_163, %swap3A_164] : memref<4x1000x128xf32, #tpu.memory_space<vmem>>, vector<1x1000x128xf32>
    %swap3A_166 = vector.shape_cast %swap3A_165 : vector<1x1000x128xf32> to vector<1000x128xf32>
    %swap3A_167 = vector.shape_cast %slice3A_161 : vector<1000x128xf32> to vector<1x1000x128xf32>
    tpu.vector_store %arg11[%swap3A_162, %swap3A_163, %swap3A_164], %swap3A_167 {strides = array<i32>} : memref<4x1000x128xf32, #tpu.memory_space<vmem>>, vector<1x1000x128xf32>,
    return
  }
  func.func @transform_0(%arg0: i32) -> (i32, i32) {
    %c0_i32 = arith.constant 0 : i32
    %c0_i32_0 = arith.constant 0 : i32
    return %arg0, %c0_i32 : i32, i32
  }
  func.func @transform_1(%arg0: i32) -> (i32, i32, i32) {
    %c0_i32 = arith.constant 0 : i32
    %c0_i32_0 = arith.constant 0 : i32
    %c0_i32_1 = arith.constant 0 : i32
    return %c0_i32, %arg0, %c0_i32_0 : i32, i32, i32
  }
  func.func @transform_2(%arg0: i32) -> (i32, i32) {
    %c0_i32 = arith.constant 0 : i32
    %c0_i32_0 = arith.constant 0 : i32
    %c0_i32_1 = arith.constant 0 : i32
    return %c0_i32, %c0_i32_0 : i32, i32
  }
  func.func @transform_3(%arg0: i32) -> (i32, i32) {
    %c0_i32 = arith.constant 0 : i32
    %c0_i32_0 = arith.constant 0 : i32
    %c0_i32_1 = arith.constant 0 : i32
    return %c0_i32, %c0_i32_0 : i32, i32
  }
  func.func @transform_4(%arg0: i32) -> (i32, i32) {
    %c0_i32 = arith.constant 0 : i32
    %c0_i32_0 = arith.constant 0 : i32
    %c0_i32_1 = arith.constant 0 : i32
    return %c0_i32, %c0_i32_0 : i32, i32
  }
  func.func @transform_5(%arg0: i32) -> (i32, i32) {
    %c0_i32 = arith.constant 0 : i32
    %c0_i32_0 = arith.constant 0 : i32
    %c0_i32_1 = arith.constant 0 : i32
    return %c0_i32, %c0_i32_0 : i32, i32
  }
  func.func @transform_6(%arg0: i32) -> (i32, i32, i32) {
    %c0_i32 = arith.constant 0 : i32
    %c0_i32_0 = arith.constant 0 : i32
    %c0_i32_1 = arith.constant 0 : i32
    %c0_i32_2 = arith.constant 0 : i32
    return %c0_i32, %c0_i32_0, %c0_i32_1 : i32, i32, i32
  }
  func.func @transform_7(%arg0: i32) -> (i32, i32, i32) {
    %c0_i32 = arith.constant 0 : i32
    %c0_i32_0 = arith.constant 0 : i32
    %c0_i32_1 = arith.constant 0 : i32
    %c0_i32_2 = arith.constant 0 : i32
    return %c0_i32, %c0_i32_0, %c0_i32_1 : i32, i32, i32
  }
  func.func @transform_8(%arg0: i32) -> (i32, i32) {
    %c0_i32 = arith.constant 0 : i32
    %c0_i32_0 = arith.constant 0 : i32
    return %arg0, %c0_i32 : i32, i32
  }
  func.func @transform_9(%arg0: i32) -> (i32, i32, i32) {
    %c0_i32 = arith.constant 0 : i32
    %c0_i32_0 = arith.constant 0 : i32
    %c0_i32_1 = arith.constant 0 : i32
    return %c0_i32, %arg0, %c0_i32_0 : i32, i32, i32
  }
  func.func @transform_10(%arg0: i32) -> (i32, i32, i32) {
    %c0_i32 = arith.constant 0 : i32
    %c0_i32_0 = arith.constant 0 : i32
    %c0_i32_1 = arith.constant 0 : i32
    return %c0_i32, %arg0, %c0_i32_0 : i32, i32, i32
  }
}

module attributes {stable_mosaic.version = 14 : i64} {
  func.func @_g_body(%arg0: i32, %arg1: memref<1000x256xf32, #tpu.memory_space<vmem>>, %arg2: memref<2x1000x128xf32, #tpu.memory_space<vmem>>, %arg3: memref<256x768xf32, #tpu.memory_space<vmem>>, %arg4: memref<256x768xf32, #tpu.memory_space<vmem>>, %arg5: memref<1x768xf32, #tpu.memory_space<vmem>>, %arg6: memref<1x768xf32, #tpu.memory_space<vmem>>, %arg7: memref<1000x256xf32, #tpu.memory_space<vmem>>) attributes {dimension_semantics = [#tpu.dimension_semantics<arbitrary>], iteration_bounds = array<i64: 10>, scalar_prefetch = 0 : i64, scratch_operands = 0 : i64, tpu.core_type = #tpu.core_type<tc>, window_params = [{transform_indices = @transform_0, window_bounds = array<i64: 1000, 256>}, {transform_indices = @transform_1, window_bounds = array<i64: 2, 1000, 128>}, {pipeline_mode = #tpu.pipeline_mode<synchronous>, transform_indices = @transform_2, window_bounds = array<i64: 256, 768>}, {pipeline_mode = #tpu.pipeline_mode<synchronous>, transform_indices = @transform_3, window_bounds = array<i64: 256, 768>}, {pipeline_mode = #tpu.pipeline_mode<synchronous>, transform_indices = @transform_4, window_bounds = array<i64: 1, 768>}, {pipeline_mode = #tpu.pipeline_mode<synchronous>, transform_indices = @transform_5, window_bounds = array<i64: 1, 768>}, {transform_indices = @transform_6, window_bounds = array<i64: 1000, 256>}]} {
    %get3A = arith.constant 0 : index
    %get3A_0 = arith.constant 0 : index
    %get3A_1 = vector.load %arg1[%get3A, %get3A_0] : memref<1000x256xf32, #tpu.memory_space<vmem>>, vector<1000x256xf32>
    %get3A_2 = arith.constant 0 : index
    %get3A_3 = arith.constant 0 : index
    %get3A_4 = arith.constant 0 : index
    %get3A_5 = vector.load %arg2[%get3A_2, %get3A_3, %get3A_4] : memref<2x1000x128xf32, #tpu.memory_space<vmem>>, vector<1x1000x128xf32>
    %get3A_6 = vector.shape_cast %get3A_5 : vector<1x1000x128xf32> to vector<1000x128xf32>
    %get3A_7 = arith.constant 1 : index
    %get3A_8 = arith.constant 0 : index
    %get3A_9 = arith.constant 0 : index
    %get3A_10 = vector.load %arg2[%get3A_7, %get3A_8, %get3A_9] : memref<2x1000x128xf32, #tpu.memory_space<vmem>>, vector<1x1000x128xf32>
    %get3A_11 = vector.shape_cast %get3A_10 : vector<1x1000x128xf32> to vector<1000x128xf32>
    %concatenate3A = tpu.concatenate %get3A_6, %get3A_11 in 1 : vector<1000x128xf32>, vector<1000x128xf32> -> vector<1000x256xf32>
    %get3A_12 = arith.constant 0 : index
    %get3A_13 = arith.constant 0 : index
    %get3A_14 = vector.load %arg3[%get3A_12, %get3A_13] : memref<256x768xf32, #tpu.memory_space<vmem>>, vector<256x768xf32>
    %dot_general3A = arith.constant dense<0.000000e+00> : vector<1000x768xf32>
    %dot_general3A_15 = tpu.matmul %concatenate3A, %get3A_14, %dot_general3A {dimension_numbers = #tpu.dot_dimension_numbers<[1], [0], [0], [1], [0, 0, 1, 1], [], []>, transpose_lhs_hint = false} : vector<1000x256xf32>, vector<256x768xf32>, vector<1000x768xf32> -> vector<1000x768xf32>
    %get3A_16 = arith.constant 0 : index
    %get3A_17 = arith.constant 0 : index
    %get3A_18 = vector.load %arg5[%get3A_16, %get3A_17] : memref<1x768xf32, #tpu.memory_space<vmem>>, vector<1x768xf32>
    %add3A = vector.broadcast %get3A_18 : vector<1x768xf32> to vector<1000x768xf32>
    %add3A_19 = arith.addf %dot_general3A_15, %add3A : vector<1000x768xf32>
    %get3A_20 = arith.constant 0 : index
    %get3A_21 = arith.constant 0 : index
    %get3A_22 = vector.load %arg4[%get3A_20, %get3A_21] : memref<256x768xf32, #tpu.memory_space<vmem>>, vector<256x768xf32>
    %dot_general3A_23 = arith.constant dense<0.000000e+00> : vector<1000x768xf32>
    %dot_general3A_24 = tpu.matmul %get3A_1, %get3A_22, %dot_general3A_23 {dimension_numbers = #tpu.dot_dimension_numbers<[1], [0], [0], [1], [0, 0, 1, 1], [], []>, transpose_lhs_hint = false} : vector<1000x256xf32>, vector<256x768xf32>, vector<1000x768xf32> -> vector<1000x768xf32>
    %get3A_25 = arith.constant 0 : index
    %get3A_26 = arith.constant 0 : index
    %get3A_27 = vector.load %arg6[%get3A_25, %get3A_26] : memref<1x768xf32, #tpu.memory_space<vmem>>, vector<1x768xf32>
    %add3A_28 = vector.broadcast %get3A_27 : vector<1x768xf32> to vector<1000x768xf32>
    %add3A_29 = arith.addf %dot_general3A_24, %add3A_28 : vector<1000x768xf32>
    %slice3A = vector.extract_strided_slice %add3A_19 {offsets = [0, 0], sizes = [1000, 256], strides = [1, 1]} : vector<1000x768xf32> to vector<1000x256xf32>
    %slice3A_30 = vector.extract_strided_slice %add3A_29 {offsets = [0, 0], sizes = [1000, 256], strides = [1, 1]} : vector<1000x768xf32> to vector<1000x256xf32>
    %add3A_31 = arith.addf %slice3A, %slice3A_30 : vector<1000x256xf32>
    %logistic3A = arith.negf %add3A_31 : vector<1000x256xf32>
    %logistic3A_32 = math.exp %logistic3A : vector<1000x256xf32>
    %logistic3A_33 = arith.constant 1.000000e+00 : f32
    %logistic3A_34 = vector.broadcast %logistic3A_33 : f32 to vector<1000x256xf32>
    %logistic3A_35 = arith.addf %logistic3A_34, %logistic3A_32 : vector<1000x256xf32>
    %logistic3A_36 = arith.divf %logistic3A_34, %logistic3A_35 : vector<1000x256xf32>
    %slice3A_37 = vector.extract_strided_slice %add3A_19 {offsets = [0, 256], sizes = [1000, 256], strides = [1, 1]} : vector<1000x768xf32> to vector<1000x256xf32>
    %slice3A_38 = vector.extract_strided_slice %add3A_29 {offsets = [0, 256], sizes = [1000, 256], strides = [1, 1]} : vector<1000x768xf32> to vector<1000x256xf32>
    %add3A_39 = arith.addf %slice3A_37, %slice3A_38 : vector<1000x256xf32>
    %logistic3A_40 = arith.negf %add3A_39 : vector<1000x256xf32>
    %logistic3A_41 = math.exp %logistic3A_40 : vector<1000x256xf32>
    %logistic3A_42 = arith.constant 1.000000e+00 : f32
    %logistic3A_43 = vector.broadcast %logistic3A_42 : f32 to vector<1000x256xf32>
    %logistic3A_44 = arith.addf %logistic3A_43, %logistic3A_41 : vector<1000x256xf32>
    %logistic3A_45 = arith.divf %logistic3A_43, %logistic3A_44 : vector<1000x256xf32>
    %slice3A_46 = vector.extract_strided_slice %add3A_19 {offsets = [0, 512], sizes = [1000, 256], strides = [1, 1]} : vector<1000x768xf32> to vector<1000x256xf32>
    %slice3A_47 = vector.extract_strided_slice %add3A_29 {offsets = [0, 512], sizes = [1000, 256], strides = [1, 1]} : vector<1000x768xf32> to vector<1000x256xf32>
    %mul3A = arith.mulf %logistic3A_36, %slice3A_47 : vector<1000x256xf32>
    %add3A_48 = arith.addf %slice3A_46, %mul3A : vector<1000x256xf32>
    %tanh3A = math.tanh %add3A_48 : vector<1000x256xf32>
    %sub3A = arith.constant 1.000000e+00 : f32
    %sub3A_49 = vector.broadcast %sub3A : f32 to vector<1000x256xf32>
    %sub3A_50 = arith.subf %sub3A_49, %logistic3A_45 : vector<1000x256xf32>
    %mul3A_51 = arith.mulf %sub3A_50, %tanh3A : vector<1000x256xf32>
    %mul3A_52 = arith.mulf %logistic3A_45, %get3A_1 : vector<1000x256xf32>
    %add3A_53 = arith.addf %mul3A_51, %mul3A_52 : vector<1000x256xf32>
    %swap3A = arith.constant 0 : index
    %swap3A_54 = arith.constant 0 : index
    %swap3A_55 = vector.load %arg7[%swap3A, %swap3A_54] : memref<1000x256xf32, #tpu.memory_space<vmem>>, vector<1000x256xf32>
    tpu.vector_store %arg7[%swap3A, %swap3A_54], %add3A_53 {strides = array<i32>} : memref<1000x256xf32, #tpu.memory_space<vmem>>, vector<1000x256xf32>,
    return
  }
  func.func @transform_0(%arg0: i32) -> (i32, i32) {
    %c0_i32 = arith.constant 0 : i32
    %c0_i32_0 = arith.constant 0 : i32
    return %arg0, %c0_i32 : i32, i32
  }
  func.func @transform_1(%arg0: i32) -> (i32, i32, i32) {
    %c0_i32 = arith.constant 0 : i32
    %c0_i32_0 = arith.constant 0 : i32
    %c0_i32_1 = arith.constant 0 : i32
    return %c0_i32, %arg0, %c0_i32_0 : i32, i32, i32
  }
  func.func @transform_2(%arg0: i32) -> (i32, i32) {
    %c0_i32 = arith.constant 0 : i32
    %c0_i32_0 = arith.constant 0 : i32
    %c0_i32_1 = arith.constant 0 : i32
    return %c0_i32, %c0_i32_0 : i32, i32
  }
  func.func @transform_3(%arg0: i32) -> (i32, i32) {
    %c0_i32 = arith.constant 0 : i32
    %c0_i32_0 = arith.constant 0 : i32
    %c0_i32_1 = arith.constant 0 : i32
    return %c0_i32, %c0_i32_0 : i32, i32
  }
  func.func @transform_4(%arg0: i32) -> (i32, i32) {
    %c0_i32 = arith.constant 0 : i32
    %c0_i32_0 = arith.constant 0 : i32
    %c0_i32_1 = arith.constant 0 : i32
    return %c0_i32, %c0_i32_0 : i32, i32
  }
  func.func @transform_5(%arg0: i32) -> (i32, i32) {
    %c0_i32 = arith.constant 0 : i32
    %c0_i32_0 = arith.constant 0 : i32
    %c0_i32_1 = arith.constant 0 : i32
    return %c0_i32, %c0_i32_0 : i32, i32
  }
  func.func @transform_6(%arg0: i32) -> (i32, i32) {
    %c0_i32 = arith.constant 0 : i32
    %c0_i32_0 = arith.constant 0 : i32
    return %arg0, %c0_i32 : i32, i32
  }
}

module attributes {stable_mosaic.version = 14 : i64} {
  func.func @_p_body(%arg0: memref<10000x256xf32, #tpu.memory_space<vmem>>, %arg1: memref<256x1xf32, #tpu.memory_space<vmem>>, %arg2: memref<1x1xf32, #tpu.memory_space<vmem>>, %arg3: memref<256x256xf32, #tpu.memory_space<vmem>>, %arg4: memref<1x256xf32, #tpu.memory_space<vmem>>, %arg5: memref<256x1xf32, #tpu.memory_space<vmem>>, %arg6: memref<1x1xf32, #tpu.memory_space<vmem>>, %arg7: memref<1x1xf32, #tpu.memory_space<vmem>>) attributes {dimension_semantics = [], scalar_prefetch = 0 : i64, scratch_operands = 0 : i64, tpu.core_type = #tpu.core_type<tc>} {
    %get3A = arith.constant 0 : index
    %get3A_0 = arith.constant 0 : index
    %get3A_1 = vector.load %arg0[%get3A, %get3A_0] : memref<10000x256xf32, #tpu.memory_space<vmem>>, vector<10000x256xf32>
    %get3A_2 = arith.constant 0 : index
    %get3A_3 = arith.constant 0 : index
    %get3A_4 = vector.load %arg1[%get3A_2, %get3A_3] : memref<256x1xf32, #tpu.memory_space<vmem>>, vector<256x1xf32>
    %dot_general3A = arith.constant dense<0.000000e+00> : vector<10000x1xf32>
    %dot_general3A_5 = tpu.matmul %get3A_1, %get3A_4, %dot_general3A {dimension_numbers = #tpu.dot_dimension_numbers<[1], [0], [0], [1], [0, 0, 1, 1], [], []>, transpose_lhs_hint = false} : vector<10000x256xf32>, vector<256x1xf32>, vector<10000x1xf32> -> vector<10000x1xf32>
    %get3A_6 = arith.constant 0 : index
    %get3A_7 = arith.constant 0 : index
    %get3A_8 = vector.load %arg2[%get3A_6, %get3A_7] : memref<1x1xf32, #tpu.memory_space<vmem>>, vector<1x1xf32>
    %add3A = vector.broadcast %get3A_8 : vector<1x1xf32> to vector<10000x1xf32>
    %add3A_9 = arith.addf %dot_general3A_5, %add3A : vector<10000x1xf32>
    %reduce_max3A = vector.shape_cast %add3A_9 : vector<10000x1xf32> to vector<1x10000x1xf32>
    %reduce_max3A_10 = arith.constant dense<0xFF800000> : vector<1xf32>
    %reduce_max3A_11 = vector.multi_reduction <maximumf>, %reduce_max3A, %reduce_max3A_10 [1, 2] : vector<1x10000x1xf32> to vector<1xf32>
    %reduce_max3A_12 = vector.shape_cast %reduce_max3A_11 : vector<1xf32> to vector<1x1x1xf32>
    %reduce_max3A_13 = vector.extract %reduce_max3A_12[0, 0, 0] : f32 from vector<1x1x1xf32>
    %sub3A = vector.broadcast %reduce_max3A_13 : f32 to vector<10000x1xf32>
    %sub3A_14 = arith.subf %add3A_9, %sub3A : vector<10000x1xf32>
    %exp3A = math.exp %sub3A_14 : vector<10000x1xf32>
    %reduce_sum3A = vector.shape_cast %exp3A : vector<10000x1xf32> to vector<1x10000x1xf32>
    %reduce_sum3A_15 = arith.constant dense<0.000000e+00> : vector<1xf32>
    %reduce_sum3A_16 = vector.multi_reduction <add>, %reduce_sum3A, %reduce_sum3A_15 [1, 2] : vector<1x10000x1xf32> to vector<1xf32>
    %reduce_sum3A_17 = vector.shape_cast %reduce_sum3A_16 : vector<1xf32> to vector<1x1x1xf32>
    %reduce_sum3A_18 = vector.extract %reduce_sum3A_17[0, 0, 0] : f32 from vector<1x1x1xf32>
    %div3A = vector.broadcast %reduce_sum3A_18 : f32 to vector<10000x1xf32>
    %div3A_19 = arith.divf %exp3A, %div3A : vector<10000x1xf32>
    %get3A_20 = arith.constant 0 : index
    %get3A_21 = arith.constant 0 : index
    %get3A_22 = vector.load %arg3[%get3A_20, %get3A_21] : memref<256x256xf32, #tpu.memory_space<vmem>>, vector<256x256xf32>
    %dot_general3A_23 = arith.constant dense<0.000000e+00> : vector<10000x256xf32>
    %dot_general3A_24 = tpu.matmul %get3A_1, %get3A_22, %dot_general3A_23 {dimension_numbers = #tpu.dot_dimension_numbers<[1], [0], [0], [1], [0, 0, 1, 1], [], []>, transpose_lhs_hint = false} : vector<10000x256xf32>, vector<256x256xf32>, vector<10000x256xf32> -> vector<10000x256xf32>
    %get3A_25 = arith.constant 0 : index
    %get3A_26 = arith.constant 0 : index
    %get3A_27 = vector.load %arg4[%get3A_25, %get3A_26] : memref<1x256xf32, #tpu.memory_space<vmem>>, vector<1x256xf32>
    %add3A_28 = vector.broadcast %get3A_27 : vector<1x256xf32> to vector<10000x256xf32>
    %add3A_29 = arith.addf %dot_general3A_24, %add3A_28 : vector<10000x256xf32>
    %mul3A = vector.broadcast %div3A_19 : vector<10000x1xf32> to vector<10000x256xf32>
    %mul3A_30 = arith.mulf %mul3A, %add3A_29 : vector<10000x256xf32>
    %reduce_sum3A_31 = arith.constant dense<0.000000e+00> : vector<256xf32>
    %reduce_sum3A_32 = vector.multi_reduction <add>, %mul3A_30, %reduce_sum3A_31 [0] : vector<10000x256xf32> to vector<256xf32>
    %broadcast_in_dim3A = vector.shape_cast %reduce_sum3A_32 : vector<256xf32> to vector<1x256xf32>
    %get3A_33 = arith.constant 0 : index
    %get3A_34 = arith.constant 0 : index
    %get3A_35 = vector.load %arg5[%get3A_33, %get3A_34] : memref<256x1xf32, #tpu.memory_space<vmem>>, vector<256x1xf32>
    %dot_general3A_36 = arith.constant dense<0.000000e+00> : vector<1x1xf32>
    %dot_general3A_37 = tpu.matmul %broadcast_in_dim3A, %get3A_35, %dot_general3A_36 {dimension_numbers = #tpu.dot_dimension_numbers<[1], [0], [0], [1], [0, 0, 1, 1], [], []>, transpose_lhs_hint = false} : vector<1x256xf32>, vector<256x1xf32>, vector<1x1xf32> -> vector<1x1xf32>
    %get3A_38 = arith.constant 0 : index
    %get3A_39 = arith.constant 0 : index
    %get3A_40 = vector.load %arg6[%get3A_38, %get3A_39] : memref<1x1xf32, #tpu.memory_space<vmem>>, vector<1x1xf32>
    %add3A_41 = arith.addf %dot_general3A_37, %get3A_40 : vector<1x1xf32>
    %swap3A = arith.constant 0 : index
    %swap3A_42 = arith.constant 0 : index
    %swap3A_43 = vector.load %arg7[%swap3A, %swap3A_42] : memref<1x1xf32, #tpu.memory_space<vmem>>, vector<1x1xf32>
    tpu.vector_store %arg7[%swap3A, %swap3A_42], %add3A_41 {strides = array<i32>} : memref<1x1xf32, #tpu.memory_space<vmem>>, vector<1x1xf32>,
    return
  }
}

</mosaic_0001>

<sc_bundles>
// kernel: kernel.16.cloned.1.call-start
scs
__scs_entry_jumppad:
0x0: {  	(pc) =	sbr.rel $0x88, $3  }
0x1: {  	(tag) =	ssettag $0x0;
	lr =	simm.s32 $0x1  }
0x2: {  	[smem:$0x3F92] =	sst lr;
	_ =	strace $0xD0000000  }
0x3: {  	_ = 	snop  }
0x4: {  	_ = 	snop  }
0x5: {  	_ = 	snop  }
0x6: {  	_ = 	snop  }
0x7: {  	_ = 	snop  }
__scs_overlays_trampoline_lowered:
0x8: {  	[smem:$0x3FA1] =	sst s0  }
0x9: {  	[smem:$0x3FA2] =	sst s1  }
0xa: {  	[smem:$0x3FA3] =	sst s2  }
0xb: {  	[smem:$0x3FA4] =	sst s3  }
0xc: {  	[smem:$0x3FA5] =	sst s4  }
0xd: {  	[smem:$0x3FA6] =	sst s5  }
0xe: {  	[smem:$0x3FA7] =	sst s6  }
0xf: {  	[smem:$0x3FA8] =	sst s7  }
0x10: {  	[smem:$0x3FA9] =	sst s8  }
0x11: {  	[smem:$0x3FAA] =	sst s9;
	s0 =	simm.s32 @!p0 $0x0  }
0x12: {  	s1 =	sld [smem:$0x3F90];
	s0 =	simm.s32 @p0 $0x1  }
0x13: {  	[smem:$0x3FAB] =	sst s0;
	s0 =	simm.s32 @!p1 $0x0  }
0x14: {  	s2 =	sld [smem:$0x3F8F];
	s0 =	simm.s32 @p1 $0x1  }
0x15: {  	[smem:$0x3FAC] =	sst s0;
	s0 =	simm.s32 @!p2 $0x0  }
0x16: {  	s3 =	sld [smem:$0x3FDB];
	s0 =	simm.s32 @p2 $0x1  }
0x17: {  	s4 =	simm.s32 $0x1BF5;
	[smem:$0x3FAE] =	sst s0  }
0x18: {  	s0 =	sld [smem:$0x3F91];
	_ =	swait.ge [sflag:s4], $0x0  }
0x19: {  	s7 =	sld [smem:$0x3F92]  }
0x1a: {  	s8 =	sadd.s32 $0xFFFFE003, lr  }
0x1b: {  	s9 =	sadd.s32 $0xFFFFFEF7, lr;
	s5 =	simm.s32 $0xFFFFFFFF;
	p2 =	slt.u32 s8, $0xFFFFF086  }
0x1c: {  	p1 =	slt.u32 s9, $0xF7A;
	s5 =	simm.s32 @!p2 $0x0  }
0x1d: {  	s5 =	simm.s32 @p1 $0x1;
	p0 =	seq.s32 s7, s2  }
0x1e: {  	s7 =	smul.u32 @!p0 $0xF7A, s2;
	p2 =	seq.s32 @!p0 s5, $0x0  }
0x1f: {  	s9 =	smul.u32 $0xF7A, s1;
	s8 =	simm.s32 @!p0 $0x1BF5;
	p2 =	por !p2, p0  }
0x20: {  	[sflag:s8] =	ssyncset.s32 @!p0 $0xFFFFF086;
	s6 =	sadd.s32 @!p0 s3, s7;
	s7 =	simm.s32 @!p0 $0x108  }
0x21: {  	s3 =	sadd.s32 s3, s9;
	s6 =	sadd.s32 @!p0 $0x88, s6;
	s7 =	simm.s32 @p2 $0x1082  }
0x22: {  	[simem:s7], [sflag:s8] =	dma.local @!p0 [hbm:s6], $0xF7A  }
0x23: {  	s9 =	sor.u32 $0xD0000000, s2;
	s6 =	simm.s32 $0x108;
	_ =	swait.ge @!p0 [sflag:s8], $0x0  }
0x24: {  	s3 =	sadd.s32 $0x88, s3;
	s6 =	simm.s32 @!p1 $0x1082;
	[sflag:s4] =	ssyncset.s32 $0xFFFFF086  }
0x25: {  	[simem:s6], [sflag:s4] =	dma.local [hbm:s3], $0xF7A  }
0x26: {  	[smem:$0x3F92] =	sst s1;
	(tag) =	ssettag s2;
	_ =	strace s9  }
0x27: {  	s1 =	sld [smem:$0x3FA2]  }
0x28: {  	s2 =	sld [smem:$0x3FA3]  }
0x29: {  	s4 =	sld [smem:$0x3FA5]  }
0x2a: {  	p0 =	seq.s32 s5, $0x0;
	s5 =	sld [smem:$0x3FA6]  }
0x2b: {  	s6 =	sld [smem:$0x3FA7]  }
0x2c: {  	s7 =	sld [smem:$0x3FA8]  }
0x2d: {  	s3 =	simm.s32 $0x108;
	s8 =	sld [smem:$0x3FA9]  }
0x2e: {  	s3 =	simm.s32 @!p0 $0x1082;
	s9 =	sld [smem:$0x3FAA]  }
0x2f: {  	lr =	sadd.s32 s0, s3;
	s0 =	sld [smem:$0x3FA1]  }
0x30: {  	s3 =	sld [smem:$0x3FA4]  }
0x31: {  	[smem:$0x3FAD] =	sst s10  }
0x32: {  	s10 =	sld [smem:$0x3FAB];
	_ =	sdelay $0x3  }
0x33: {  	p0 =	seq.s32 s10, $0x1;
	s10 =	sld [smem:$0x3FAD];
	_ =	sdelay $0x3  }
0x34: {  	[smem:$0x3FAD] =	sst s10  }
0x35: {  	s10 =	sld [smem:$0x3FAC];
	_ =	sdelay $0x3  }
0x36: {  	p1 =	seq.s32 s10, $0x1;
	s10 =	sld [smem:$0x3FAD];
	_ =	sdelay $0x3  }
0x37: {  	[smem:$0x3FAD] =	sst s10  }
0x38: {  	s10 =	sld [smem:$0x3FAE]  }
0x39: {  	_ = 	snop;
	(pc) =	sbr.ind lr, $3  }
0x3a: {  	_ = 	snop  }
0x3b: {  	_ = 	snop  }
0x3c: {  	p2 =	seq.s32 s10, $0x1;
	s10 =	sld [smem:$0x3FAD]  }
0x3d: {  	_ =	shalt  }
0x3e: {  	_ =	shalt  }
0x3f: {  	_ =	shalt  }
0x40: {  	_ =	shalt  }
0x41: {  	_ =	shalt  }
0x42: {  	_ =	shalt  }
0x43: {  	_ =	shalt  }
0x44: {  	_ =	shalt  }
0x45: {  	_ =	shalt  }
0x46: {  	_ =	shalt  }
0x47: {  	_ =	shalt  }
0x48: {  	_ =	shalt  }
0x49: {  	_ =	shalt  }
0x4a: {  	_ =	shalt  }
0x4b: {  	_ =	shalt  }
0x4c: {  	_ =	shalt  }
0x4d: {  	_ =	shalt  }
0x4e: {  	_ =	shalt  }
0x4f: {  	_ =	shalt  }
0x50: {  	_ =	shalt  }
0x51: {  	_ =	shalt  }
0x52: {  	_ =	shalt  }
0x53: {  	_ =	shalt  }
0x54: {  	_ =	shalt  }
0x55: {  	_ =	shalt  }
0x56: {  	_ =	shalt  }
0x57: {  	_ =	shalt  }
0x58: {  	_ =	shalt  }
0x59: {  	_ =	shalt  }
0x5a: {  	_ =	shalt  }
0x5b: {  	_ =	shalt  }
0x5c: {  	_ =	shalt  }
0x5d: {  	_ =	shalt  }
0x5e: {  	_ =	shalt  }
0x5f: {  	_ =	shalt  }
0x60: {  	_ =	shalt  }
0x61: {  	_ =	shalt  }
0x62: {  	_ =	shalt  }
0x63: {  	_ =	shalt  }
0x64: {  	_ =	shalt  }
0x65: {  	_ =	shalt  }
0x66: {  	_ =	shalt  }
0x67: {  	_ =	shalt  }
0x68: {  	_ =	shalt  }
0x69: {  	_ =	shalt  }
0x6a: {  	_ =	shalt  }
0x6b: {  	_ =	shalt  }
0x6c: {  	_ =	shalt  }
0x6d: {  	_ =	shalt  }
0x6e: {  	_ =	shalt  }
0x6f: {  	_ =	shalt  }
0x70: {  	_ =	shalt  }
0x71: {  	_ =	shalt  }
0x72: {  	_ =	shalt  }
0x73: {  	_ =	shalt  }
0x74: {  	_ =	shalt  }
0x75: {  	_ =	shalt  }
0x76: {  	_ =	shalt  }
0x77: {  	_ =	shalt  }
0x78: {  	_ =	shalt  }
0x79: {  	_ =	shalt  }
0x7a: {  	_ =	shalt  }
0x7b: {  	_ =	shalt  }
0x7c: {  	_ =	shalt  }
0x7d: {  	_ =	shalt  }
0x7e: {  	_ =	shalt  }
0x7f: {  	_ =	shalt  }
0x80: {  	_ =	shalt  }
0x81: {  	_ =	shalt  }
0x82: {  	_ =	shalt  }
0x83: {  	_ =	shalt  }
0x84: {  	_ =	shalt  }
0x85: {  	_ =	shalt  }
0x86: {  	_ =	shalt  }
0x87: {  	_ =	shalt  }
.Lfunc_end0:
.L_simem_size_0:
called_computation_lowered:
.L_overlay_start_0:
0x88: {  	s2 =	sld [smem:$0x3FD9]  }
0x89: {  	s3 =	sld [smem:$0x3FFE];
	_ =	sdelay $0x1  }
0x8a: {  	s1 =	srdreg.scid  }
0x8b: {  	s0 =	sand.u32 $0x1, s1  }
0x8c: {  	s16 =	sshll.u32 s0, $0xA;
	s2 =	sadd.s32 s3, s2  }
0x8d: {  	s2 =	sadd.s32 s2, s16  }
0x8e: {  	[smem:$0x3FB9] =	sst s2  }
0x8f: {  	_ = 	snop  }
0x90: {  	(tm) =	ssettm $0x1  }
0x91: {  	s17 =	sld [smem:$0x3FFB];
	_ =	sdelay $0x3  }
0x92: {  	_ =	strace s17  }
0x93: {  	s2 =	sld [smem:$0x3FFC];
	_ =	sdelay $0x3  }
0x94: {  	_ =	strace s2  }
0x95: {  	s2 =	sld [smem:$0x3FFD];
	_ =	sdelay $0x3  }
0x96: {  	_ =	strace s2  }
0x97: {  	_ =	strace $0x8FFFFFFF  }
0x98: {  	s18 =	sld [smem:$0x3FDB];
	_ =	sdelay $0x1  }
0x99: {  	s19 =	simm.s32 $_scs_section_size  }
0x9a: {  	s4 =	simm.s32 $_size__tile_overlayer_lowered;
	s5 =	simm.s32 $_tile_overlayer_lowered  }
0x9b: {  	s22 =	simm.s32 $0x1BFF;
	s21 =	sshll.u32 s5, $0x1;
	s2 =	sadd.s32 s19, s18  }
0x9c: {  	s6 =	simm.s32 $0x0;
	s20 =	sshll.u32 s4, $0x1;
	s4 =	sadd.s32 s21, s2  }
0x9d: {  	[timem:s6], [sflag:s22] =	dma.local [hbm:s4], s20  }
0x9e: {  	_ =	swait.ge [sflag:s22], s20  }
0x9f: {  	s3 =	ssub.s32 $0x0, s20;
	[sflag:s22] =	ssyncset.done $0x0  }
0xa0: {  	[sflag:s22] =	ssyncadd.s32 s3;
	_ =	sdelay $0x1  }
0xa1: {  	s23 =	simm.s32 $0x1B8B  }
0xa2: {  	_ =	swait.ge [sflag:s23], $0x1  }
0xa3: {  	[sflag:s23] =	ssyncset.done $0x0  }
0xa4: {  	s25 =	simm.s32 $0x1B8E;
	s24 =	sld [smem:$0x3FFE];
	[sflag:s23] =	ssyncadd.s32 $0xFFFFFFFF  }
0xa5: {  	s26 =	simm.s32 $execute0_lowered;
	[smem:$0x3FD2] =	sst s25  }
0xa6: {  	s4 =	sshll.u32 s26, $0x1;
	_ =	strace $0x80000046;
	[dreg:$0x1] =	wrdreg $0xFFFFFFFF  }
0xa7: {  	s28 =	simm.s32 $_size_execute0_lowered;
	s2 =	sadd.s32 s2, s4;
	[dreg:$0x0] =	wrdreg $0x0  }
0xa8: {  	s4 =	sshll.u32 s28, $0x1;
	[dreg:$0x2] =	wrdreg s2  }
0xa9: {  	[dreg:$0x3] =	wrdreg s4  }
0xaa: {  	[dreg:$0x4] =	wrdreg $0xC0  }
0xab: {  	_ =	task [dreg:s6], $0x5FFFF  }
0xac: {  	[dreg:$0x1] =	wrdreg $0xFFFFFFFF  }
0xad: {  	[dreg:$0x0] =	wrdreg $0x60  }
0xae: {  	[dreg:$0x2] =	wrdreg s24  }
0xaf: {  	[dreg:$0x3] =	wrdreg $0x90000  }
0xb0: {  	[dreg:$0x4] =	wrdreg $0x9  }
0xb1: {  	_ =	task.clear_ibuf [dreg:s6], $0x5FFFF;
	_ =	strace $0x90000046  }
0xb2: {  	s29 =	simm.s32 $0x9;
	_ =	strace $0x80000048  }
0xb3: {  	_ =	swait.ge [sflag:s29], $0x1  }
0xb4: {  	[sflag:s29] =	ssyncadd.s32 $0xFFFFFFFF  }
0xb5: {  	_ =	strace $0x90000048  }
0xb6: {  	_ =	sfence  }
0xb7: {  	s30 =	sld [smem:$0x0];
	_ =	sdelay $0x2  }
0xb8: {  	s31 =	sshll.u32 s1, $0xD;
	s1 =	sshrl.u32 s1, $0x2  }
0xb9: {  	s3 =	sand.u32 $0x4000, s31;
	s1 =	sadd.s32 s1, s30  }
0xba: {  	s0 =	sor.u32 s3, s0;
	s1 =	sshll.u32 s1, $0x11  }
0xbb: {  	s0 =	sor.u32 s1, s0  }
0xbc: {  	s0 =	sadd.s32 $0x8F2B, s0  }
0xbd: {  	[sflag:s0] =	ssyncadd.remote.s32 $0x1  }
0xbe: {  	_ =	sfence.sel $0xFFFF  }
0xbf: {  	[dreg:$0x0] =	wrdreg $0xFFFFFFFF;
	(pc) =	sbr.abs _section_cstart, $3  }
0xc0: {  	[dreg:$0x1] =	wrdreg $0xFFFFFFFF  }
0xc1: {  	_ =	task.clear_ibuf [dreg:s6], $0x2FFFF;
	_ =	strace $0x9FFFFFFF  }
0xc2: {  	(tm) =	ssettm $0x7FFFFFFF  }
0xc3: {  	_ =	shalt  }
tec
execute0_lowered:
.L_overlay_start_1:
0x0: {  	(tag) =	ssettag $0x1  }
0x1: {  	s9 =	rddreg [dreg:$0x0]  }
0x2: {  	s2 =	rddreg [dreg:$0x1];
	s1 =	stileid.u32  }
0x3: {  	s0 =	rddreg [dreg:$0x2];
	s3 =	simm.s32 $0x0;
	s5 =	srdreg.scid  }
0x4: {  	s15 =	simm.s32 $0x80;
	s16 =	simm.s32 $0x5000;
	s4 =	smul.u32 $0x500, s1  }
0x5: {  	s17 =	simm.s32 $0x1;
	[smem:$0x7FF] =	sst s3;
	s18 =	smul.u32 $0x2780, s1  }
0x6: {  	s11 =	sand.u32 $0x1, s5;
	s5 =	sadd.s32 $0xA9A00, s9;
	s10 =	smul.u32 $0x4F000, s1  }
0x7: {  	s19 =	sadd.s32 $0x194E00, s9;
	s31 =	sshll.u32 s1, $0x6;
	_ =	strace $0x80000047  }
0x8: {  	s6 =	ssub.s32 $0x2, s11;
	p0 =	sne.s32 s11, $0x0;
	s11 =	simm.s32 $0x2  }
0x9: {  	s7 =	sadd.s32 s4, s9;
	s4 =	sadd.s32 $0xD600, s9;
	s8 =	sshrl.u32 s6, $0x1  }
.Ltmp0:
0xa: {  	s12 =	sadd.s32 s18, s9;
	s10 =	sshrl.u32 s10, $0x2;
	(pc) =	sbr.rel .LBB2_1-.Ltmp0, $4  }
0xb: {  	s18 =	sadd.s32 s18, s19;
	s19 =	simm.s32 $0x0;
	s13 =	ssub.s32 s6, s8  }
0xc: {  	s6 =	sadd.s32 $0x3600, s7;
	s7 =	sadd.s32 $0x8600, s7;
	s8 =	sadd.s32 $0x145E00, s12  }
0xd: {  	s14 =	sadd.s32 s10, s2;
	s9 =	sadd.s32 $0x16D600, s12;
	s12 =	simm.s32 $0x2800  }
0xe: {  	s10 =	smax.u32 s13, $0x1;
	s13 =	sor.u32 $0x1C02, s31;
	s14 =	sshrl.u32 s14, $0x3  }
.LBB2_7:
0xf: {  	s20 =	sshra.s32 s20, $0x2;
	[sflag:s11] =	ssyncadd.s32 $0xFFFFC000  }
0x10: {  	[tilespmem:s16], [sflag:$0x1] =	stream.indirect.gather [hbm4b:s5+s15], $0x80, s20, s15, $0xb8;
	[tilespmem:$0x1CC00] =	vst v63  }
0x11: {  	_ =	swait.ge [sflag:s17], $0x4000  }
0x12: {  	[sflag:s17] =	ssyncset.done $0x0  }
0x13: {  	s20 =	sadd.s32 $0x2800, s20;
	[sflag:s17] =	ssyncadd.s32 $0xFFFFC000  }
0x14: {  	[spmem:s2] =	stream.indirect.scatter.add.f32 [tilespmem:s16], [sflag:$0x2], $0x80, s20, s15, $0xb8;
	[tilespmem:$0x1CC00] =	vst v63  }
0x15: {  	_ =	swait.ge [sflag:s11], $0x4000  }
0x16: {  	[sflag:s11] =	ssyncset.done $0x0  }
0x17: {  	[sflag:s11] =	ssyncadd.s32 $0xFFFFC000  }
0x18: {  	s20 =	smov.u32 s18;
	[bflag:$0x0] =	sbarrier.arrive $0xFFFF  }
.LBB2_8:
0x19: {  	s19 =	sadd.s32 $0x1, s19  }
0x1a: {  	p1 =	sne.s32 s19, s10  }
.Ltmp1:
0x1b: {  	_ = 	snop;
	(pc) =	sbr.rel @!p1 .LBB2_9-.Ltmp1, $4  }
0x1c: {  	[hbm:s20], [sflag:s13] =	dma.local [spmem:s14], $0x2780  }
0x1d: {  	_ =	swait.ge [sflag:s11], $0x2780  }
0x1e: {  	[sflag:s11] =	ssyncset.done $0x0  }
0x1f: {  	[sflag:s11] =	ssyncadd.s32 $0xFFFFD880  }
.LBB2_1:
0x20: {  	[tilespmem:s3], [sflag:$0x2] =	stream.linear.gather [hbm4b:s6+s3], $0x2780, $0x38;
	[tilespmem:$0x1CC00] =	vst v63  }
0x21: {  	_ =	swait.ge [sflag:s11], $0x2780  }
0x22: {  	[sflag:s11] =	ssyncset.done $0x0  }
0x23: {  	[sflag:s11] =	ssyncadd.s32 $0xFFFFD880  }
0x24: {  	[tilespmem:s12], [sflag:$0x2] =	stream.linear.gather [hbm4b:s7+s3], $0x2780, $0x38;
	[tilespmem:$0x1CC00] =	vst v63  }
0x25: {  	_ =	swait.ge [sflag:s11], $0x2780  }
0x26: {  	[sflag:s11] =	ssyncset.done $0x0  }
0x27: {  	[sflag:s11] =	ssyncadd.s32 $0xFFFFD880  }
0x28: {  	[spmem:s14], [sflag:s13] =	dma.local [hbm:s8], $0x2780  }
.Ltmp2:
0x29: {  	_ =	swait.ge [sflag:s11], $0x2780;
	(pc) =	sbr.rel @p0 .LBB2_5-.Ltmp2, $4  }
0x2a: {  	[sflag:s11] =	ssyncset.done $0x0  }
0x2b: {  	[sflag:s11] =	ssyncadd.s32 $0xFFFFD880  }
0x2c: {  	[bflag:$0x0] =	sbarrier.arrive $0xFFFF  }
0x2d: {  	s20 =	simm.s32 $0x0  }
0x2e: {  	[tilespmem:s16], [sflag:$0x1] =	stream.indirect.gather [hbm4b:s4+s15], $0x80, s20, s15, $0xb8;
	[tilespmem:$0x1CC00] =	vst v63  }
0x2f: {  	_ =	swait.ge [sflag:s17], $0x4000  }
0x30: {  	[sflag:s17] =	ssyncset.done $0x0  }
0x31: {  	s31 =	simm.s32 $0x2800;
	[sflag:s17] =	ssyncadd.s32 $0xFFFFC000  }
0x32: {  	[spmem:s2] =	stream.indirect.scatter.add.f32 [tilespmem:s16], [sflag:$0x2], $0x80, s31, s15, $0xb8;
	[tilespmem:$0x1CC00] =	vst v63  }
0x33: {  	_ =	swait.ge [sflag:s11], $0x4000  }
0x34: {  	s20 =	simm.s32 $0x200;
	s21 =	simm.s32 $0x400;
	[sflag:s11] =	ssyncset.done $0x0  }
.LBB2_3:
0x35: {  	s22 =	sshra.s32 s20, $0x2  }
0x36: {  	[sflag:s11] =	ssyncadd.s32 $0xFFFFC000;
	s20 =	smov.u32 s21;
	s23 =	sadd.s32 $0x200, s21  }
0x37: {  	[tilespmem:s16], [sflag:$0x1] =	stream.indirect.gather [hbm4b:s4+s15], $0x80, s22, s15, $0xb8;
	[tilespmem:$0x1CC00] =	vst v63  }
0x38: {  	p1 =	sne.s32 s21, $0x9C00;
	_ =	swait.ge [sflag:s17], $0x4000  }
.Ltmp3:
0x39: {  	[sflag:s17] =	ssyncset.done $0x0;
	(pc) =	sbr.rel @p1 .LBB2_3-.Ltmp3, $4  }
0x3a: {  	s21 =	sadd.s32 $0x2800, s22;
	[sflag:s17] =	ssyncadd.s32 $0xFFFFC000  }
0x3b: {  	[spmem:s2] =	stream.indirect.scatter.add.f32 [tilespmem:s16], [sflag:$0x2], $0x80, s21, s15, $0xb8;
	[tilespmem:$0x1CC00] =	vst v63  }
0x3c: {  	_ =	swait.ge [sflag:s11], $0x4000  }
0x3d: {  	s21 =	smov.u32 s23;
	[sflag:s11] =	ssyncset.done $0x0  }
0x3e: {  	s20 =	sshra.s32 s20, $0x2;
	[sflag:s11] =	ssyncadd.s32 $0xFFFFC000  }
0x3f: {  	[tilespmem:s16], [sflag:$0x1] =	stream.indirect.gather [hbm4b:s4+s15], $0x80, s20, s15, $0xb8;
	[tilespmem:$0x1CC00] =	vst v63  }
0x40: {  	_ =	swait.ge [sflag:s17], $0x4000  }
0x41: {  	[sflag:s17] =	ssyncset.done $0x0  }
0x42: {  	s20 =	sadd.s32 $0x2800, s20;
	[sflag:s17] =	ssyncadd.s32 $0xFFFFC000  }
0x43: {  	[spmem:s2] =	stream.indirect.scatter.add.f32 [tilespmem:s16], [sflag:$0x2], $0x80, s20, s15, $0xb8;
	[tilespmem:$0x1CC00] =	vst v63  }
.Ltmp4:
0x44: {  	_ =	swait.ge [sflag:s11], $0x4000;
	(pc) =	sbr.rel .LBB2_8-.Ltmp4, $4  }
0x45: {  	[sflag:s11] =	ssyncset.done $0x0  }
0x46: {  	[sflag:s11] =	ssyncadd.s32 $0xFFFFC000  }
0x47: {  	[bflag:$0x0] =	sbarrier.arrive $0xFFFF  }
0x48: {  	s20 =	smov.u32 s9  }
.LBB2_5:
0x49: {  	[tilespmem:s16], [sflag:$0x1] =	stream.indirect.gather [hbm4b:s5+s15], $0x80, s20, s15, $0xb8;
	[tilespmem:$0x1CC00] =	vst v63  }
0x4a: {  	_ =	swait.ge [sflag:s17], $0x4000  }
0x4b: {  	[sflag:s17] =	ssyncset.done $0x0  }
0x4c: {  	s31 =	simm.s32 $0x2800;
	[sflag:s17] =	ssyncadd.s32 $0xFFFFC000  }
0x4d: {  	[spmem:s2] =	stream.indirect.scatter.add.f32 [tilespmem:s16], [sflag:$0x2], $0x80, s31, s15, $0xb8;
	[tilespmem:$0x1CC00] =	vst v63  }
0x4e: {  	_ =	swait.ge [sflag:s11], $0x4000  }
0x4f: {  	s20 =	simm.s32 $0x200;
	s21 =	simm.s32 $0x400;
	[sflag:s11] =	ssyncset.done $0x0  }
.LBB2_6:
0x50: {  	s22 =	sshra.s32 s20, $0x2  }
0x51: {  	[sflag:s11] =	ssyncadd.s32 $0xFFFFC000;
	s20 =	smov.u32 s21;
	s23 =	sadd.s32 $0x200, s21  }
0x52: {  	[tilespmem:s16], [sflag:$0x1] =	stream.indirect.gather [hbm4b:s5+s15], $0x80, s22, s15, $0xb8;
	[tilespmem:$0x1CC00] =	vst v63  }
0x53: {  	p1 =	sne.s32 s21, $0x9C00;
	_ =	swait.ge [sflag:s17], $0x4000  }
.Ltmp5:
0x54: {  	[sflag:s17] =	ssyncset.done $0x0;
	(pc) =	sbr.rel @p1 .LBB2_6-.Ltmp5, $4  }
0x55: {  	s21 =	sadd.s32 $0x2800, s22;
	[sflag:s17] =	ssyncadd.s32 $0xFFFFC000  }
0x56: {  	[spmem:s2] =	stream.indirect.scatter.add.f32 [tilespmem:s16], [sflag:$0x2], $0x80, s21, s15, $0xb8;
	[tilespmem:$0x1CC00] =	vst v63  }
0x57: {  	_ =	swait.ge [sflag:s11], $0x4000  }
0x58: {  	s21 =	smov.u32 s23;
	[sflag:s11] =	ssyncset.done $0x0  }
.Ltmp6:
0x59: {  	_ = 	snop;
	(pc) =	sbr.rel .LBB2_7-.Ltmp6, $1  }
0x5a: {  	_ =	sdelay $0x3  }
.LBB2_9:
0x5b: {  	_ =	sfence.sel $0x180000  }
0x5c: {  	[bflag:$0x0] =	sbarrier.arrive $0xFFFF  }
0x5d: {  	p0 =	sne.s32 s1, $0x0;
	_ =	strace $0x90000047  }
0x5e: {  	s0 =	sadd.s32 @!p0 $0x100000, s0;
	[bflag:$0x2] =	sbarrier.arrive $0xFFFF  }
0x5f: {  	[sflag:s0] =	ssyncadd.tile.s32 @!p0 $0x1;
	_ =	shalt  }
.Lfunc_end2:
_tile_overlayer_lowered:
.L_overlay_start_2:
0x60: {  	(tag) =	ssettag $0x2  }
0x61: {  	s0 =	rddreg [dreg:$0x0];
	s2 =	stileid.u32  }
0x62: {  	s1 =	rddreg [dreg:$0x1];
	p0 =	sne.s32 s2, $0x0  }
0x63: {  	s3 =	rddreg [dreg:$0x2];
	[bflag:$0x3] =	sbarrier.arrive $0xFFFF;
	s2 =	simm.s32 @!p0 $0x1C02  }
0x64: {  	[timem:s3], [sflag:s2] =	dma.local @!p0 [hbm:s0], s1  }
0x65: {  	s0 =	simm.s32 @!p0 $0x2  }
0x66: {  	_ =	swait.ge @!p0 [sflag:s0], s1  }
0x67: {  	s1 =	ssub.s32 @!p0 $0x0, s1;
	[sflag:s0] =	ssyncset.done @!p0 $0x0  }
0x68: {  	[sflag:s0] =	ssyncadd.s32 @!p0 s1  }
0x69: {  	[bflag:$0x3] =	sbarrier.arrive $0xFFFF  }
0x6a: {  	_ =	shalt  }

// kernel: kernel.19.cloned.1.call-start
scs
__scs_entry_jumppad:
0x0: {  	(pc) =	sbr.rel $0x88, $3  }
0x1: {  	(tag) =	ssettag $0x0;
	lr =	simm.s32 $0x1  }
0x2: {  	[smem:$0x3F92] =	sst lr;
	_ =	strace $0xD0000000  }
0x3: {  	_ = 	snop  }
0x4: {  	_ = 	snop  }
0x5: {  	_ = 	snop  }
0x6: {  	_ = 	snop  }
0x7: {  	_ = 	snop  }
__scs_overlays_trampoline_lowered:
0x8: {  	[smem:$0x3FA1] =	sst s0  }
0x9: {  	[smem:$0x3FA2] =	sst s1  }
0xa: {  	[smem:$0x3FA3] =	sst s2  }
0xb: {  	[smem:$0x3FA4] =	sst s3  }
0xc: {  	[smem:$0x3FA5] =	sst s4  }
0xd: {  	[smem:$0x3FA6] =	sst s5  }
0xe: {  	[smem:$0x3FA7] =	sst s6  }
0xf: {  	[smem:$0x3FA8] =	sst s7  }
0x10: {  	[smem:$0x3FA9] =	sst s8  }
0x11: {  	[smem:$0x3FAA] =	sst s9;
	s0 =	simm.s32 @!p0 $0x0  }
0x12: {  	s1 =	sld [smem:$0x3F90];
	s0 =	simm.s32 @p0 $0x1  }
0x13: {  	[smem:$0x3FAB] =	sst s0;
	s0 =	simm.s32 @!p1 $0x0  }
0x14: {  	s2 =	sld [smem:$0x3F8F];
	s0 =	simm.s32 @p1 $0x1  }
0x15: {  	[smem:$0x3FAC] =	sst s0;
	s0 =	simm.s32 @!p2 $0x0  }
0x16: {  	s3 =	sld [smem:$0x3FDB];
	s0 =	simm.s32 @p2 $0x1  }
0x17: {  	s4 =	simm.s32 $0x1BF5;
	[smem:$0x3FAE] =	sst s0  }
0x18: {  	s0 =	sld [smem:$0x3F91];
	_ =	swait.ge [sflag:s4], $0x0  }
0x19: {  	s7 =	sld [smem:$0x3F92]  }
0x1a: {  	s8 =	sadd.s32 $0xFFFFE003, lr  }
0x1b: {  	s9 =	sadd.s32 $0xFFFFFEF7, lr;
	s5 =	simm.s32 $0xFFFFFFFF;
	p2 =	slt.u32 s8, $0xFFFFF086  }
0x1c: {  	p1 =	slt.u32 s9, $0xF7A;
	s5 =	simm.s32 @!p2 $0x0  }
0x1d: {  	s5 =	simm.s32 @p1 $0x1;
	p0 =	seq.s32 s7, s2  }
0x1e: {  	s7 =	smul.u32 @!p0 $0xF7A, s2;
	p2 =	seq.s32 @!p0 s5, $0x0  }
0x1f: {  	s9 =	smul.u32 $0xF7A, s1;
	s8 =	simm.s32 @!p0 $0x1BF5;
	p2 =	por !p2, p0  }
0x20: {  	[sflag:s8] =	ssyncset.s32 @!p0 $0xFFFFF086;
	s6 =	sadd.s32 @!p0 s3, s7;
	s7 =	simm.s32 @!p0 $0x108  }
0x21: {  	s3 =	sadd.s32 s3, s9;
	s6 =	sadd.s32 @!p0 $0x88, s6;
	s7 =	simm.s32 @p2 $0x1082  }
0x22: {  	[simem:s7], [sflag:s8] =	dma.local @!p0 [hbm:s6], $0xF7A  }
0x23: {  	s9 =	sor.u32 $0xD0000000, s2;
	s6 =	simm.s32 $0x108;
	_ =	swait.ge @!p0 [sflag:s8], $0x0  }
0x24: {  	s3 =	sadd.s32 $0x88, s3;
	s6 =	simm.s32 @!p1 $0x1082;
	[sflag:s4] =	ssyncset.s32 $0xFFFFF086  }
0x25: {  	[simem:s6], [sflag:s4] =	dma.local [hbm:s3], $0xF7A  }
0x26: {  	[smem:$0x3F92] =	sst s1;
	(tag) =	ssettag s2;
	_ =	strace s9  }
0x27: {  	s1 =	sld [smem:$0x3FA2]  }
0x28: {  	s2 =	sld [smem:$0x3FA3]  }
0x29: {  	s4 =	sld [smem:$0x3FA5]  }
0x2a: {  	p0 =	seq.s32 s5, $0x0;
	s5 =	sld [smem:$0x3FA6]  }
0x2b: {  	s6 =	sld [smem:$0x3FA7]  }
0x2c: {  	s7 =	sld [smem:$0x3FA8]  }
0x2d: {  	s3 =	simm.s32 $0x108;
	s8 =	sld [smem:$0x3FA9]  }
0x2e: {  	s3 =	simm.s32 @!p0 $0x1082;
	s9 =	sld [smem:$0x3FAA]  }
0x2f: {  	lr =	sadd.s32 s0, s3;
	s0 =	sld [smem:$0x3FA1]  }
0x30: {  	s3 =	sld [smem:$0x3FA4]  }
0x31: {  	[smem:$0x3FAD] =	sst s10  }
0x32: {  	s10 =	sld [smem:$0x3FAB];
	_ =	sdelay $0x3  }
0x33: {  	p0 =	seq.s32 s10, $0x1;
	s10 =	sld [smem:$0x3FAD];
	_ =	sdelay $0x3  }
0x34: {  	[smem:$0x3FAD] =	sst s10  }
0x35: {  	s10 =	sld [smem:$0x3FAC];
	_ =	sdelay $0x3  }
0x36: {  	p1 =	seq.s32 s10, $0x1;
	s10 =	sld [smem:$0x3FAD];
	_ =	sdelay $0x3  }
0x37: {  	[smem:$0x3FAD] =	sst s10  }
0x38: {  	s10 =	sld [smem:$0x3FAE]  }
0x39: {  	_ = 	snop;
	(pc) =	sbr.ind lr, $3  }
0x3a: {  	_ = 	snop  }
0x3b: {  	_ = 	snop  }
0x3c: {  	p2 =	seq.s32 s10, $0x1;
	s10 =	sld [smem:$0x3FAD]  }
0x3d: {  	_ =	shalt  }
0x3e: {  	_ =	shalt  }
0x3f: {  	_ =	shalt  }
0x40: {  	_ =	shalt  }
0x41: {  	_ =	shalt  }
0x42: {  	_ =	shalt  }
0x43: {  	_ =	shalt  }
0x44: {  	_ =	shalt  }
0x45: {  	_ =	shalt  }
0x46: {  	_ =	shalt  }
0x47: {  	_ =	shalt  }
0x48: {  	_ =	shalt  }
0x49: {  	_ =	shalt  }
0x4a: {  	_ =	shalt  }
0x4b: {  	_ =	shalt  }
0x4c: {  	_ =	shalt  }
0x4d: {  	_ =	shalt  }
0x4e: {  	_ =	shalt  }
0x4f: {  	_ =	shalt  }
0x50: {  	_ =	shalt  }
0x51: {  	_ =	shalt  }
0x52: {  	_ =	shalt  }
0x53: {  	_ =	shalt  }
0x54: {  	_ =	shalt  }
0x55: {  	_ =	shalt  }
0x56: {  	_ =	shalt  }
0x57: {  	_ =	shalt  }
0x58: {  	_ =	shalt  }
0x59: {  	_ =	shalt  }
0x5a: {  	_ =	shalt  }
0x5b: {  	_ =	shalt  }
0x5c: {  	_ =	shalt  }
0x5d: {  	_ =	shalt  }
0x5e: {  	_ =	shalt  }
0x5f: {  	_ =	shalt  }
0x60: {  	_ =	shalt  }
0x61: {  	_ =	shalt  }
0x62: {  	_ =	shalt  }
0x63: {  	_ =	shalt  }
0x64: {  	_ =	shalt  }
0x65: {  	_ =	shalt  }
0x66: {  	_ =	shalt  }
0x67: {  	_ =	shalt  }
0x68: {  	_ =	shalt  }
0x69: {  	_ =	shalt  }
0x6a: {  	_ =	shalt  }
0x6b: {  	_ =	shalt  }
0x6c: {  	_ =	shalt  }
0x6d: {  	_ =	shalt  }
0x6e: {  	_ =	shalt  }
0x6f: {  	_ =	shalt  }
0x70: {  	_ =	shalt  }
0x71: {  	_ =	shalt  }
0x72: {  	_ =	shalt  }
0x73: {  	_ =	shalt  }
0x74: {  	_ =	shalt  }
0x75: {  	_ =	shalt  }
0x76: {  	_ =	shalt  }
0x77: {  	_ =	shalt  }
0x78: {  	_ =	shalt  }
0x79: {  	_ =	shalt  }
0x7a: {  	_ =	shalt  }
0x7b: {  	_ =	shalt  }
0x7c: {  	_ =	shalt  }
0x7d: {  	_ =	shalt  }
0x7e: {  	_ =	shalt  }
0x7f: {  	_ =	shalt  }
0x80: {  	_ =	shalt  }
0x81: {  	_ =	shalt  }
0x82: {  	_ =	shalt  }
0x83: {  	_ =	shalt  }
0x84: {  	_ =	shalt  }
0x85: {  	_ =	shalt  }
0x86: {  	_ =	shalt  }
0x87: {  	_ =	shalt  }
.Lfunc_end0:
.L_simem_size_0:
called_computation.1_lowered:
.L_overlay_start_0:
0x88: {  	s2 =	sld [smem:$0x3FD9]  }
0x89: {  	s3 =	sld [smem:$0x3FFE];
	_ =	sdelay $0x1  }
0x8a: {  	s1 =	srdreg.scid  }
0x8b: {  	s0 =	sand.u32 $0x1, s1  }
0x8c: {  	s16 =	sshll.u32 s0, $0xA;
	s2 =	sadd.s32 s3, s2  }
0x8d: {  	s2 =	sadd.s32 s2, s16  }
0x8e: {  	[smem:$0x3FB9] =	sst s2  }
0x8f: {  	_ = 	snop  }
0x90: {  	(tm) =	ssettm $0x1  }
0x91: {  	s17 =	sld [smem:$0x3FFB];
	_ =	sdelay $0x3  }
0x92: {  	_ =	strace s17  }
0x93: {  	s2 =	sld [smem:$0x3FFC];
	_ =	sdelay $0x3  }
0x94: {  	_ =	strace s2  }
0x95: {  	s2 =	sld [smem:$0x3FFD];
	_ =	sdelay $0x3  }
0x96: {  	_ =	strace s2  }
0x97: {  	_ =	strace $0x8FFFFFFF  }
0x98: {  	s18 =	sld [smem:$0x3FDB];
	_ =	sdelay $0x1  }
0x99: {  	s19 =	simm.s32 $_scs_section_size  }
0x9a: {  	s4 =	simm.s32 $_size__tile_overlayer_lowered;
	s5 =	simm.s32 $_tile_overlayer_lowered  }
0x9b: {  	s22 =	simm.s32 $0x1BFF;
	s21 =	sshll.u32 s5, $0x1;
	s2 =	sadd.s32 s19, s18  }
0x9c: {  	s6 =	simm.s32 $0x0;
	s20 =	sshll.u32 s4, $0x1;
	s4 =	sadd.s32 s21, s2  }
0x9d: {  	[timem:s6], [sflag:s22] =	dma.local [hbm:s4], s20  }
0x9e: {  	_ =	swait.ge [sflag:s22], s20  }
0x9f: {  	s3 =	ssub.s32 $0x0, s20;
	[sflag:s22] =	ssyncset.done $0x0  }
0xa0: {  	[sflag:s22] =	ssyncadd.s32 s3;
	_ =	sdelay $0x1  }
0xa1: {  	s23 =	simm.s32 $0x1B8B  }
0xa2: {  	_ =	swait.ge [sflag:s23], $0x1  }
0xa3: {  	[sflag:s23] =	ssyncset.done $0x0  }
0xa4: {  	s25 =	simm.s32 $0x1B8E;
	s24 =	sld [smem:$0x3FFE];
	[sflag:s23] =	ssyncadd.s32 $0xFFFFFFFF  }
0xa5: {  	s26 =	simm.s32 $execute0_lowered;
	[smem:$0x3FD2] =	sst s25  }
0xa6: {  	s4 =	sshll.u32 s26, $0x1;
	_ =	strace $0x80000049;
	[dreg:$0x1] =	wrdreg $0xFFFFFFFF  }
0xa7: {  	s28 =	simm.s32 $_size_execute0_lowered;
	s2 =	sadd.s32 s2, s4;
	[dreg:$0x0] =	wrdreg $0x0  }
0xa8: {  	s4 =	sshll.u32 s28, $0x1;
	[dreg:$0x2] =	wrdreg s2  }
0xa9: {  	[dreg:$0x3] =	wrdreg s4  }
0xaa: {  	[dreg:$0x4] =	wrdreg $0xC0  }
0xab: {  	_ =	task [dreg:s6], $0x5FFFF  }
0xac: {  	[dreg:$0x1] =	wrdreg $0xFFFFFFFF  }
0xad: {  	[dreg:$0x0] =	wrdreg $0x60  }
0xae: {  	[dreg:$0x2] =	wrdreg s24  }
0xaf: {  	[dreg:$0x3] =	wrdreg $0x90000  }
0xb0: {  	[dreg:$0x4] =	wrdreg $0x9  }
0xb1: {  	_ =	task.clear_ibuf [dreg:s6], $0x5FFFF;
	_ =	strace $0x90000049  }
0xb2: {  	s29 =	simm.s32 $0x9;
	_ =	strace $0x8000004B  }
0xb3: {  	_ =	swait.ge [sflag:s29], $0x1  }
0xb4: {  	[sflag:s29] =	ssyncadd.s32 $0xFFFFFFFF  }
0xb5: {  	_ =	strace $0x9000004B  }
0xb6: {  	_ =	sfence  }
0xb7: {  	s30 =	sld [smem:$0x0];
	_ =	sdelay $0x2  }
0xb8: {  	s31 =	sshll.u32 s1, $0xD;
	s1 =	sshrl.u32 s1, $0x2  }
0xb9: {  	s3 =	sand.u32 $0x4000, s31;
	s1 =	sadd.s32 s1, s30  }
0xba: {  	s0 =	sor.u32 s3, s0;
	s1 =	sshll.u32 s1, $0x11  }
0xbb: {  	s0 =	sor.u32 s1, s0  }
0xbc: {  	s0 =	sadd.s32 $0x8F2B, s0  }
0xbd: {  	[sflag:s0] =	ssyncadd.remote.s32 $0x1  }
0xbe: {  	_ =	sfence.sel $0xFFFF  }
0xbf: {  	[dreg:$0x0] =	wrdreg $0xFFFFFFFF;
	(pc) =	sbr.abs _section_cstart, $3  }
0xc0: {  	[dreg:$0x1] =	wrdreg $0xFFFFFFFF  }
0xc1: {  	_ =	task.clear_ibuf [dreg:s6], $0x2FFFF;
	_ =	strace $0x9FFFFFFF  }
0xc2: {  	(tm) =	ssettm $0x7FFFFFFF  }
0xc3: {  	_ =	shalt  }
tec
execute0_lowered:
.L_overlay_start_1:
0x0: {  	(tag) =	ssettag $0x1  }
0x1: {  	s9 =	rddreg [dreg:$0x0]  }
0x2: {  	s2 =	rddreg [dreg:$0x1];
	s1 =	stileid.u32  }
0x3: {  	s0 =	rddreg [dreg:$0x2];
	s3 =	simm.s32 $0x0;
	s5 =	srdreg.scid  }
0x4: {  	s15 =	simm.s32 $0x80;
	s16 =	simm.s32 $0x5000;
	s4 =	smul.u32 $0x500, s1  }
0x5: {  	s17 =	simm.s32 $0x1;
	[smem:$0x7FF] =	sst s3;
	s18 =	smul.u32 $0x2780, s1  }
0x6: {  	s11 =	sand.u32 $0x1, s5;
	s5 =	sadd.s32 $0xA9A00, s9;
	s10 =	smul.u32 $0x4F000, s1  }
0x7: {  	s19 =	sadd.s32 $0x1E3000, s9;
	s31 =	sshll.u32 s1, $0x6;
	_ =	strace $0x8000004A  }
0x8: {  	s6 =	ssub.s32 $0x2, s11;
	p0 =	sne.s32 s11, $0x0;
	s11 =	simm.s32 $0x2  }
0x9: {  	s7 =	sadd.s32 s4, s9;
	s4 =	sadd.s32 $0xD600, s9;
	s8 =	sshrl.u32 s6, $0x1  }
.Ltmp0:
0xa: {  	s12 =	sadd.s32 s18, s9;
	s10 =	sshrl.u32 s10, $0x2;
	(pc) =	sbr.rel .LBB2_1-.Ltmp0, $4  }
0xb: {  	s18 =	sadd.s32 s18, s19;
	s19 =	simm.s32 $0x0;
	s13 =	ssub.s32 s6, s8  }
0xc: {  	s6 =	sadd.s32 $0x3600, s7;
	s7 =	sadd.s32 $0x8600, s7;
	s8 =	sadd.s32 $0x145E00, s12  }
0xd: {  	s14 =	sadd.s32 s10, s2;
	s9 =	sadd.s32 $0x1BB800, s12;
	s12 =	simm.s32 $0x2800  }
0xe: {  	s10 =	smax.u32 s13, $0x1;
	s13 =	sor.u32 $0x1C02, s31;
	s14 =	sshrl.u32 s14, $0x3  }
.LBB2_7:
0xf: {  	s20 =	sshra.s32 s20, $0x2;
	[sflag:s11] =	ssyncadd.s32 $0xFFFFC000  }
0x10: {  	[tilespmem:s16], [sflag:$0x1] =	stream.indirect.gather [hbm4b:s5+s15], $0x80, s20, s15, $0xb8;
	[tilespmem:$0x1CC00] =	vst v63  }
0x11: {  	_ =	swait.ge [sflag:s17], $0x4000  }
0x12: {  	[sflag:s17] =	ssyncset.done $0x0  }
0x13: {  	s20 =	sadd.s32 $0x2800, s20;
	[sflag:s17] =	ssyncadd.s32 $0xFFFFC000  }
0x14: {  	[spmem:s2] =	stream.indirect.scatter.add.f32 [tilespmem:s16], [sflag:$0x2], $0x80, s20, s15, $0xb8;
	[tilespmem:$0x1CC00] =	vst v63  }
0x15: {  	_ =	swait.ge [sflag:s11], $0x4000  }
0x16: {  	[sflag:s11] =	ssyncset.done $0x0  }
0x17: {  	[sflag:s11] =	ssyncadd.s32 $0xFFFFC000  }
0x18: {  	s20 =	smov.u32 s18;
	[bflag:$0x0] =	sbarrier.arrive $0xFFFF  }
.LBB2_8:
0x19: {  	s19 =	sadd.s32 $0x1, s19  }
0x1a: {  	p1 =	sne.s32 s19, s10  }
.Ltmp1:
0x1b: {  	_ = 	snop;
	(pc) =	sbr.rel @!p1 .LBB2_9-.Ltmp1, $4  }
0x1c: {  	[hbm:s20], [sflag:s13] =	dma.local [spmem:s14], $0x2780  }
0x1d: {  	_ =	swait.ge [sflag:s11], $0x2780  }
0x1e: {  	[sflag:s11] =	ssyncset.done $0x0  }
0x1f: {  	[sflag:s11] =	ssyncadd.s32 $0xFFFFD880  }
.LBB2_1:
0x20: {  	[tilespmem:s3], [sflag:$0x2] =	stream.linear.gather [hbm4b:s6+s3], $0x2780, $0x38;
	[tilespmem:$0x1CC00] =	vst v63  }
0x21: {  	_ =	swait.ge [sflag:s11], $0x2780  }
0x22: {  	[sflag:s11] =	ssyncset.done $0x0  }
0x23: {  	[sflag:s11] =	ssyncadd.s32 $0xFFFFD880  }
0x24: {  	[tilespmem:s12], [sflag:$0x2] =	stream.linear.gather [hbm4b:s7+s3], $0x2780, $0x38;
	[tilespmem:$0x1CC00] =	vst v63  }
0x25: {  	_ =	swait.ge [sflag:s11], $0x2780  }
0x26: {  	[sflag:s11] =	ssyncset.done $0x0  }
0x27: {  	[sflag:s11] =	ssyncadd.s32 $0xFFFFD880  }
0x28: {  	[spmem:s14], [sflag:s13] =	dma.local [hbm:s8], $0x2780  }
.Ltmp2:
0x29: {  	_ =	swait.ge [sflag:s11], $0x2780;
	(pc) =	sbr.rel @p0 .LBB2_5-.Ltmp2, $4  }
0x2a: {  	[sflag:s11] =	ssyncset.done $0x0  }
0x2b: {  	[sflag:s11] =	ssyncadd.s32 $0xFFFFD880  }
0x2c: {  	[bflag:$0x0] =	sbarrier.arrive $0xFFFF  }
0x2d: {  	s20 =	simm.s32 $0x0  }
0x2e: {  	[tilespmem:s16], [sflag:$0x1] =	stream.indirect.gather [hbm4b:s4+s15], $0x80, s20, s15, $0xb8;
	[tilespmem:$0x1CC00] =	vst v63  }
0x2f: {  	_ =	swait.ge [sflag:s17], $0x4000  }
0x30: {  	[sflag:s17] =	ssyncset.done $0x0  }
0x31: {  	s31 =	simm.s32 $0x2800;
	[sflag:s17] =	ssyncadd.s32 $0xFFFFC000  }
0x32: {  	[spmem:s2] =	stream.indirect.scatter.add.f32 [tilespmem:s16], [sflag:$0x2], $0x80, s31, s15, $0xb8;
	[tilespmem:$0x1CC00] =	vst v63  }
0x33: {  	_ =	swait.ge [sflag:s11], $0x4000  }
0x34: {  	s20 =	simm.s32 $0x200;
	s21 =	simm.s32 $0x400;
	[sflag:s11] =	ssyncset.done $0x0  }
.LBB2_3:
0x35: {  	s22 =	sshra.s32 s20, $0x2  }
0x36: {  	[sflag:s11] =	ssyncadd.s32 $0xFFFFC000;
	s20 =	smov.u32 s21;
	s23 =	sadd.s32 $0x200, s21  }
0x37: {  	[tilespmem:s16], [sflag:$0x1] =	stream.indirect.gather [hbm4b:s4+s15], $0x80, s22, s15, $0xb8;
	[tilespmem:$0x1CC00] =	vst v63  }
0x38: {  	p1 =	sne.s32 s21, $0x9C00;
	_ =	swait.ge [sflag:s17], $0x4000  }
.Ltmp3:
0x39: {  	[sflag:s17] =	ssyncset.done $0x0;
	(pc) =	sbr.rel @p1 .LBB2_3-.Ltmp3, $4  }
0x3a: {  	s21 =	sadd.s32 $0x2800, s22;
	[sflag:s17] =	ssyncadd.s32 $0xFFFFC000  }
0x3b: {  	[spmem:s2] =	stream.indirect.scatter.add.f32 [tilespmem:s16], [sflag:$0x2], $0x80, s21, s15, $0xb8;
	[tilespmem:$0x1CC00] =	vst v63  }
0x3c: {  	_ =	swait.ge [sflag:s11], $0x4000  }
0x3d: {  	s21 =	smov.u32 s23;
	[sflag:s11] =	ssyncset.done $0x0  }
0x3e: {  	s20 =	sshra.s32 s20, $0x2;
	[sflag:s11] =	ssyncadd.s32 $0xFFFFC000  }
0x3f: {  	[tilespmem:s16], [sflag:$0x1] =	stream.indirect.gather [hbm4b:s4+s15], $0x80, s20, s15, $0xb8;
	[tilespmem:$0x1CC00] =	vst v63  }
0x40: {  	_ =	swait.ge [sflag:s17], $0x4000  }
0x41: {  	[sflag:s17] =	ssyncset.done $0x0  }
0x42: {  	s20 =	sadd.s32 $0x2800, s20;
	[sflag:s17] =	ssyncadd.s32 $0xFFFFC000  }
0x43: {  	[spmem:s2] =	stream.indirect.scatter.add.f32 [tilespmem:s16], [sflag:$0x2], $0x80, s20, s15, $0xb8;
	[tilespmem:$0x1CC00] =	vst v63  }
.Ltmp4:
0x44: {  	_ =	swait.ge [sflag:s11], $0x4000;
	(pc) =	sbr.rel .LBB2_8-.Ltmp4, $4  }
0x45: {  	[sflag:s11] =	ssyncset.done $0x0  }
0x46: {  	[sflag:s11] =	ssyncadd.s32 $0xFFFFC000  }
0x47: {  	[bflag:$0x0] =	sbarrier.arrive $0xFFFF  }
0x48: {  	s20 =	smov.u32 s9  }
.LBB2_5:
0x49: {  	[tilespmem:s16], [sflag:$0x1] =	stream.indirect.gather [hbm4b:s5+s15], $0x80, s20, s15, $0xb8;
	[tilespmem:$0x1CC00] =	vst v63  }
0x4a: {  	_ =	swait.ge [sflag:s17], $0x4000  }
0x4b: {  	[sflag:s17] =	ssyncset.done $0x0  }
0x4c: {  	s31 =	simm.s32 $0x2800;
	[sflag:s17] =	ssyncadd.s32 $0xFFFFC000  }
0x4d: {  	[spmem:s2] =	stream.indirect.scatter.add.f32 [tilespmem:s16], [sflag:$0x2], $0x80, s31, s15, $0xb8;
	[tilespmem:$0x1CC00] =	vst v63  }
0x4e: {  	_ =	swait.ge [sflag:s11], $0x4000  }
0x4f: {  	s20 =	simm.s32 $0x200;
	s21 =	simm.s32 $0x400;
	[sflag:s11] =	ssyncset.done $0x0  }
.LBB2_6:
0x50: {  	s22 =	sshra.s32 s20, $0x2  }
0x51: {  	[sflag:s11] =	ssyncadd.s32 $0xFFFFC000;
	s20 =	smov.u32 s21;
	s23 =	sadd.s32 $0x200, s21  }
0x52: {  	[tilespmem:s16], [sflag:$0x1] =	stream.indirect.gather [hbm4b:s5+s15], $0x80, s22, s15, $0xb8;
	[tilespmem:$0x1CC00] =	vst v63  }
0x53: {  	p1 =	sne.s32 s21, $0x9C00;
	_ =	swait.ge [sflag:s17], $0x4000  }
.Ltmp5:
0x54: {  	[sflag:s17] =	ssyncset.done $0x0;
	(pc) =	sbr.rel @p1 .LBB2_6-.Ltmp5, $4  }
0x55: {  	s21 =	sadd.s32 $0x2800, s22;
	[sflag:s17] =	ssyncadd.s32 $0xFFFFC000  }
0x56: {  	[spmem:s2] =	stream.indirect.scatter.add.f32 [tilespmem:s16], [sflag:$0x2], $0x80, s21, s15, $0xb8;
	[tilespmem:$0x1CC00] =	vst v63  }
0x57: {  	_ =	swait.ge [sflag:s11], $0x4000  }
0x58: {  	s21 =	smov.u32 s23;
	[sflag:s11] =	ssyncset.done $0x0  }
.Ltmp6:
0x59: {  	_ = 	snop;
	(pc) =	sbr.rel .LBB2_7-.Ltmp6, $1  }
0x5a: {  	_ =	sdelay $0x3  }
.LBB2_9:
0x5b: {  	_ =	sfence.sel $0x180000  }
0x5c: {  	[bflag:$0x0] =	sbarrier.arrive $0xFFFF  }
0x5d: {  	p0 =	sne.s32 s1, $0x0;
	_ =	strace $0x9000004A  }
0x5e: {  	s0 =	sadd.s32 @!p0 $0x100000, s0;
	[bflag:$0x2] =	sbarrier.arrive $0xFFFF  }
0x5f: {  	[sflag:s0] =	ssyncadd.tile.s32 @!p0 $0x1;
	_ =	shalt  }
.Lfunc_end2:
_tile_overlayer_lowered:
.L_overlay_start_2:
0x60: {  	(tag) =	ssettag $0x2  }
0x61: {  	s0 =	rddreg [dreg:$0x0];
	s2 =	stileid.u32  }
0x62: {  	s1 =	rddreg [dreg:$0x1];
	p0 =	sne.s32 s2, $0x0  }
0x63: {  	s3 =	rddreg [dreg:$0x2];
	[bflag:$0x3] =	sbarrier.arrive $0xFFFF;
	s2 =	simm.s32 @!p0 $0x1C02  }
0x64: {  	[timem:s3], [sflag:s2] =	dma.local @!p0 [hbm:s0], s1  }
0x65: {  	s0 =	simm.s32 @!p0 $0x2  }
0x66: {  	_ =	swait.ge @!p0 [sflag:s0], s1  }
0x67: {  	s1 =	ssub.s32 @!p0 $0x0, s1;
	[sflag:s0] =	ssyncset.done @!p0 $0x0  }
0x68: {  	[sflag:s0] =	ssyncadd.s32 @!p0 s1  }
0x69: {  	[bflag:$0x3] =	sbarrier.arrive $0xFFFF  }
0x6a: {  	_ =	shalt  }

// kernel: kernel.22.cloned.1.call-start
scs
__scs_entry_jumppad:
0x0: {  	(pc) =	sbr.rel $0x88, $3  }
0x1: {  	(tag) =	ssettag $0x0;
	lr =	simm.s32 $0x1  }
0x2: {  	[smem:$0x3F92] =	sst lr;
	_ =	strace $0xD0000000  }
0x3: {  	_ = 	snop  }
0x4: {  	_ = 	snop  }
0x5: {  	_ = 	snop  }
0x6: {  	_ = 	snop  }
0x7: {  	_ = 	snop  }
__scs_overlays_trampoline_lowered:
0x8: {  	[smem:$0x3FA1] =	sst s0  }
0x9: {  	[smem:$0x3FA2] =	sst s1  }
0xa: {  	[smem:$0x3FA3] =	sst s2  }
0xb: {  	[smem:$0x3FA4] =	sst s3  }
0xc: {  	[smem:$0x3FA5] =	sst s4  }
0xd: {  	[smem:$0x3FA6] =	sst s5  }
0xe: {  	[smem:$0x3FA7] =	sst s6  }
0xf: {  	[smem:$0x3FA8] =	sst s7  }
0x10: {  	[smem:$0x3FA9] =	sst s8  }
0x11: {  	[smem:$0x3FAA] =	sst s9;
	s0 =	simm.s32 @!p0 $0x0  }
0x12: {  	s1 =	sld [smem:$0x3F90];
	s0 =	simm.s32 @p0 $0x1  }
0x13: {  	[smem:$0x3FAB] =	sst s0;
	s0 =	simm.s32 @!p1 $0x0  }
0x14: {  	s2 =	sld [smem:$0x3F8F];
	s0 =	simm.s32 @p1 $0x1  }
0x15: {  	[smem:$0x3FAC] =	sst s0;
	s0 =	simm.s32 @!p2 $0x0  }
0x16: {  	s3 =	sld [smem:$0x3FDB];
	s0 =	simm.s32 @p2 $0x1  }
0x17: {  	s4 =	simm.s32 $0x1BF5;
	[smem:$0x3FAE] =	sst s0  }
0x18: {  	s0 =	sld [smem:$0x3F91];
	_ =	swait.ge [sflag:s4], $0x0  }
0x19: {  	s7 =	sld [smem:$0x3F92]  }
0x1a: {  	s8 =	sadd.s32 $0xFFFFE003, lr  }
0x1b: {  	s9 =	sadd.s32 $0xFFFFFEF7, lr;
	s5 =	simm.s32 $0xFFFFFFFF;
	p2 =	slt.u32 s8, $0xFFFFF086  }
0x1c: {  	p1 =	slt.u32 s9, $0xF7A;
	s5 =	simm.s32 @!p2 $0x0  }
0x1d: {  	s5 =	simm.s32 @p1 $0x1;
	p0 =	seq.s32 s7, s2  }
0x1e: {  	s7 =	smul.u32 @!p0 $0xF7A, s2;
	p2 =	seq.s32 @!p0 s5, $0x0  }
0x1f: {  	s9 =	smul.u32 $0xF7A, s1;
	s8 =	simm.s32 @!p0 $0x1BF5;
	p2 =	por !p2, p0  }
0x20: {  	[sflag:s8] =	ssyncset.s32 @!p0 $0xFFFFF086;
	s6 =	sadd.s32 @!p0 s3, s7;
	s7 =	simm.s32 @!p0 $0x108  }
0x21: {  	s3 =	sadd.s32 s3, s9;
	s6 =	sadd.s32 @!p0 $0x88, s6;
	s7 =	simm.s32 @p2 $0x1082  }
0x22: {  	[simem:s7], [sflag:s8] =	dma.local @!p0 [hbm:s6], $0xF7A  }
0x23: {  	s9 =	sor.u32 $0xD0000000, s2;
	s6 =	simm.s32 $0x108;
	_ =	swait.ge @!p0 [sflag:s8], $0x0  }
0x24: {  	s3 =	sadd.s32 $0x88, s3;
	s6 =	simm.s32 @!p1 $0x1082;
	[sflag:s4] =	ssyncset.s32 $0xFFFFF086  }
0x25: {  	[simem:s6], [sflag:s4] =	dma.local [hbm:s3], $0xF7A  }
0x26: {  	[smem:$0x3F92] =	sst s1;
	(tag) =	ssettag s2;
	_ =	strace s9  }
0x27: {  	s1 =	sld [smem:$0x3FA2]  }
0x28: {  	s2 =	sld [smem:$0x3FA3]  }
0x29: {  	s4 =	sld [smem:$0x3FA5]  }
0x2a: {  	p0 =	seq.s32 s5, $0x0;
	s5 =	sld [smem:$0x3FA6]  }
0x2b: {  	s6 =	sld [smem:$0x3FA7]  }
0x2c: {  	s7 =	sld [smem:$0x3FA8]  }
0x2d: {  	s3 =	simm.s32 $0x108;
	s8 =	sld [smem:$0x3FA9]  }
0x2e: {  	s3 =	simm.s32 @!p0 $0x1082;
	s9 =	sld [smem:$0x3FAA]  }
0x2f: {  	lr =	sadd.s32 s0, s3;
	s0 =	sld [smem:$0x3FA1]  }
0x30: {  	s3 =	sld [smem:$0x3FA4]  }
0x31: {  	[smem:$0x3FAD] =	sst s10  }
0x32: {  	s10 =	sld [smem:$0x3FAB];
	_ =	sdelay $0x3  }
0x33: {  	p0 =	seq.s32 s10, $0x1;
	s10 =	sld [smem:$0x3FAD];
	_ =	sdelay $0x3  }
0x34: {  	[smem:$0x3FAD] =	sst s10  }
0x35: {  	s10 =	sld [smem:$0x3FAC];
	_ =	sdelay $0x3  }
0x36: {  	p1 =	seq.s32 s10, $0x1;
	s10 =	sld [smem:$0x3FAD];
	_ =	sdelay $0x3  }
0x37: {  	[smem:$0x3FAD] =	sst s10  }
0x38: {  	s10 =	sld [smem:$0x3FAE]  }
0x39: {  	_ = 	snop;
	(pc) =	sbr.ind lr, $3  }
0x3a: {  	_ = 	snop  }
0x3b: {  	_ = 	snop  }
0x3c: {  	p2 =	seq.s32 s10, $0x1;
	s10 =	sld [smem:$0x3FAD]  }
0x3d: {  	_ =	shalt  }
0x3e: {  	_ =	shalt  }
0x3f: {  	_ =	shalt  }
0x40: {  	_ =	shalt  }
0x41: {  	_ =	shalt  }
0x42: {  	_ =	shalt  }
0x43: {  	_ =	shalt  }
0x44: {  	_ =	shalt  }
0x45: {  	_ =	shalt  }
0x46: {  	_ =	shalt  }
0x47: {  	_ =	shalt  }
0x48: {  	_ =	shalt  }
0x49: {  	_ =	shalt  }
0x4a: {  	_ =	shalt  }
0x4b: {  	_ =	shalt  }
0x4c: {  	_ =	shalt  }
0x4d: {  	_ =	shalt  }
0x4e: {  	_ =	shalt  }
0x4f: {  	_ =	shalt  }
0x50: {  	_ =	shalt  }
0x51: {  	_ =	shalt  }
0x52: {  	_ =	shalt  }
0x53: {  	_ =	shalt  }
0x54: {  	_ =	shalt  }
0x55: {  	_ =	shalt  }
0x56: {  	_ =	shalt  }
0x57: {  	_ =	shalt  }
0x58: {  	_ =	shalt  }
0x59: {  	_ =	shalt  }
0x5a: {  	_ =	shalt  }
0x5b: {  	_ =	shalt  }
0x5c: {  	_ =	shalt  }
0x5d: {  	_ =	shalt  }
0x5e: {  	_ =	shalt  }
0x5f: {  	_ =	shalt  }
0x60: {  	_ =	shalt  }
0x61: {  	_ =	shalt  }
0x62: {  	_ =	shalt  }
0x63: {  	_ =	shalt  }
0x64: {  	_ =	shalt  }
0x65: {  	_ =	shalt  }
0x66: {  	_ =	shalt  }
0x67: {  	_ =	shalt  }
0x68: {  	_ =	shalt  }
0x69: {  	_ =	shalt  }
0x6a: {  	_ =	shalt  }
0x6b: {  	_ =	shalt  }
0x6c: {  	_ =	shalt  }
0x6d: {  	_ =	shalt  }
0x6e: {  	_ =	shalt  }
0x6f: {  	_ =	shalt  }
0x70: {  	_ =	shalt  }
0x71: {  	_ =	shalt  }
0x72: {  	_ =	shalt  }
0x73: {  	_ =	shalt  }
0x74: {  	_ =	shalt  }
0x75: {  	_ =	shalt  }
0x76: {  	_ =	shalt  }
0x77: {  	_ =	shalt  }
0x78: {  	_ =	shalt  }
0x79: {  	_ =	shalt  }
0x7a: {  	_ =	shalt  }
0x7b: {  	_ =	shalt  }
0x7c: {  	_ =	shalt  }
0x7d: {  	_ =	shalt  }
0x7e: {  	_ =	shalt  }
0x7f: {  	_ =	shalt  }
0x80: {  	_ =	shalt  }
0x81: {  	_ =	shalt  }
0x82: {  	_ =	shalt  }
0x83: {  	_ =	shalt  }
0x84: {  	_ =	shalt  }
0x85: {  	_ =	shalt  }
0x86: {  	_ =	shalt  }
0x87: {  	_ =	shalt  }
.Lfunc_end0:
.L_simem_size_0:
called_computation.2_lowered:
.L_overlay_start_0:
0x88: {  	s2 =	sld [smem:$0x3FD9]  }
0x89: {  	s3 =	sld [smem:$0x3FFE];
	_ =	sdelay $0x1  }
0x8a: {  	s1 =	srdreg.scid  }
0x8b: {  	s0 =	sand.u32 $0x1, s1  }
0x8c: {  	s16 =	sshll.u32 s0, $0xA;
	s2 =	sadd.s32 s3, s2  }
0x8d: {  	s2 =	sadd.s32 s2, s16  }
0x8e: {  	[smem:$0x3FB9] =	sst s2  }
0x8f: {  	_ = 	snop  }
0x90: {  	(tm) =	ssettm $0x1  }
0x91: {  	s17 =	sld [smem:$0x3FFB];
	_ =	sdelay $0x3  }
0x92: {  	_ =	strace s17  }
0x93: {  	s2 =	sld [smem:$0x3FFC];
	_ =	sdelay $0x3  }
0x94: {  	_ =	strace s2  }
0x95: {  	s2 =	sld [smem:$0x3FFD];
	_ =	sdelay $0x3  }
0x96: {  	_ =	strace s2  }
0x97: {  	_ =	strace $0x8FFFFFFF  }
0x98: {  	s18 =	sld [smem:$0x3FDB];
	_ =	sdelay $0x1  }
0x99: {  	s19 =	simm.s32 $_scs_section_size  }
0x9a: {  	s4 =	simm.s32 $_size__tile_overlayer_lowered;
	s5 =	simm.s32 $_tile_overlayer_lowered  }
0x9b: {  	s22 =	simm.s32 $0x1BFF;
	s21 =	sshll.u32 s5, $0x1;
	s2 =	sadd.s32 s19, s18  }
0x9c: {  	s6 =	simm.s32 $0x0;
	s20 =	sshll.u32 s4, $0x1;
	s4 =	sadd.s32 s21, s2  }
0x9d: {  	[timem:s6], [sflag:s22] =	dma.local [hbm:s4], s20  }
0x9e: {  	_ =	swait.ge [sflag:s22], s20  }
0x9f: {  	s3 =	ssub.s32 $0x0, s20;
	[sflag:s22] =	ssyncset.done $0x0  }
0xa0: {  	[sflag:s22] =	ssyncadd.s32 s3;
	_ =	sdelay $0x1  }
0xa1: {  	s23 =	simm.s32 $0x1B8B  }
0xa2: {  	_ =	swait.ge [sflag:s23], $0x1  }
0xa3: {  	[sflag:s23] =	ssyncset.done $0x0  }
0xa4: {  	s25 =	simm.s32 $0x1B8E;
	s24 =	sld [smem:$0x3FFE];
	[sflag:s23] =	ssyncadd.s32 $0xFFFFFFFF  }
0xa5: {  	s26 =	simm.s32 $execute0_lowered;
	[smem:$0x3FD2] =	sst s25  }
0xa6: {  	s4 =	sshll.u32 s26, $0x1;
	_ =	strace $0x8000004C;
	[dreg:$0x1] =	wrdreg $0xFFFFFFFF  }
0xa7: {  	s28 =	simm.s32 $_size_execute0_lowered;
	s2 =	sadd.s32 s2, s4;
	[dreg:$0x0] =	wrdreg $0x0  }
0xa8: {  	s4 =	sshll.u32 s28, $0x1;
	[dreg:$0x2] =	wrdreg s2  }
0xa9: {  	[dreg:$0x3] =	wrdreg s4  }
0xaa: {  	[dreg:$0x4] =	wrdreg $0xC0  }
0xab: {  	_ =	task [dreg:s6], $0x5FFFF  }
0xac: {  	[dreg:$0x1] =	wrdreg $0xFFFFFFFF  }
0xad: {  	[dreg:$0x0] =	wrdreg $0x60  }
0xae: {  	[dreg:$0x2] =	wrdreg s24  }
0xaf: {  	[dreg:$0x3] =	wrdreg $0x90000  }
0xb0: {  	[dreg:$0x4] =	wrdreg $0x9  }
0xb1: {  	_ =	task.clear_ibuf [dreg:s6], $0x5FFFF;
	_ =	strace $0x9000004C  }
0xb2: {  	s29 =	simm.s32 $0x9;
	_ =	strace $0x8000004E  }
0xb3: {  	_ =	swait.ge [sflag:s29], $0x1  }
0xb4: {  	[sflag:s29] =	ssyncadd.s32 $0xFFFFFFFF  }
0xb5: {  	_ =	strace $0x9000004E  }
0xb6: {  	_ =	sfence  }
0xb7: {  	s30 =	sld [smem:$0x0];
	_ =	sdelay $0x2  }
0xb8: {  	s31 =	sshll.u32 s1, $0xD;
	s1 =	sshrl.u32 s1, $0x2  }
0xb9: {  	s3 =	sand.u32 $0x4000, s31;
	s1 =	sadd.s32 s1, s30  }
0xba: {  	s0 =	sor.u32 s3, s0;
	s1 =	sshll.u32 s1, $0x11  }
0xbb: {  	s0 =	sor.u32 s1, s0  }
0xbc: {  	s0 =	sadd.s32 $0x8F2B, s0  }
0xbd: {  	[sflag:s0] =	ssyncadd.remote.s32 $0x1  }
0xbe: {  	_ =	sfence.sel $0xFFFF  }
0xbf: {  	[dreg:$0x0] =	wrdreg $0xFFFFFFFF;
	(pc) =	sbr.abs _section_cstart, $3  }
0xc0: {  	[dreg:$0x1] =	wrdreg $0xFFFFFFFF  }
0xc1: {  	_ =	task.clear_ibuf [dreg:s6], $0x2FFFF;
	_ =	strace $0x9FFFFFFF  }
0xc2: {  	(tm) =	ssettm $0x7FFFFFFF  }
0xc3: {  	_ =	shalt  }
tec
execute0_lowered:
.L_overlay_start_1:
0x0: {  	(tag) =	ssettag $0x1  }
0x1: {  	s9 =	rddreg [dreg:$0x0]  }
0x2: {  	s2 =	rddreg [dreg:$0x1];
	s1 =	stileid.u32  }
0x3: {  	s0 =	rddreg [dreg:$0x2];
	s3 =	simm.s32 $0x0;
	s5 =	srdreg.scid  }
0x4: {  	s15 =	simm.s32 $0x80;
	s16 =	simm.s32 $0x5000;
	s4 =	smul.u32 $0x500, s1  }
0x5: {  	s17 =	simm.s32 $0x1;
	[smem:$0x7FF] =	sst s3;
	s18 =	smul.u32 $0x2780, s1  }
0x6: {  	s11 =	sand.u32 $0x1, s5;
	s5 =	sadd.s32 $0xA9A00, s9;
	s10 =	smul.u32 $0x4F000, s1  }
0x7: {  	s19 =	sadd.s32 $0x1E3000, s9;
	s31 =	sshll.u32 s1, $0x6;
	_ =	strace $0x8000004D  }
0x8: {  	s6 =	ssub.s32 $0x2, s11;
	p0 =	sne.s32 s11, $0x0;
	s11 =	simm.s32 $0x2  }
0x9: {  	s7 =	sadd.s32 s4, s9;
	s4 =	sadd.s32 $0xD600, s9;
	s8 =	sshrl.u32 s6, $0x1  }
.Ltmp0:
0xa: {  	s12 =	sadd.s32 s18, s9;
	s10 =	sshrl.u32 s10, $0x2;
	(pc) =	sbr.rel .LBB2_1-.Ltmp0, $4  }
0xb: {  	s18 =	sadd.s32 s18, s19;
	s19 =	simm.s32 $0x0;
	s13 =	ssub.s32 s6, s8  }
0xc: {  	s6 =	sadd.s32 $0x3600, s7;
	s7 =	sadd.s32 $0x8600, s7;
	s8 =	sadd.s32 $0x145E00, s12  }
0xd: {  	s14 =	sadd.s32 s10, s2;
	s9 =	sadd.s32 $0x1BB800, s12;
	s12 =	simm.s32 $0x2800  }
0xe: {  	s10 =	smax.u32 s13, $0x1;
	s13 =	sor.u32 $0x1C02, s31;
	s14 =	sshrl.u32 s14, $0x3  }
.LBB2_7:
0xf: {  	s20 =	sshra.s32 s20, $0x2;
	[sflag:s11] =	ssyncadd.s32 $0xFFFFC000  }
0x10: {  	[tilespmem:s16], [sflag:$0x1] =	stream.indirect.gather [hbm4b:s5+s15], $0x80, s20, s15, $0xb8;
	[tilespmem:$0x1CC00] =	vst v63  }
0x11: {  	_ =	swait.ge [sflag:s17], $0x4000  }
0x12: {  	[sflag:s17] =	ssyncset.done $0x0  }
0x13: {  	s20 =	sadd.s32 $0x2800, s20;
	[sflag:s17] =	ssyncadd.s32 $0xFFFFC000  }
0x14: {  	[spmem:s2] =	stream.indirect.scatter.add.f32 [tilespmem:s16], [sflag:$0x2], $0x80, s20, s15, $0xb8;
	[tilespmem:$0x1CC00] =	vst v63  }
0x15: {  	_ =	swait.ge [sflag:s11], $0x4000  }
0x16: {  	[sflag:s11] =	ssyncset.done $0x0  }
0x17: {  	[sflag:s11] =	ssyncadd.s32 $0xFFFFC000  }
0x18: {  	s20 =	smov.u32 s18;
	[bflag:$0x0] =	sbarrier.arrive $0xFFFF  }
.LBB2_8:
0x19: {  	s19 =	sadd.s32 $0x1, s19  }
0x1a: {  	p1 =	sne.s32 s19, s10  }
.Ltmp1:
0x1b: {  	_ = 	snop;
	(pc) =	sbr.rel @!p1 .LBB2_9-.Ltmp1, $4  }
0x1c: {  	[hbm:s20], [sflag:s13] =	dma.local [spmem:s14], $0x2780  }
0x1d: {  	_ =	swait.ge [sflag:s11], $0x2780  }
0x1e: {  	[sflag:s11] =	ssyncset.done $0x0  }
0x1f: {  	[sflag:s11] =	ssyncadd.s32 $0xFFFFD880  }
.LBB2_1:
0x20: {  	[tilespmem:s3], [sflag:$0x2] =	stream.linear.gather [hbm4b:s6+s3], $0x2780, $0x38;
	[tilespmem:$0x1CC00] =	vst v63  }
0x21: {  	_ =	swait.ge [sflag:s11], $0x2780  }
0x22: {  	[sflag:s11] =	ssyncset.done $0x0  }
0x23: {  	[sflag:s11] =	ssyncadd.s32 $0xFFFFD880  }
0x24: {  	[tilespmem:s12], [sflag:$0x2] =	stream.linear.gather [hbm4b:s7+s3], $0x2780, $0x38;
	[tilespmem:$0x1CC00] =	vst v63  }
0x25: {  	_ =	swait.ge [sflag:s11], $0x2780  }
0x26: {  	[sflag:s11] =	ssyncset.done $0x0  }
0x27: {  	[sflag:s11] =	ssyncadd.s32 $0xFFFFD880  }
0x28: {  	[spmem:s14], [sflag:s13] =	dma.local [hbm:s8], $0x2780  }
.Ltmp2:
0x29: {  	_ =	swait.ge [sflag:s11], $0x2780;
	(pc) =	sbr.rel @p0 .LBB2_5-.Ltmp2, $4  }
0x2a: {  	[sflag:s11] =	ssyncset.done $0x0  }
0x2b: {  	[sflag:s11] =	ssyncadd.s32 $0xFFFFD880  }
0x2c: {  	[bflag:$0x0] =	sbarrier.arrive $0xFFFF  }
0x2d: {  	s20 =	simm.s32 $0x0  }
0x2e: {  	[tilespmem:s16], [sflag:$0x1] =	stream.indirect.gather [hbm4b:s4+s15], $0x80, s20, s15, $0xb8;
	[tilespmem:$0x1CC00] =	vst v63  }
0x2f: {  	_ =	swait.ge [sflag:s17], $0x4000  }
0x30: {  	[sflag:s17] =	ssyncset.done $0x0  }
0x31: {  	s31 =	simm.s32 $0x2800;
	[sflag:s17] =	ssyncadd.s32 $0xFFFFC000  }
0x32: {  	[spmem:s2] =	stream.indirect.scatter.add.f32 [tilespmem:s16], [sflag:$0x2], $0x80, s31, s15, $0xb8;
	[tilespmem:$0x1CC00] =	vst v63  }
0x33: {  	_ =	swait.ge [sflag:s11], $0x4000  }
0x34: {  	s20 =	simm.s32 $0x200;
	s21 =	simm.s32 $0x400;
	[sflag:s11] =	ssyncset.done $0x0  }
.LBB2_3:
0x35: {  	s22 =	sshra.s32 s20, $0x2  }
0x36: {  	[sflag:s11] =	ssyncadd.s32 $0xFFFFC000;
	s20 =	smov.u32 s21;
	s23 =	sadd.s32 $0x200, s21  }
0x37: {  	[tilespmem:s16], [sflag:$0x1] =	stream.indirect.gather [hbm4b:s4+s15], $0x80, s22, s15, $0xb8;
	[tilespmem:$0x1CC00] =	vst v63  }
0x38: {  	p1 =	sne.s32 s21, $0x9C00;
	_ =	swait.ge [sflag:s17], $0x4000  }
.Ltmp3:
0x39: {  	[sflag:s17] =	ssyncset.done $0x0;
	(pc) =	sbr.rel @p1 .LBB2_3-.Ltmp3, $4  }
0x3a: {  	s21 =	sadd.s32 $0x2800, s22;
	[sflag:s17] =	ssyncadd.s32 $0xFFFFC000  }
0x3b: {  	[spmem:s2] =	stream.indirect.scatter.add.f32 [tilespmem:s16], [sflag:$0x2], $0x80, s21, s15, $0xb8;
	[tilespmem:$0x1CC00] =	vst v63  }
0x3c: {  	_ =	swait.ge [sflag:s11], $0x4000  }
0x3d: {  	s21 =	smov.u32 s23;
	[sflag:s11] =	ssyncset.done $0x0  }
0x3e: {  	s20 =	sshra.s32 s20, $0x2;
	[sflag:s11] =	ssyncadd.s32 $0xFFFFC000  }
0x3f: {  	[tilespmem:s16], [sflag:$0x1] =	stream.indirect.gather [hbm4b:s4+s15], $0x80, s20, s15, $0xb8;
	[tilespmem:$0x1CC00] =	vst v63  }
0x40: {  	_ =	swait.ge [sflag:s17], $0x4000  }
0x41: {  	[sflag:s17] =	ssyncset.done $0x0  }
0x42: {  	s20 =	sadd.s32 $0x2800, s20;
	[sflag:s17] =	ssyncadd.s32 $0xFFFFC000  }
0x43: {  	[spmem:s2] =	stream.indirect.scatter.add.f32 [tilespmem:s16], [sflag:$0x2], $0x80, s20, s15, $0xb8;
	[tilespmem:$0x1CC00] =	vst v63  }
.Ltmp4:
0x44: {  	_ =	swait.ge [sflag:s11], $0x4000;
	(pc) =	sbr.rel .LBB2_8-.Ltmp4, $4  }
0x45: {  	[sflag:s11] =	ssyncset.done $0x0  }
0x46: {  	[sflag:s11] =	ssyncadd.s32 $0xFFFFC000  }
0x47: {  	[bflag:$0x0] =	sbarrier.arrive $0xFFFF  }
0x48: {  	s20 =	smov.u32 s9  }
.LBB2_5:
0x49: {  	[tilespmem:s16], [sflag:$0x1] =	stream.indirect.gather [hbm4b:s5+s15], $0x80, s20, s15, $0xb8;
	[tilespmem:$0x1CC00] =	vst v63  }
0x4a: {  	_ =	swait.ge [sflag:s17], $0x4000  }
0x4b: {  	[sflag:s17] =	ssyncset.done $0x0  }
0x4c: {  	s31 =	simm.s32 $0x2800;
	[sflag:s17] =	ssyncadd.s32 $0xFFFFC000  }
0x4d: {  	[spmem:s2] =	stream.indirect.scatter.add.f32 [tilespmem:s16], [sflag:$0x2], $0x80, s31, s15, $0xb8;
	[tilespmem:$0x1CC00] =	vst v63  }
0x4e: {  	_ =	swait.ge [sflag:s11], $0x4000  }
0x4f: {  	s20 =	simm.s32 $0x200;
	s21 =	simm.s32 $0x400;
	[sflag:s11] =	ssyncset.done $0x0  }
.LBB2_6:
0x50: {  	s22 =	sshra.s32 s20, $0x2  }
0x51: {  	[sflag:s11] =	ssyncadd.s32 $0xFFFFC000;
	s20 =	smov.u32 s21;
	s23 =	sadd.s32 $0x200, s21  }
0x52: {  	[tilespmem:s16], [sflag:$0x1] =	stream.indirect.gather [hbm4b:s5+s15], $0x80, s22, s15, $0xb8;
	[tilespmem:$0x1CC00] =	vst v63  }
0x53: {  	p1 =	sne.s32 s21, $0x9C00;
	_ =	swait.ge [sflag:s17], $0x4000  }
.Ltmp5:
0x54: {  	[sflag:s17] =	ssyncset.done $0x0;
	(pc) =	sbr.rel @p1 .LBB2_6-.Ltmp5, $4  }
0x55: {  	s21 =	sadd.s32 $0x2800, s22;
	[sflag:s17] =	ssyncadd.s32 $0xFFFFC000  }
0x56: {  	[spmem:s2] =	stream.indirect.scatter.add.f32 [tilespmem:s16], [sflag:$0x2], $0x80, s21, s15, $0xb8;
	[tilespmem:$0x1CC00] =	vst v63  }
0x57: {  	_ =	swait.ge [sflag:s11], $0x4000  }
0x58: {  	s21 =	smov.u32 s23;
	[sflag:s11] =	ssyncset.done $0x0  }
.Ltmp6:
0x59: {  	_ = 	snop;
	(pc) =	sbr.rel .LBB2_7-.Ltmp6, $1  }
0x5a: {  	_ =	sdelay $0x3  }
.LBB2_9:
0x5b: {  	_ =	sfence.sel $0x180000  }
0x5c: {  	[bflag:$0x0] =	sbarrier.arrive $0xFFFF  }
0x5d: {  	p0 =	sne.s32 s1, $0x0;
	_ =	strace $0x9000004D  }
0x5e: {  	s0 =	sadd.s32 @!p0 $0x100000, s0;
	[bflag:$0x2] =	sbarrier.arrive $0xFFFF  }
0x5f: {  	[sflag:s0] =	ssyncadd.tile.s32 @!p0 $0x1;
	_ =	shalt  }
.Lfunc_end2:
_tile_overlayer_lowered:
.L_overlay_start_2:
0x60: {  	(tag) =	ssettag $0x2  }
0x61: {  	s0 =	rddreg [dreg:$0x0];
	s2 =	stileid.u32  }
0x62: {  	s1 =	rddreg [dreg:$0x1];
	p0 =	sne.s32 s2, $0x0  }
0x63: {  	s3 =	rddreg [dreg:$0x2];
	[bflag:$0x3] =	sbarrier.arrive $0xFFFF;
	s2 =	simm.s32 @!p0 $0x1C02  }
0x64: {  	[timem:s3], [sflag:s2] =	dma.local @!p0 [hbm:s0], s1  }
0x65: {  	s0 =	simm.s32 @!p0 $0x2  }
0x66: {  	_ =	swait.ge @!p0 [sflag:s0], s1  }
0x67: {  	s1 =	ssub.s32 @!p0 $0x0, s1;
	[sflag:s0] =	ssyncset.done @!p0 $0x0  }
0x68: {  	[sflag:s0] =	ssyncadd.s32 @!p0 s1  }
0x69: {  	[bflag:$0x3] =	sbarrier.arrive $0xFFFF  }
0x6a: {  	_ =	shalt  }

// kernel: kernel.25.cloned.1.call-start
scs
__scs_entry_jumppad:
0x0: {  	(pc) =	sbr.rel $0x88, $3  }
0x1: {  	(tag) =	ssettag $0x0;
	lr =	simm.s32 $0x1  }
0x2: {  	[smem:$0x3F92] =	sst lr;
	_ =	strace $0xD0000000  }
0x3: {  	_ = 	snop  }
0x4: {  	_ = 	snop  }
0x5: {  	_ = 	snop  }
0x6: {  	_ = 	snop  }
0x7: {  	_ = 	snop  }
__scs_overlays_trampoline_lowered:
0x8: {  	[smem:$0x3FA1] =	sst s0  }
0x9: {  	[smem:$0x3FA2] =	sst s1  }
0xa: {  	[smem:$0x3FA3] =	sst s2  }
0xb: {  	[smem:$0x3FA4] =	sst s3  }
0xc: {  	[smem:$0x3FA5] =	sst s4  }
0xd: {  	[smem:$0x3FA6] =	sst s5  }
0xe: {  	[smem:$0x3FA7] =	sst s6  }
0xf: {  	[smem:$0x3FA8] =	sst s7  }
0x10: {  	[smem:$0x3FA9] =	sst s8  }
0x11: {  	[smem:$0x3FAA] =	sst s9;
	s0 =	simm.s32 @!p0 $0x0  }
0x12: {  	s1 =	sld [smem:$0x3F90];
	s0 =	simm.s32 @p0 $0x1  }
0x13: {  	[smem:$0x3FAB] =	sst s0;
	s0 =	simm.s32 @!p1 $0x0  }
0x14: {  	s2 =	sld [smem:$0x3F8F];
	s0 =	simm.s32 @p1 $0x1  }
0x15: {  	[smem:$0x3FAC] =	sst s0;
	s0 =	simm.s32 @!p2 $0x0  }
0x16: {  	s3 =	sld [smem:$0x3FDB];
	s0 =	simm.s32 @p2 $0x1  }
0x17: {  	s4 =	simm.s32 $0x1BF5;
	[smem:$0x3FAE] =	sst s0  }
0x18: {  	s0 =	sld [smem:$0x3F91];
	_ =	swait.ge [sflag:s4], $0x0  }
0x19: {  	s7 =	sld [smem:$0x3F92]  }
0x1a: {  	s8 =	sadd.s32 $0xFFFFE003, lr  }
0x1b: {  	s9 =	sadd.s32 $0xFFFFFEF7, lr;
	s5 =	simm.s32 $0xFFFFFFFF;
	p2 =	slt.u32 s8, $0xFFFFF086  }
0x1c: {  	p1 =	slt.u32 s9, $0xF7A;
	s5 =	simm.s32 @!p2 $0x0  }
0x1d: {  	s5 =	simm.s32 @p1 $0x1;
	p0 =	seq.s32 s7, s2  }
0x1e: {  	s7 =	smul.u32 @!p0 $0xF7A, s2;
	p2 =	seq.s32 @!p0 s5, $0x0  }
0x1f: {  	s9 =	smul.u32 $0xF7A, s1;
	s8 =	simm.s32 @!p0 $0x1BF5;
	p2 =	por !p2, p0  }
0x20: {  	[sflag:s8] =	ssyncset.s32 @!p0 $0xFFFFF086;
	s6 =	sadd.s32 @!p0 s3, s7;
	s7 =	simm.s32 @!p0 $0x108  }
0x21: {  	s3 =	sadd.s32 s3, s9;
	s6 =	sadd.s32 @!p0 $0x88, s6;
	s7 =	simm.s32 @p2 $0x1082  }
0x22: {  	[simem:s7], [sflag:s8] =	dma.local @!p0 [hbm:s6], $0xF7A  }
0x23: {  	s9 =	sor.u32 $0xD0000000, s2;
	s6 =	simm.s32 $0x108;
	_ =	swait.ge @!p0 [sflag:s8], $0x0  }
0x24: {  	s3 =	sadd.s32 $0x88, s3;
	s6 =	simm.s32 @!p1 $0x1082;
	[sflag:s4] =	ssyncset.s32 $0xFFFFF086  }
0x25: {  	[simem:s6], [sflag:s4] =	dma.local [hbm:s3], $0xF7A  }
0x26: {  	[smem:$0x3F92] =	sst s1;
	(tag) =	ssettag s2;
	_ =	strace s9  }
0x27: {  	s1 =	sld [smem:$0x3FA2]  }
0x28: {  	s2 =	sld [smem:$0x3FA3]  }
0x29: {  	s4 =	sld [smem:$0x3FA5]  }
0x2a: {  	p0 =	seq.s32 s5, $0x0;
	s5 =	sld [smem:$0x3FA6]  }
0x2b: {  	s6 =	sld [smem:$0x3FA7]  }
0x2c: {  	s7 =	sld [smem:$0x3FA8]  }
0x2d: {  	s3 =	simm.s32 $0x108;
	s8 =	sld [smem:$0x3FA9]  }
0x2e: {  	s3 =	simm.s32 @!p0 $0x1082;
	s9 =	sld [smem:$0x3FAA]  }
0x2f: {  	lr =	sadd.s32 s0, s3;
	s0 =	sld [smem:$0x3FA1]  }
0x30: {  	s3 =	sld [smem:$0x3FA4]  }
0x31: {  	[smem:$0x3FAD] =	sst s10  }
0x32: {  	s10 =	sld [smem:$0x3FAB];
	_ =	sdelay $0x3  }
0x33: {  	p0 =	seq.s32 s10, $0x1;
	s10 =	sld [smem:$0x3FAD];
	_ =	sdelay $0x3  }
0x34: {  	[smem:$0x3FAD] =	sst s10  }
0x35: {  	s10 =	sld [smem:$0x3FAC];
	_ =	sdelay $0x3  }
0x36: {  	p1 =	seq.s32 s10, $0x1;
	s10 =	sld [smem:$0x3FAD];
	_ =	sdelay $0x3  }
0x37: {  	[smem:$0x3FAD] =	sst s10  }
0x38: {  	s10 =	sld [smem:$0x3FAE]  }
0x39: {  	_ = 	snop;
	(pc) =	sbr.ind lr, $3  }
0x3a: {  	_ = 	snop  }
0x3b: {  	_ = 	snop  }
0x3c: {  	p2 =	seq.s32 s10, $0x1;
	s10 =	sld [smem:$0x3FAD]  }
0x3d: {  	_ =	shalt  }
0x3e: {  	_ =	shalt  }
0x3f: {  	_ =	shalt  }
0x40: {  	_ =	shalt  }
0x41: {  	_ =	shalt  }
0x42: {  	_ =	shalt  }
0x43: {  	_ =	shalt  }
0x44: {  	_ =	shalt  }
0x45: {  	_ =	shalt  }
0x46: {  	_ =	shalt  }
0x47: {  	_ =	shalt  }
0x48: {  	_ =	shalt  }
0x49: {  	_ =	shalt  }
0x4a: {  	_ =	shalt  }
0x4b: {  	_ =	shalt  }
0x4c: {  	_ =	shalt  }
0x4d: {  	_ =	shalt  }
0x4e: {  	_ =	shalt  }
0x4f: {  	_ =	shalt  }
0x50: {  	_ =	shalt  }
0x51: {  	_ =	shalt  }
0x52: {  	_ =	shalt  }
0x53: {  	_ =	shalt  }
0x54: {  	_ =	shalt  }
0x55: {  	_ =	shalt  }
0x56: {  	_ =	shalt  }
0x57: {  	_ =	shalt  }
0x58: {  	_ =	shalt  }
0x59: {  	_ =	shalt  }
0x5a: {  	_ =	shalt  }
0x5b: {  	_ =	shalt  }
0x5c: {  	_ =	shalt  }
0x5d: {  	_ =	shalt  }
0x5e: {  	_ =	shalt  }
0x5f: {  	_ =	shalt  }
0x60: {  	_ =	shalt  }
0x61: {  	_ =	shalt  }
0x62: {  	_ =	shalt  }
0x63: {  	_ =	shalt  }
0x64: {  	_ =	shalt  }
0x65: {  	_ =	shalt  }
0x66: {  	_ =	shalt  }
0x67: {  	_ =	shalt  }
0x68: {  	_ =	shalt  }
0x69: {  	_ =	shalt  }
0x6a: {  	_ =	shalt  }
0x6b: {  	_ =	shalt  }
0x6c: {  	_ =	shalt  }
0x6d: {  	_ =	shalt  }
0x6e: {  	_ =	shalt  }
0x6f: {  	_ =	shalt  }
0x70: {  	_ =	shalt  }
0x71: {  	_ =	shalt  }
0x72: {  	_ =	shalt  }
0x73: {  	_ =	shalt  }
0x74: {  	_ =	shalt  }
0x75: {  	_ =	shalt  }
0x76: {  	_ =	shalt  }
0x77: {  	_ =	shalt  }
0x78: {  	_ =	shalt  }
0x79: {  	_ =	shalt  }
0x7a: {  	_ =	shalt  }
0x7b: {  	_ =	shalt  }
0x7c: {  	_ =	shalt  }
0x7d: {  	_ =	shalt  }
0x7e: {  	_ =	shalt  }
0x7f: {  	_ =	shalt  }
0x80: {  	_ =	shalt  }
0x81: {  	_ =	shalt  }
0x82: {  	_ =	shalt  }
0x83: {  	_ =	shalt  }
0x84: {  	_ =	shalt  }
0x85: {  	_ =	shalt  }
0x86: {  	_ =	shalt  }
0x87: {  	_ =	shalt  }
.Lfunc_end0:
.L_simem_size_0:
called_computation.3_lowered:
.L_overlay_start_0:
0x88: {  	s2 =	sld [smem:$0x3FD9]  }
0x89: {  	s3 =	sld [smem:$0x3FFE];
	_ =	sdelay $0x1  }
0x8a: {  	s1 =	srdreg.scid  }
0x8b: {  	s0 =	sand.u32 $0x1, s1  }
0x8c: {  	s16 =	sshll.u32 s0, $0xA;
	s2 =	sadd.s32 s3, s2  }
0x8d: {  	s2 =	sadd.s32 s2, s16  }
0x8e: {  	[smem:$0x3FB9] =	sst s2  }
0x8f: {  	_ = 	snop  }
0x90: {  	(tm) =	ssettm $0x1  }
0x91: {  	s17 =	sld [smem:$0x3FFB];
	_ =	sdelay $0x3  }
0x92: {  	_ =	strace s17  }
0x93: {  	s2 =	sld [smem:$0x3FFC];
	_ =	sdelay $0x3  }
0x94: {  	_ =	strace s2  }
0x95: {  	s2 =	sld [smem:$0x3FFD];
	_ =	sdelay $0x3  }
0x96: {  	_ =	strace s2  }
0x97: {  	_ =	strace $0x8FFFFFFF  }
0x98: {  	s18 =	sld [smem:$0x3FDB];
	_ =	sdelay $0x1  }
0x99: {  	s19 =	simm.s32 $_scs_section_size  }
0x9a: {  	s4 =	simm.s32 $_size__tile_overlayer_lowered;
	s5 =	simm.s32 $_tile_overlayer_lowered  }
0x9b: {  	s22 =	simm.s32 $0x1BFF;
	s21 =	sshll.u32 s5, $0x1;
	s2 =	sadd.s32 s19, s18  }
0x9c: {  	s6 =	simm.s32 $0x0;
	s20 =	sshll.u32 s4, $0x1;
	s4 =	sadd.s32 s21, s2  }
0x9d: {  	[timem:s6], [sflag:s22] =	dma.local [hbm:s4], s20  }
0x9e: {  	_ =	swait.ge [sflag:s22], s20  }
0x9f: {  	s3 =	ssub.s32 $0x0, s20;
	[sflag:s22] =	ssyncset.done $0x0  }
0xa0: {  	[sflag:s22] =	ssyncadd.s32 s3;
	_ =	sdelay $0x1  }
0xa1: {  	s23 =	simm.s32 $0x1B8B  }
0xa2: {  	_ =	swait.ge [sflag:s23], $0x1  }
0xa3: {  	[sflag:s23] =	ssyncset.done $0x0  }
0xa4: {  	s25 =	simm.s32 $0x1B8E;
	s24 =	sld [smem:$0x3FFE];
	[sflag:s23] =	ssyncadd.s32 $0xFFFFFFFF  }
0xa5: {  	s26 =	simm.s32 $execute0_lowered;
	[smem:$0x3FD2] =	sst s25  }
0xa6: {  	s4 =	sshll.u32 s26, $0x1;
	_ =	strace $0x8000004F;
	[dreg:$0x1] =	wrdreg $0xFFFFFFFF  }
0xa7: {  	s28 =	simm.s32 $_size_execute0_lowered;
	s2 =	sadd.s32 s2, s4;
	[dreg:$0x0] =	wrdreg $0x0  }
0xa8: {  	s4 =	sshll.u32 s28, $0x1;
	[dreg:$0x2] =	wrdreg s2  }
0xa9: {  	[dreg:$0x3] =	wrdreg s4  }
0xaa: {  	[dreg:$0x4] =	wrdreg $0xC0  }
0xab: {  	_ =	task [dreg:s6], $0x5FFFF  }
0xac: {  	[dreg:$0x1] =	wrdreg $0xFFFFFFFF  }
0xad: {  	[dreg:$0x0] =	wrdreg $0x60  }
0xae: {  	[dreg:$0x2] =	wrdreg s24  }
0xaf: {  	[dreg:$0x3] =	wrdreg $0x90000  }
0xb0: {  	[dreg:$0x4] =	wrdreg $0x9  }
0xb1: {  	_ =	task.clear_ibuf [dreg:s6], $0x5FFFF;
	_ =	strace $0x9000004F  }
0xb2: {  	s29 =	simm.s32 $0x9;
	_ =	strace $0x80000051  }
0xb3: {  	_ =	swait.ge [sflag:s29], $0x1  }
0xb4: {  	[sflag:s29] =	ssyncadd.s32 $0xFFFFFFFF  }
0xb5: {  	_ =	strace $0x90000051  }
0xb6: {  	_ =	sfence  }
0xb7: {  	s30 =	sld [smem:$0x0];
	_ =	sdelay $0x2  }
0xb8: {  	s31 =	sshll.u32 s1, $0xD;
	s1 =	sshrl.u32 s1, $0x2  }
0xb9: {  	s3 =	sand.u32 $0x4000, s31;
	s1 =	sadd.s32 s1, s30  }
0xba: {  	s0 =	sor.u32 s3, s0;
	s1 =	sshll.u32 s1, $0x11  }
0xbb: {  	s0 =	sor.u32 s1, s0  }
0xbc: {  	s0 =	sadd.s32 $0x8F2B, s0  }
0xbd: {  	[sflag:s0] =	ssyncadd.remote.s32 $0x1  }
0xbe: {  	_ =	sfence.sel $0xFFFF  }
0xbf: {  	[dreg:$0x0] =	wrdreg $0xFFFFFFFF;
	(pc) =	sbr.abs _section_cstart, $3  }
0xc0: {  	[dreg:$0x1] =	wrdreg $0xFFFFFFFF  }
0xc1: {  	_ =	task.clear_ibuf [dreg:s6], $0x2FFFF;
	_ =	strace $0x9FFFFFFF  }
0xc2: {  	(tm) =	ssettm $0x7FFFFFFF  }
0xc3: {  	_ =	shalt  }
tec
execute0_lowered:
.L_overlay_start_1:
0x0: {  	(tag) =	ssettag $0x1  }
0x1: {  	s9 =	rddreg [dreg:$0x0]  }
0x2: {  	s2 =	rddreg [dreg:$0x1];
	s1 =	stileid.u32  }
0x3: {  	s0 =	rddreg [dreg:$0x2];
	s3 =	simm.s32 $0x0;
	s5 =	srdreg.scid  }
0x4: {  	s15 =	simm.s32 $0x80;
	s16 =	simm.s32 $0x5000;
	s4 =	smul.u32 $0x500, s1  }
0x5: {  	s17 =	simm.s32 $0x1;
	[smem:$0x7FF] =	sst s3;
	s18 =	smul.u32 $0x2780, s1  }
0x6: {  	s11 =	sand.u32 $0x1, s5;
	s5 =	sadd.s32 $0xA9A00, s9;
	s10 =	smul.u32 $0x4F000, s1  }
0x7: {  	s19 =	sadd.s32 $0x1E3000, s9;
	s31 =	sshll.u32 s1, $0x6;
	_ =	strace $0x80000050  }
0x8: {  	s6 =	ssub.s32 $0x2, s11;
	p0 =	sne.s32 s11, $0x0;
	s11 =	simm.s32 $0x2  }
0x9: {  	s7 =	sadd.s32 s4, s9;
	s4 =	sadd.s32 $0xD600, s9;
	s8 =	sshrl.u32 s6, $0x1  }
.Ltmp0:
0xa: {  	s12 =	sadd.s32 s18, s9;
	s10 =	sshrl.u32 s10, $0x2;
	(pc) =	sbr.rel .LBB2_1-.Ltmp0, $4  }
0xb: {  	s18 =	sadd.s32 s18, s19;
	s19 =	simm.s32 $0x0;
	s13 =	ssub.s32 s6, s8  }
0xc: {  	s6 =	sadd.s32 $0x3600, s7;
	s7 =	sadd.s32 $0x8600, s7;
	s8 =	sadd.s32 $0x145E00, s12  }
0xd: {  	s14 =	sadd.s32 s10, s2;
	s9 =	sadd.s32 $0x1BB800, s12;
	s12 =	simm.s32 $0x2800  }
0xe: {  	s10 =	smax.u32 s13, $0x1;
	s13 =	sor.u32 $0x1C02, s31;
	s14 =	sshrl.u32 s14, $0x3  }
.LBB2_7:
0xf: {  	s20 =	sshra.s32 s20, $0x2;
	[sflag:s11] =	ssyncadd.s32 $0xFFFFC000  }
0x10: {  	[tilespmem:s16], [sflag:$0x1] =	stream.indirect.gather [hbm4b:s5+s15], $0x80, s20, s15, $0xb8;
	[tilespmem:$0x1CC00] =	vst v63  }
0x11: {  	_ =	swait.ge [sflag:s17], $0x4000  }
0x12: {  	[sflag:s17] =	ssyncset.done $0x0  }
0x13: {  	s20 =	sadd.s32 $0x2800, s20;
	[sflag:s17] =	ssyncadd.s32 $0xFFFFC000  }
0x14: {  	[spmem:s2] =	stream.indirect.scatter.add.f32 [tilespmem:s16], [sflag:$0x2], $0x80, s20, s15, $0xb8;
	[tilespmem:$0x1CC00] =	vst v63  }
0x15: {  	_ =	swait.ge [sflag:s11], $0x4000  }
0x16: {  	[sflag:s11] =	ssyncset.done $0x0  }
0x17: {  	[sflag:s11] =	ssyncadd.s32 $0xFFFFC000  }
0x18: {  	s20 =	smov.u32 s18;
	[bflag:$0x0] =	sbarrier.arrive $0xFFFF  }
.LBB2_8:
0x19: {  	s19 =	sadd.s32 $0x1, s19  }
0x1a: {  	p1 =	sne.s32 s19, s10  }
.Ltmp1:
0x1b: {  	_ = 	snop;
	(pc) =	sbr.rel @!p1 .LBB2_9-.Ltmp1, $4  }
0x1c: {  	[hbm:s20], [sflag:s13] =	dma.local [spmem:s14], $0x2780  }
0x1d: {  	_ =	swait.ge [sflag:s11], $0x2780  }
0x1e: {  	[sflag:s11] =	ssyncset.done $0x0  }
0x1f: {  	[sflag:s11] =	ssyncadd.s32 $0xFFFFD880  }
.LBB2_1:
0x20: {  	[tilespmem:s3], [sflag:$0x2] =	stream.linear.gather [hbm4b:s6+s3], $0x2780, $0x38;
	[tilespmem:$0x1CC00] =	vst v63  }
0x21: {  	_ =	swait.ge [sflag:s11], $0x2780  }
0x22: {  	[sflag:s11] =	ssyncset.done $0x0  }
0x23: {  	[sflag:s11] =	ssyncadd.s32 $0xFFFFD880  }
0x24: {  	[tilespmem:s12], [sflag:$0x2] =	stream.linear.gather [hbm4b:s7+s3], $0x2780, $0x38;
	[tilespmem:$0x1CC00] =	vst v63  }
0x25: {  	_ =	swait.ge [sflag:s11], $0x2780  }
0x26: {  	[sflag:s11] =	ssyncset.done $0x0  }
0x27: {  	[sflag:s11] =	ssyncadd.s32 $0xFFFFD880  }
0x28: {  	[spmem:s14], [sflag:s13] =	dma.local [hbm:s8], $0x2780  }
.Ltmp2:
0x29: {  	_ =	swait.ge [sflag:s11], $0x2780;
	(pc) =	sbr.rel @p0 .LBB2_5-.Ltmp2, $4  }
0x2a: {  	[sflag:s11] =	ssyncset.done $0x0  }
0x2b: {  	[sflag:s11] =	ssyncadd.s32 $0xFFFFD880  }
0x2c: {  	[bflag:$0x0] =	sbarrier.arrive $0xFFFF  }
0x2d: {  	s20 =	simm.s32 $0x0  }
0x2e: {  	[tilespmem:s16], [sflag:$0x1] =	stream.indirect.gather [hbm4b:s4+s15], $0x80, s20, s15, $0xb8;
	[tilespmem:$0x1CC00] =	vst v63  }
0x2f: {  	_ =	swait.ge [sflag:s17], $0x4000  }
0x30: {  	[sflag:s17] =	ssyncset.done $0x0  }
0x31: {  	s31 =	simm.s32 $0x2800;
	[sflag:s17] =	ssyncadd.s32 $0xFFFFC000  }
0x32: {  	[spmem:s2] =	stream.indirect.scatter.add.f32 [tilespmem:s16], [sflag:$0x2], $0x80, s31, s15, $0xb8;
	[tilespmem:$0x1CC00] =	vst v63  }
0x33: {  	_ =	swait.ge [sflag:s11], $0x4000  }
0x34: {  	s20 =	simm.s32 $0x200;
	s21 =	simm.s32 $0x400;
	[sflag:s11] =	ssyncset.done $0x0  }
.LBB2_3:
0x35: {  	s22 =	sshra.s32 s20, $0x2  }
0x36: {  	[sflag:s11] =	ssyncadd.s32 $0xFFFFC000;
	s20 =	smov.u32 s21;
	s23 =	sadd.s32 $0x200, s21  }
0x37: {  	[tilespmem:s16], [sflag:$0x1] =	stream.indirect.gather [hbm4b:s4+s15], $0x80, s22, s15, $0xb8;
	[tilespmem:$0x1CC00] =	vst v63  }
0x38: {  	p1 =	sne.s32 s21, $0x9C00;
	_ =	swait.ge [sflag:s17], $0x4000  }
.Ltmp3:
0x39: {  	[sflag:s17] =	ssyncset.done $0x0;
	(pc) =	sbr.rel @p1 .LBB2_3-.Ltmp3, $4  }
0x3a: {  	s21 =	sadd.s32 $0x2800, s22;
	[sflag:s17] =	ssyncadd.s32 $0xFFFFC000  }
0x3b: {  	[spmem:s2] =	stream.indirect.scatter.add.f32 [tilespmem:s16], [sflag:$0x2], $0x80, s21, s15, $0xb8;
	[tilespmem:$0x1CC00] =	vst v63  }
0x3c: {  	_ =	swait.ge [sflag:s11], $0x4000  }
0x3d: {  	s21 =	smov.u32 s23;
	[sflag:s11] =	ssyncset.done $0x0  }
0x3e: {  	s20 =	sshra.s32 s20, $0x2;
	[sflag:s11] =	ssyncadd.s32 $0xFFFFC000  }
0x3f: {  	[tilespmem:s16], [sflag:$0x1] =	stream.indirect.gather [hbm4b:s4+s15], $0x80, s20, s15, $0xb8;
	[tilespmem:$0x1CC00] =	vst v63  }
0x40: {  	_ =	swait.ge [sflag:s17], $0x4000  }
0x41: {  	[sflag:s17] =	ssyncset.done $0x0  }
0x42: {  	s20 =	sadd.s32 $0x2800, s20;
	[sflag:s17] =	ssyncadd.s32 $0xFFFFC000  }
0x43: {  	[spmem:s2] =	stream.indirect.scatter.add.f32 [tilespmem:s16], [sflag:$0x2], $0x80, s20, s15, $0xb8;
	[tilespmem:$0x1CC00] =	vst v63  }
.Ltmp4:
0x44: {  	_ =	swait.ge [sflag:s11], $0x4000;
	(pc) =	sbr.rel .LBB2_8-.Ltmp4, $4  }
0x45: {  	[sflag:s11] =	ssyncset.done $0x0  }
0x46: {  	[sflag:s11] =	ssyncadd.s32 $0xFFFFC000  }
0x47: {  	[bflag:$0x0] =	sbarrier.arrive $0xFFFF  }
0x48: {  	s20 =	smov.u32 s9  }
.LBB2_5:
0x49: {  	[tilespmem:s16], [sflag:$0x1] =	stream.indirect.gather [hbm4b:s5+s15], $0x80, s20, s15, $0xb8;
	[tilespmem:$0x1CC00] =	vst v63  }
0x4a: {  	_ =	swait.ge [sflag:s17], $0x4000  }
0x4b: {  	[sflag:s17] =	ssyncset.done $0x0  }
0x4c: {  	s31 =	simm.s32 $0x2800;
	[sflag:s17] =	ssyncadd.s32 $0xFFFFC000  }
0x4d: {  	[spmem:s2] =	stream.indirect.scatter.add.f32 [tilespmem:s16], [sflag:$0x2], $0x80, s31, s15, $0xb8;
	[tilespmem:$0x1CC00] =	vst v63  }
0x4e: {  	_ =	swait.ge [sflag:s11], $0x4000  }
0x4f: {  	s20 =	simm.s32 $0x200;
	s21 =	simm.s32 $0x400;
	[sflag:s11] =	ssyncset.done $0x0  }
.LBB2_6:
0x50: {  	s22 =	sshra.s32 s20, $0x2  }
0x51: {  	[sflag:s11] =	ssyncadd.s32 $0xFFFFC000;
	s20 =	smov.u32 s21;
	s23 =	sadd.s32 $0x200, s21  }
0x52: {  	[tilespmem:s16], [sflag:$0x1] =	stream.indirect.gather [hbm4b:s5+s15], $0x80, s22, s15, $0xb8;
	[tilespmem:$0x1CC00] =	vst v63  }
0x53: {  	p1 =	sne.s32 s21, $0x9C00;
	_ =	swait.ge [sflag:s17], $0x4000  }
.Ltmp5:
0x54: {  	[sflag:s17] =	ssyncset.done $0x0;
	(pc) =	sbr.rel @p1 .LBB2_6-.Ltmp5, $4  }
0x55: {  	s21 =	sadd.s32 $0x2800, s22;
	[sflag:s17] =	ssyncadd.s32 $0xFFFFC000  }
0x56: {  	[spmem:s2] =	stream.indirect.scatter.add.f32 [tilespmem:s16], [sflag:$0x2], $0x80, s21, s15, $0xb8;
	[tilespmem:$0x1CC00] =	vst v63  }
0x57: {  	_ =	swait.ge [sflag:s11], $0x4000  }
0x58: {  	s21 =	smov.u32 s23;
	[sflag:s11] =	ssyncset.done $0x0  }
.Ltmp6:
0x59: {  	_ = 	snop;
	(pc) =	sbr.rel .LBB2_7-.Ltmp6, $1  }
0x5a: {  	_ =	sdelay $0x3  }
.LBB2_9:
0x5b: {  	_ =	sfence.sel $0x180000  }
0x5c: {  	[bflag:$0x0] =	sbarrier.arrive $0xFFFF  }
0x5d: {  	p0 =	sne.s32 s1, $0x0;
	_ =	strace $0x90000050  }
0x5e: {  	s0 =	sadd.s32 @!p0 $0x100000, s0;
	[bflag:$0x2] =	sbarrier.arrive $0xFFFF  }
0x5f: {  	[sflag:s0] =	ssyncadd.tile.s32 @!p0 $0x1;
	_ =	shalt  }
.Lfunc_end2:
_tile_overlayer_lowered:
.L_overlay_start_2:
0x60: {  	(tag) =	ssettag $0x2  }
0x61: {  	s0 =	rddreg [dreg:$0x0];
	s2 =	stileid.u32  }
0x62: {  	s1 =	rddreg [dreg:$0x1];
	p0 =	sne.s32 s2, $0x0  }
0x63: {  	s3 =	rddreg [dreg:$0x2];
	[bflag:$0x3] =	sbarrier.arrive $0xFFFF;
	s2 =	simm.s32 @!p0 $0x1C02  }
0x64: {  	[timem:s3], [sflag:s2] =	dma.local @!p0 [hbm:s0], s1  }
0x65: {  	s0 =	simm.s32 @!p0 $0x2  }
0x66: {  	_ =	swait.ge @!p0 [sflag:s0], s1  }
0x67: {  	s1 =	ssub.s32 @!p0 $0x0, s1;
	[sflag:s0] =	ssyncset.done @!p0 $0x0  }
0x68: {  	[sflag:s0] =	ssyncadd.s32 @!p0 s1  }
0x69: {  	[bflag:$0x3] =	sbarrier.arrive $0xFFFF  }
0x6a: {  	_ =	shalt  }

// kernel: kernel.28.cloned.1.call-start
scs
__scs_entry_jumppad:
0x0: {  	(pc) =	sbr.rel $0x88, $3  }
0x1: {  	(tag) =	ssettag $0x0;
	lr =	simm.s32 $0x1  }
0x2: {  	[smem:$0x3F92] =	sst lr;
	_ =	strace $0xD0000000  }
0x3: {  	_ = 	snop  }
0x4: {  	_ = 	snop  }
0x5: {  	_ = 	snop  }
0x6: {  	_ = 	snop  }
0x7: {  	_ = 	snop  }
__scs_overlays_trampoline_lowered:
0x8: {  	[smem:$0x3FA1] =	sst s0  }
0x9: {  	[smem:$0x3FA2] =	sst s1  }
0xa: {  	[smem:$0x3FA3] =	sst s2  }
0xb: {  	[smem:$0x3FA4] =	sst s3  }
0xc: {  	[smem:$0x3FA5] =	sst s4  }
0xd: {  	[smem:$0x3FA6] =	sst s5  }
0xe: {  	[smem:$0x3FA7] =	sst s6  }
0xf: {  	[smem:$0x3FA8] =	sst s7  }
0x10: {  	[smem:$0x3FA9] =	sst s8  }
0x11: {  	[smem:$0x3FAA] =	sst s9;
	s0 =	simm.s32 @!p0 $0x0  }
0x12: {  	s1 =	sld [smem:$0x3F90];
	s0 =	simm.s32 @p0 $0x1  }
0x13: {  	[smem:$0x3FAB] =	sst s0;
	s0 =	simm.s32 @!p1 $0x0  }
0x14: {  	s2 =	sld [smem:$0x3F8F];
	s0 =	simm.s32 @p1 $0x1  }
0x15: {  	[smem:$0x3FAC] =	sst s0;
	s0 =	simm.s32 @!p2 $0x0  }
0x16: {  	s3 =	sld [smem:$0x3FDB];
	s0 =	simm.s32 @p2 $0x1  }
0x17: {  	s4 =	simm.s32 $0x1BF5;
	[smem:$0x3FAE] =	sst s0  }
0x18: {  	s0 =	sld [smem:$0x3F91];
	_ =	swait.ge [sflag:s4], $0x0  }
0x19: {  	s7 =	sld [smem:$0x3F92]  }
0x1a: {  	s8 =	sadd.s32 $0xFFFFE003, lr  }
0x1b: {  	s9 =	sadd.s32 $0xFFFFFEF7, lr;
	s5 =	simm.s32 $0xFFFFFFFF;
	p2 =	slt.u32 s8, $0xFFFFF086  }
0x1c: {  	p1 =	slt.u32 s9, $0xF7A;
	s5 =	simm.s32 @!p2 $0x0  }
0x1d: {  	s5 =	simm.s32 @p1 $0x1;
	p0 =	seq.s32 s7, s2  }
0x1e: {  	s7 =	smul.u32 @!p0 $0xF7A, s2;
	p2 =	seq.s32 @!p0 s5, $0x0  }
0x1f: {  	s9 =	smul.u32 $0xF7A, s1;
	s8 =	simm.s32 @!p0 $0x1BF5;
	p2 =	por !p2, p0  }
0x20: {  	[sflag:s8] =	ssyncset.s32 @!p0 $0xFFFFF086;
	s6 =	sadd.s32 @!p0 s3, s7;
	s7 =	simm.s32 @!p0 $0x108  }
0x21: {  	s3 =	sadd.s32 s3, s9;
	s6 =	sadd.s32 @!p0 $0x88, s6;
	s7 =	simm.s32 @p2 $0x1082  }
0x22: {  	[simem:s7], [sflag:s8] =	dma.local @!p0 [hbm:s6], $0xF7A  }
0x23: {  	s9 =	sor.u32 $0xD0000000, s2;
	s6 =	simm.s32 $0x108;
	_ =	swait.ge @!p0 [sflag:s8], $0x0  }
0x24: {  	s3 =	sadd.s32 $0x88, s3;
	s6 =	simm.s32 @!p1 $0x1082;
	[sflag:s4] =	ssyncset.s32 $0xFFFFF086  }
0x25: {  	[simem:s6], [sflag:s4] =	dma.local [hbm:s3], $0xF7A  }
0x26: {  	[smem:$0x3F92] =	sst s1;
	(tag) =	ssettag s2;
	_ =	strace s9  }
0x27: {  	s1 =	sld [smem:$0x3FA2]  }
0x28: {  	s2 =	sld [smem:$0x3FA3]  }
0x29: {  	s4 =	sld [smem:$0x3FA5]  }
0x2a: {  	p0 =	seq.s32 s5, $0x0;
	s5 =	sld [smem:$0x3FA6]  }
0x2b: {  	s6 =	sld [smem:$0x3FA7]  }
0x2c: {  	s7 =	sld [smem:$0x3FA8]  }
0x2d: {  	s3 =	simm.s32 $0x108;
	s8 =	sld [smem:$0x3FA9]  }
0x2e: {  	s3 =	simm.s32 @!p0 $0x1082;
	s9 =	sld [smem:$0x3FAA]  }
0x2f: {  	lr =	sadd.s32 s0, s3;
	s0 =	sld [smem:$0x3FA1]  }
0x30: {  	s3 =	sld [smem:$0x3FA4]  }
0x31: {  	[smem:$0x3FAD] =	sst s10  }
0x32: {  	s10 =	sld [smem:$0x3FAB];
	_ =	sdelay $0x3  }
0x33: {  	p0 =	seq.s32 s10, $0x1;
	s10 =	sld [smem:$0x3FAD];
	_ =	sdelay $0x3  }
0x34: {  	[smem:$0x3FAD] =	sst s10  }
0x35: {  	s10 =	sld [smem:$0x3FAC];
	_ =	sdelay $0x3  }
0x36: {  	p1 =	seq.s32 s10, $0x1;
	s10 =	sld [smem:$0x3FAD];
	_ =	sdelay $0x3  }
0x37: {  	[smem:$0x3FAD] =	sst s10  }
0x38: {  	s10 =	sld [smem:$0x3FAE]  }
0x39: {  	_ = 	snop;
	(pc) =	sbr.ind lr, $3  }
0x3a: {  	_ = 	snop  }
0x3b: {  	_ = 	snop  }
0x3c: {  	p2 =	seq.s32 s10, $0x1;
	s10 =	sld [smem:$0x3FAD]  }
0x3d: {  	_ =	shalt  }
0x3e: {  	_ =	shalt  }
0x3f: {  	_ =	shalt  }
0x40: {  	_ =	shalt  }
0x41: {  	_ =	shalt  }
0x42: {  	_ =	shalt  }
0x43: {  	_ =	shalt  }
0x44: {  	_ =	shalt  }
0x45: {  	_ =	shalt  }
0x46: {  	_ =	shalt  }
0x47: {  	_ =	shalt  }
0x48: {  	_ =	shalt  }
0x49: {  	_ =	shalt  }
0x4a: {  	_ =	shalt  }
0x4b: {  	_ =	shalt  }
0x4c: {  	_ =	shalt  }
0x4d: {  	_ =	shalt  }
0x4e: {  	_ =	shalt  }
0x4f: {  	_ =	shalt  }
0x50: {  	_ =	shalt  }
0x51: {  	_ =	shalt  }
0x52: {  	_ =	shalt  }
0x53: {  	_ =	shalt  }
0x54: {  	_ =	shalt  }
0x55: {  	_ =	shalt  }
0x56: {  	_ =	shalt  }
0x57: {  	_ =	shalt  }
0x58: {  	_ =	shalt  }
0x59: {  	_ =	shalt  }
0x5a: {  	_ =	shalt  }
0x5b: {  	_ =	shalt  }
0x5c: {  	_ =	shalt  }
0x5d: {  	_ =	shalt  }
0x5e: {  	_ =	shalt  }
0x5f: {  	_ =	shalt  }
0x60: {  	_ =	shalt  }
0x61: {  	_ =	shalt  }
0x62: {  	_ =	shalt  }
0x63: {  	_ =	shalt  }
0x64: {  	_ =	shalt  }
0x65: {  	_ =	shalt  }
0x66: {  	_ =	shalt  }
0x67: {  	_ =	shalt  }
0x68: {  	_ =	shalt  }
0x69: {  	_ =	shalt  }
0x6a: {  	_ =	shalt  }
0x6b: {  	_ =	shalt  }
0x6c: {  	_ =	shalt  }
0x6d: {  	_ =	shalt  }
0x6e: {  	_ =	shalt  }
0x6f: {  	_ =	shalt  }
0x70: {  	_ =	shalt  }
0x71: {  	_ =	shalt  }
0x72: {  	_ =	shalt  }
0x73: {  	_ =	shalt  }
0x74: {  	_ =	shalt  }
0x75: {  	_ =	shalt  }
0x76: {  	_ =	shalt  }
0x77: {  	_ =	shalt  }
0x78: {  	_ =	shalt  }
0x79: {  	_ =	shalt  }
0x7a: {  	_ =	shalt  }
0x7b: {  	_ =	shalt  }
0x7c: {  	_ =	shalt  }
0x7d: {  	_ =	shalt  }
0x7e: {  	_ =	shalt  }
0x7f: {  	_ =	shalt  }
0x80: {  	_ =	shalt  }
0x81: {  	_ =	shalt  }
0x82: {  	_ =	shalt  }
0x83: {  	_ =	shalt  }
0x84: {  	_ =	shalt  }
0x85: {  	_ =	shalt  }
0x86: {  	_ =	shalt  }
0x87: {  	_ =	shalt  }
.Lfunc_end0:
.L_simem_size_0:
called_computation.4_lowered:
.L_overlay_start_0:
0x88: {  	s2 =	sld [smem:$0x3FD9]  }
0x89: {  	s3 =	sld [smem:$0x3FFE];
	_ =	sdelay $0x1  }
0x8a: {  	s1 =	srdreg.scid  }
0x8b: {  	s0 =	sand.u32 $0x1, s1  }
0x8c: {  	s16 =	sshll.u32 s0, $0xA;
	s2 =	sadd.s32 s3, s2  }
0x8d: {  	s2 =	sadd.s32 s2, s16  }
0x8e: {  	[smem:$0x3FB9] =	sst s2  }
0x8f: {  	_ = 	snop  }
0x90: {  	(tm) =	ssettm $0x1  }
0x91: {  	s17 =	sld [smem:$0x3FFB];
	_ =	sdelay $0x3  }
0x92: {  	_ =	strace s17  }
0x93: {  	s2 =	sld [smem:$0x3FFC];
	_ =	sdelay $0x3  }
0x94: {  	_ =	strace s2  }
0x95: {  	s2 =	sld [smem:$0x3FFD];
	_ =	sdelay $0x3  }
0x96: {  	_ =	strace s2  }
0x97: {  	_ =	strace $0x8FFFFFFF  }
0x98: {  	s18 =	sld [smem:$0x3FDB];
	_ =	sdelay $0x1  }
0x99: {  	s19 =	simm.s32 $_scs_section_size  }
0x9a: {  	s4 =	simm.s32 $_size__tile_overlayer_lowered;
	s5 =	simm.s32 $_tile_overlayer_lowered  }
0x9b: {  	s22 =	simm.s32 $0x1BFF;
	s21 =	sshll.u32 s5, $0x1;
	s2 =	sadd.s32 s19, s18  }
0x9c: {  	s6 =	simm.s32 $0x0;
	s20 =	sshll.u32 s4, $0x1;
	s4 =	sadd.s32 s21, s2  }
0x9d: {  	[timem:s6], [sflag:s22] =	dma.local [hbm:s4], s20  }
0x9e: {  	_ =	swait.ge [sflag:s22], s20  }
0x9f: {  	s3 =	ssub.s32 $0x0, s20;
	[sflag:s22] =	ssyncset.done $0x0  }
0xa0: {  	[sflag:s22] =	ssyncadd.s32 s3;
	_ =	sdelay $0x1  }
0xa1: {  	s23 =	simm.s32 $0x1B8B  }
0xa2: {  	_ =	swait.ge [sflag:s23], $0x1  }
0xa3: {  	[sflag:s23] =	ssyncset.done $0x0  }
0xa4: {  	s25 =	simm.s32 $0x1B8E;
	s24 =	sld [smem:$0x3FFE];
	[sflag:s23] =	ssyncadd.s32 $0xFFFFFFFF  }
0xa5: {  	s26 =	simm.s32 $execute0_lowered;
	[smem:$0x3FD2] =	sst s25  }
0xa6: {  	s4 =	sshll.u32 s26, $0x1;
	_ =	strace $0x80000052;
	[dreg:$0x1] =	wrdreg $0xFFFFFFFF  }
0xa7: {  	s28 =	simm.s32 $_size_execute0_lowered;
	s2 =	sadd.s32 s2, s4;
	[dreg:$0x0] =	wrdreg $0x0  }
0xa8: {  	s4 =	sshll.u32 s28, $0x1;
	[dreg:$0x2] =	wrdreg s2  }
0xa9: {  	[dreg:$0x3] =	wrdreg s4  }
0xaa: {  	[dreg:$0x4] =	wrdreg $0xC0  }
0xab: {  	_ =	task [dreg:s6], $0x5FFFF  }
0xac: {  	[dreg:$0x1] =	wrdreg $0xFFFFFFFF  }
0xad: {  	[dreg:$0x0] =	wrdreg $0x60  }
0xae: {  	[dreg:$0x2] =	wrdreg s24  }
0xaf: {  	[dreg:$0x3] =	wrdreg $0x90000  }
0xb0: {  	[dreg:$0x4] =	wrdreg $0x9  }
0xb1: {  	_ =	task.clear_ibuf [dreg:s6], $0x5FFFF;
	_ =	strace $0x90000052  }
0xb2: {  	s29 =	simm.s32 $0x9;
	_ =	strace $0x80000054  }
0xb3: {  	_ =	swait.ge [sflag:s29], $0x1  }
0xb4: {  	[sflag:s29] =	ssyncadd.s32 $0xFFFFFFFF  }
0xb5: {  	_ =	strace $0x90000054  }
0xb6: {  	_ =	sfence  }
0xb7: {  	s30 =	sld [smem:$0x0];
	_ =	sdelay $0x2  }
0xb8: {  	s31 =	sshll.u32 s1, $0xD;
	s1 =	sshrl.u32 s1, $0x2  }
0xb9: {  	s3 =	sand.u32 $0x4000, s31;
	s1 =	sadd.s32 s1, s30  }
0xba: {  	s0 =	sor.u32 s3, s0;
	s1 =	sshll.u32 s1, $0x11  }
0xbb: {  	s0 =	sor.u32 s1, s0  }
0xbc: {  	s0 =	sadd.s32 $0x8F2B, s0  }
0xbd: {  	[sflag:s0] =	ssyncadd.remote.s32 $0x1  }
0xbe: {  	_ =	sfence.sel $0xFFFF  }
0xbf: {  	[dreg:$0x0] =	wrdreg $0xFFFFFFFF;
	(pc) =	sbr.abs _section_cstart, $3  }
0xc0: {  	[dreg:$0x1] =	wrdreg $0xFFFFFFFF  }
0xc1: {  	_ =	task.clear_ibuf [dreg:s6], $0x2FFFF;
	_ =	strace $0x9FFFFFFF  }
0xc2: {  	(tm) =	ssettm $0x7FFFFFFF  }
0xc3: {  	_ =	shalt  }
tec
execute0_lowered:
.L_overlay_start_1:
0x0: {  	(tag) =	ssettag $0x1  }
0x1: {  	s9 =	rddreg [dreg:$0x0]  }
0x2: {  	s2 =	rddreg [dreg:$0x1];
	s1 =	stileid.u32  }
0x3: {  	s0 =	rddreg [dreg:$0x2];
	s3 =	simm.s32 $0x0;
	s5 =	srdreg.scid  }
0x4: {  	s15 =	simm.s32 $0x80;
	s16 =	simm.s32 $0x5000;
	s4 =	smul.u32 $0x500, s1  }
0x5: {  	s17 =	simm.s32 $0x1;
	[smem:$0x7FF] =	sst s3;
	s18 =	smul.u32 $0x2780, s1  }
0x6: {  	s11 =	sand.u32 $0x1, s5;
	s5 =	sadd.s32 $0xA9A00, s9;
	s10 =	smul.u32 $0x4F000, s1  }
0x7: {  	s19 =	sadd.s32 $0x1E3000, s9;
	s31 =	sshll.u32 s1, $0x6;
	_ =	strace $0x80000053  }
0x8: {  	s6 =	ssub.s32 $0x2, s11;
	p0 =	sne.s32 s11, $0x0;
	s11 =	simm.s32 $0x2  }
0x9: {  	s7 =	sadd.s32 s4, s9;
	s4 =	sadd.s32 $0xD600, s9;
	s8 =	sshrl.u32 s6, $0x1  }
.Ltmp0:
0xa: {  	s12 =	sadd.s32 s18, s9;
	s10 =	sshrl.u32 s10, $0x2;
	(pc) =	sbr.rel .LBB2_1-.Ltmp0, $4  }
0xb: {  	s18 =	sadd.s32 s18, s19;
	s19 =	simm.s32 $0x0;
	s13 =	ssub.s32 s6, s8  }
0xc: {  	s6 =	sadd.s32 $0x3600, s7;
	s7 =	sadd.s32 $0x8600, s7;
	s8 =	sadd.s32 $0x145E00, s12  }
0xd: {  	s14 =	sadd.s32 s10, s2;
	s9 =	sadd.s32 $0x1BB800, s12;
	s12 =	simm.s32 $0x2800  }
0xe: {  	s10 =	smax.u32 s13, $0x1;
	s13 =	sor.u32 $0x1C02, s31;
	s14 =	sshrl.u32 s14, $0x3  }
.LBB2_7:
0xf: {  	s20 =	sshra.s32 s20, $0x2;
	[sflag:s11] =	ssyncadd.s32 $0xFFFFC000  }
0x10: {  	[tilespmem:s16], [sflag:$0x1] =	stream.indirect.gather [hbm4b:s5+s15], $0x80, s20, s15, $0xb8;
	[tilespmem:$0x1CC00] =	vst v63  }
0x11: {  	_ =	swait.ge [sflag:s17], $0x4000  }
0x12: {  	[sflag:s17] =	ssyncset.done $0x0  }
0x13: {  	s20 =	sadd.s32 $0x2800, s20;
	[sflag:s17] =	ssyncadd.s32 $0xFFFFC000  }
0x14: {  	[spmem:s2] =	stream.indirect.scatter.add.f32 [tilespmem:s16], [sflag:$0x2], $0x80, s20, s15, $0xb8;
	[tilespmem:$0x1CC00] =	vst v63  }
0x15: {  	_ =	swait.ge [sflag:s11], $0x4000  }
0x16: {  	[sflag:s11] =	ssyncset.done $0x0  }
0x17: {  	[sflag:s11] =	ssyncadd.s32 $0xFFFFC000  }
0x18: {  	s20 =	smov.u32 s18;
	[bflag:$0x0] =	sbarrier.arrive $0xFFFF  }
.LBB2_8:
0x19: {  	s19 =	sadd.s32 $0x1, s19  }
0x1a: {  	p1 =	sne.s32 s19, s10  }
.Ltmp1:
0x1b: {  	_ = 	snop;
	(pc) =	sbr.rel @!p1 .LBB2_9-.Ltmp1, $4  }
0x1c: {  	[hbm:s20], [sflag:s13] =	dma.local [spmem:s14], $0x2780  }
0x1d: {  	_ =	swait.ge [sflag:s11], $0x2780  }
0x1e: {  	[sflag:s11] =	ssyncset.done $0x0  }
0x1f: {  	[sflag:s11] =	ssyncadd.s32 $0xFFFFD880  }
.LBB2_1:
0x20: {  	[tilespmem:s3], [sflag:$0x2] =	stream.linear.gather [hbm4b:s6+s3], $0x2780, $0x38;
	[tilespmem:$0x1CC00] =	vst v63  }
0x21: {  	_ =	swait.ge [sflag:s11], $0x2780  }
0x22: {  	[sflag:s11] =	ssyncset.done $0x0  }
0x23: {  	[sflag:s11] =	ssyncadd.s32 $0xFFFFD880  }
0x24: {  	[tilespmem:s12], [sflag:$0x2] =	stream.linear.gather [hbm4b:s7+s3], $0x2780, $0x38;
	[tilespmem:$0x1CC00] =	vst v63  }
0x25: {  	_ =	swait.ge [sflag:s11], $0x2780  }
0x26: {  	[sflag:s11] =	ssyncset.done $0x0  }
0x27: {  	[sflag:s11] =	ssyncadd.s32 $0xFFFFD880  }
0x28: {  	[spmem:s14], [sflag:s13] =	dma.local [hbm:s8], $0x2780  }
.Ltmp2:
0x29: {  	_ =	swait.ge [sflag:s11], $0x2780;
	(pc) =	sbr.rel @p0 .LBB2_5-.Ltmp2, $4  }
0x2a: {  	[sflag:s11] =	ssyncset.done $0x0  }
0x2b: {  	[sflag:s11] =	ssyncadd.s32 $0xFFFFD880  }
0x2c: {  	[bflag:$0x0] =	sbarrier.arrive $0xFFFF  }
0x2d: {  	s20 =	simm.s32 $0x0  }
0x2e: {  	[tilespmem:s16], [sflag:$0x1] =	stream.indirect.gather [hbm4b:s4+s15], $0x80, s20, s15, $0xb8;
	[tilespmem:$0x1CC00] =	vst v63  }
0x2f: {  	_ =	swait.ge [sflag:s17], $0x4000  }
0x30: {  	[sflag:s17] =	ssyncset.done $0x0  }
0x31: {  	s31 =	simm.s32 $0x2800;
	[sflag:s17] =	ssyncadd.s32 $0xFFFFC000  }
0x32: {  	[spmem:s2] =	stream.indirect.scatter.add.f32 [tilespmem:s16], [sflag:$0x2], $0x80, s31, s15, $0xb8;
	[tilespmem:$0x1CC00] =	vst v63  }
0x33: {  	_ =	swait.ge [sflag:s11], $0x4000  }
0x34: {  	s20 =	simm.s32 $0x200;
	s21 =	simm.s32 $0x400;
	[sflag:s11] =	ssyncset.done $0x0  }
.LBB2_3:
0x35: {  	s22 =	sshra.s32 s20, $0x2  }
0x36: {  	[sflag:s11] =	ssyncadd.s32 $0xFFFFC000;
	s20 =	smov.u32 s21;
	s23 =	sadd.s32 $0x200, s21  }
0x37: {  	[tilespmem:s16], [sflag:$0x1] =	stream.indirect.gather [hbm4b:s4+s15], $0x80, s22, s15, $0xb8;
	[tilespmem:$0x1CC00] =	vst v63  }
0x38: {  	p1 =	sne.s32 s21, $0x9C00;
	_ =	swait.ge [sflag:s17], $0x4000  }
.Ltmp3:
0x39: {  	[sflag:s17] =	ssyncset.done $0x0;
	(pc) =	sbr.rel @p1 .LBB2_3-.Ltmp3, $4  }
0x3a: {  	s21 =	sadd.s32 $0x2800, s22;
	[sflag:s17] =	ssyncadd.s32 $0xFFFFC000  }
0x3b: {  	[spmem:s2] =	stream.indirect.scatter.add.f32 [tilespmem:s16], [sflag:$0x2], $0x80, s21, s15, $0xb8;
	[tilespmem:$0x1CC00] =	vst v63  }
0x3c: {  	_ =	swait.ge [sflag:s11], $0x4000  }
0x3d: {  	s21 =	smov.u32 s23;
	[sflag:s11] =	ssyncset.done $0x0  }
0x3e: {  	s20 =	sshra.s32 s20, $0x2;
	[sflag:s11] =	ssyncadd.s32 $0xFFFFC000  }
0x3f: {  	[tilespmem:s16], [sflag:$0x1] =	stream.indirect.gather [hbm4b:s4+s15], $0x80, s20, s15, $0xb8;
	[tilespmem:$0x1CC00] =	vst v63  }
0x40: {  	_ =	swait.ge [sflag:s17], $0x4000  }
0x41: {  	[sflag:s17] =	ssyncset.done $0x0  }
0x42: {  	s20 =	sadd.s32 $0x2800, s20;
	[sflag:s17] =	ssyncadd.s32 $0xFFFFC000  }
0x43: {  	[spmem:s2] =	stream.indirect.scatter.add.f32 [tilespmem:s16], [sflag:$0x2], $0x80, s20, s15, $0xb8;
	[tilespmem:$0x1CC00] =	vst v63  }
.Ltmp4:
0x44: {  	_ =	swait.ge [sflag:s11], $0x4000;
	(pc) =	sbr.rel .LBB2_8-.Ltmp4, $4  }
0x45: {  	[sflag:s11] =	ssyncset.done $0x0  }
0x46: {  	[sflag:s11] =	ssyncadd.s32 $0xFFFFC000  }
0x47: {  	[bflag:$0x0] =	sbarrier.arrive $0xFFFF  }
0x48: {  	s20 =	smov.u32 s9  }
.LBB2_5:
0x49: {  	[tilespmem:s16], [sflag:$0x1] =	stream.indirect.gather [hbm4b:s5+s15], $0x80, s20, s15, $0xb8;
	[tilespmem:$0x1CC00] =	vst v63  }
0x4a: {  	_ =	swait.ge [sflag:s17], $0x4000  }
0x4b: {  	[sflag:s17] =	ssyncset.done $0x0  }
0x4c: {  	s31 =	simm.s32 $0x2800;
	[sflag:s17] =	ssyncadd.s32 $0xFFFFC000  }
0x4d: {  	[spmem:s2] =	stream.indirect.scatter.add.f32 [tilespmem:s16], [sflag:$0x2], $0x80, s31, s15, $0xb8;
	[tilespmem:$0x1CC00] =	vst v63  }
0x4e: {  	_ =	swait.ge [sflag:s11], $0x4000  }
0x4f: {  	s20 =	simm.s32 $0x200;
	s21 =	simm.s32 $0x400;
	[sflag:s11] =	ssyncset.done $0x0  }
.LBB2_6:
0x50: {  	s22 =	sshra.s32 s20, $0x2  }
0x51: {  	[sflag:s11] =	ssyncadd.s32 $0xFFFFC000;
	s20 =	smov.u32 s21;
	s23 =	sadd.s32 $0x200, s21  }
0x52: {  	[tilespmem:s16], [sflag:$0x1] =	stream.indirect.gather [hbm4b:s5+s15], $0x80, s22, s15, $0xb8;
	[tilespmem:$0x1CC00] =	vst v63  }
0x53: {  	p1 =	sne.s32 s21, $0x9C00;
	_ =	swait.ge [sflag:s17], $0x4000  }
.Ltmp5:
0x54: {  	[sflag:s17] =	ssyncset.done $0x0;
	(pc) =	sbr.rel @p1 .LBB2_6-.Ltmp5, $4  }
0x55: {  	s21 =	sadd.s32 $0x2800, s22;
	[sflag:s17] =	ssyncadd.s32 $0xFFFFC000  }
0x56: {  	[spmem:s2] =	stream.indirect.scatter.add.f32 [tilespmem:s16], [sflag:$0x2], $0x80, s21, s15, $0xb8;
	[tilespmem:$0x1CC00] =	vst v63  }
0x57: {  	_ =	swait.ge [sflag:s11], $0x4000  }
0x58: {  	s21 =	smov.u32 s23;
	[sflag:s11] =	ssyncset.done $0x0  }
.Ltmp6:
0x59: {  	_ = 	snop;
	(pc) =	sbr.rel .LBB2_7-.Ltmp6, $1  }
0x5a: {  	_ =	sdelay $0x3  }
.LBB2_9:
0x5b: {  	_ =	sfence.sel $0x180000  }
0x5c: {  	[bflag:$0x0] =	sbarrier.arrive $0xFFFF  }
0x5d: {  	p0 =	sne.s32 s1, $0x0;
	_ =	strace $0x90000053  }
0x5e: {  	s0 =	sadd.s32 @!p0 $0x100000, s0;
	[bflag:$0x2] =	sbarrier.arrive $0xFFFF  }
0x5f: {  	[sflag:s0] =	ssyncadd.tile.s32 @!p0 $0x1;
	_ =	shalt  }
.Lfunc_end2:
_tile_overlayer_lowered:
.L_overlay_start_2:
0x60: {  	(tag) =	ssettag $0x2  }
0x61: {  	s0 =	rddreg [dreg:$0x0];
	s2 =	stileid.u32  }
0x62: {  	s1 =	rddreg [dreg:$0x1];
	p0 =	sne.s32 s2, $0x0  }
0x63: {  	s3 =	rddreg [dreg:$0x2];
	[bflag:$0x3] =	sbarrier.arrive $0xFFFF;
	s2 =	simm.s32 @!p0 $0x1C02  }
0x64: {  	[timem:s3], [sflag:s2] =	dma.local @!p0 [hbm:s0], s1  }
0x65: {  	s0 =	simm.s32 @!p0 $0x2  }
0x66: {  	_ =	swait.ge @!p0 [sflag:s0], s1  }
0x67: {  	s1 =	ssub.s32 @!p0 $0x0, s1;
	[sflag:s0] =	ssyncset.done @!p0 $0x0  }
0x68: {  	[sflag:s0] =	ssyncadd.s32 @!p0 s1  }
0x69: {  	[bflag:$0x3] =	sbarrier.arrive $0xFFFF  }
0x6a: {  	_ =	shalt  }

// kernel: kernel.31.cloned.1.call-start
scs
__scs_entry_jumppad:
0x0: {  	(pc) =	sbr.rel $0x88, $3  }
0x1: {  	(tag) =	ssettag $0x0;
	lr =	simm.s32 $0x1  }
0x2: {  	[smem:$0x3F92] =	sst lr;
	_ =	strace $0xD0000000  }
0x3: {  	_ = 	snop  }
0x4: {  	_ = 	snop  }
0x5: {  	_ = 	snop  }
0x6: {  	_ = 	snop  }
0x7: {  	_ = 	snop  }
__scs_overlays_trampoline_lowered:
0x8: {  	[smem:$0x3FA1] =	sst s0  }
0x9: {  	[smem:$0x3FA2] =	sst s1  }
0xa: {  	[smem:$0x3FA3] =	sst s2  }
0xb: {  	[smem:$0x3FA4] =	sst s3  }
0xc: {  	[smem:$0x3FA5] =	sst s4  }
0xd: {  	[smem:$0x3FA6] =	sst s5  }
0xe: {  	[smem:$0x3FA7] =	sst s6  }
0xf: {  	[smem:$0x3FA8] =	sst s7  }
0x10: {  	[smem:$0x3FA9] =	sst s8  }
0x11: {  	[smem:$0x3FAA] =	sst s9;
	s0 =	simm.s32 @!p0 $0x0  }
0x12: {  	s1 =	sld [smem:$0x3F90];
	s0 =	simm.s32 @p0 $0x1  }
0x13: {  	[smem:$0x3FAB] =	sst s0;
	s0 =	simm.s32 @!p1 $0x0  }
0x14: {  	s2 =	sld [smem:$0x3F8F];
	s0 =	simm.s32 @p1 $0x1  }
0x15: {  	[smem:$0x3FAC] =	sst s0;
	s0 =	simm.s32 @!p2 $0x0  }
0x16: {  	s3 =	sld [smem:$0x3FDB];
	s0 =	simm.s32 @p2 $0x1  }
0x17: {  	s4 =	simm.s32 $0x1BF5;
	[smem:$0x3FAE] =	sst s0  }
0x18: {  	s0 =	sld [smem:$0x3F91];
	_ =	swait.ge [sflag:s4], $0x0  }
0x19: {  	s7 =	sld [smem:$0x3F92]  }
0x1a: {  	s8 =	sadd.s32 $0xFFFFE003, lr  }
0x1b: {  	s9 =	sadd.s32 $0xFFFFFEF7, lr;
	s5 =	simm.s32 $0xFFFFFFFF;
	p2 =	slt.u32 s8, $0xFFFFF086  }
0x1c: {  	p1 =	slt.u32 s9, $0xF7A;
	s5 =	simm.s32 @!p2 $0x0  }
0x1d: {  	s5 =	simm.s32 @p1 $0x1;
	p0 =	seq.s32 s7, s2  }
0x1e: {  	s7 =	smul.u32 @!p0 $0xF7A, s2;
	p2 =	seq.s32 @!p0 s5, $0x0  }
0x1f: {  	s9 =	smul.u32 $0xF7A, s1;
	s8 =	simm.s32 @!p0 $0x1BF5;
	p2 =	por !p2, p0  }
0x20: {  	[sflag:s8] =	ssyncset.s32 @!p0 $0xFFFFF086;
	s6 =	sadd.s32 @!p0 s3, s7;
	s7 =	simm.s32 @!p0 $0x108  }
0x21: {  	s3 =	sadd.s32 s3, s9;
	s6 =	sadd.s32 @!p0 $0x88, s6;
	s7 =	simm.s32 @p2 $0x1082  }
0x22: {  	[simem:s7], [sflag:s8] =	dma.local @!p0 [hbm:s6], $0xF7A  }
0x23: {  	s9 =	sor.u32 $0xD0000000, s2;
	s6 =	simm.s32 $0x108;
	_ =	swait.ge @!p0 [sflag:s8], $0x0  }
0x24: {  	s3 =	sadd.s32 $0x88, s3;
	s6 =	simm.s32 @!p1 $0x1082;
	[sflag:s4] =	ssyncset.s32 $0xFFFFF086  }
0x25: {  	[simem:s6], [sflag:s4] =	dma.local [hbm:s3], $0xF7A  }
0x26: {  	[smem:$0x3F92] =	sst s1;
	(tag) =	ssettag s2;
	_ =	strace s9  }
0x27: {  	s1 =	sld [smem:$0x3FA2]  }
0x28: {  	s2 =	sld [smem:$0x3FA3]  }
0x29: {  	s4 =	sld [smem:$0x3FA5]  }
0x2a: {  	p0 =	seq.s32 s5, $0x0;
	s5 =	sld [smem:$0x3FA6]  }
0x2b: {  	s6 =	sld [smem:$0x3FA7]  }
0x2c: {  	s7 =	sld [smem:$0x3FA8]  }
0x2d: {  	s3 =	simm.s32 $0x108;
	s8 =	sld [smem:$0x3FA9]  }
0x2e: {  	s3 =	simm.s32 @!p0 $0x1082;
	s9 =	sld [smem:$0x3FAA]  }
0x2f: {  	lr =	sadd.s32 s0, s3;
	s0 =	sld [smem:$0x3FA1]  }
0x30: {  	s3 =	sld [smem:$0x3FA4]  }
0x31: {  	[smem:$0x3FAD] =	sst s10  }
0x32: {  	s10 =	sld [smem:$0x3FAB];
	_ =	sdelay $0x3  }
0x33: {  	p0 =	seq.s32 s10, $0x1;
	s10 =	sld [smem:$0x3FAD];
	_ =	sdelay $0x3  }
0x34: {  	[smem:$0x3FAD] =	sst s10  }
0x35: {  	s10 =	sld [smem:$0x3FAC];
	_ =	sdelay $0x3  }
0x36: {  	p1 =	seq.s32 s10, $0x1;
	s10 =	sld [smem:$0x3FAD];
	_ =	sdelay $0x3  }
0x37: {  	[smem:$0x3FAD] =	sst s10  }
0x38: {  	s10 =	sld [smem:$0x3FAE]  }
0x39: {  	_ = 	snop;
	(pc) =	sbr.ind lr, $3  }
0x3a: {  	_ = 	snop  }
0x3b: {  	_ = 	snop  }
0x3c: {  	p2 =	seq.s32 s10, $0x1;
	s10 =	sld [smem:$0x3FAD]  }
0x3d: {  	_ =	shalt  }
0x3e: {  	_ =	shalt  }
0x3f: {  	_ =	shalt  }
0x40: {  	_ =	shalt  }
0x41: {  	_ =	shalt  }
0x42: {  	_ =	shalt  }
0x43: {  	_ =	shalt  }
0x44: {  	_ =	shalt  }
0x45: {  	_ =	shalt  }
0x46: {  	_ =	shalt  }
0x47: {  	_ =	shalt  }
0x48: {  	_ =	shalt  }
0x49: {  	_ =	shalt  }
0x4a: {  	_ =	shalt  }
0x4b: {  	_ =	shalt  }
0x4c: {  	_ =	shalt  }
0x4d: {  	_ =	shalt  }
0x4e: {  	_ =	shalt  }
0x4f: {  	_ =	shalt  }
0x50: {  	_ =	shalt  }
0x51: {  	_ =	shalt  }
0x52: {  	_ =	shalt  }
0x53: {  	_ =	shalt  }
0x54: {  	_ =	shalt  }
0x55: {  	_ =	shalt  }
0x56: {  	_ =	shalt  }
0x57: {  	_ =	shalt  }
0x58: {  	_ =	shalt  }
0x59: {  	_ =	shalt  }
0x5a: {  	_ =	shalt  }
0x5b: {  	_ =	shalt  }
0x5c: {  	_ =	shalt  }
0x5d: {  	_ =	shalt  }
0x5e: {  	_ =	shalt  }
0x5f: {  	_ =	shalt  }
0x60: {  	_ =	shalt  }
0x61: {  	_ =	shalt  }
0x62: {  	_ =	shalt  }
0x63: {  	_ =	shalt  }
0x64: {  	_ =	shalt  }
0x65: {  	_ =	shalt  }
0x66: {  	_ =	shalt  }
0x67: {  	_ =	shalt  }
0x68: {  	_ =	shalt  }
0x69: {  	_ =	shalt  }
0x6a: {  	_ =	shalt  }
0x6b: {  	_ =	shalt  }
0x6c: {  	_ =	shalt  }
0x6d: {  	_ =	shalt  }
0x6e: {  	_ =	shalt  }
0x6f: {  	_ =	shalt  }
0x70: {  	_ =	shalt  }
0x71: {  	_ =	shalt  }
0x72: {  	_ =	shalt  }
0x73: {  	_ =	shalt  }
0x74: {  	_ =	shalt  }
0x75: {  	_ =	shalt  }
0x76: {  	_ =	shalt  }
0x77: {  	_ =	shalt  }
0x78: {  	_ =	shalt  }
0x79: {  	_ =	shalt  }
0x7a: {  	_ =	shalt  }
0x7b: {  	_ =	shalt  }
0x7c: {  	_ =	shalt  }
0x7d: {  	_ =	shalt  }
0x7e: {  	_ =	shalt  }
0x7f: {  	_ =	shalt  }
0x80: {  	_ =	shalt  }
0x81: {  	_ =	shalt  }
0x82: {  	_ =	shalt  }
0x83: {  	_ =	shalt  }
0x84: {  	_ =	shalt  }
0x85: {  	_ =	shalt  }
0x86: {  	_ =	shalt  }
0x87: {  	_ =	shalt  }
.Lfunc_end0:
.L_simem_size_0:
called_computation.5_lowered:
.L_overlay_start_0:
0x88: {  	s2 =	sld [smem:$0x3FD9]  }
0x89: {  	s3 =	sld [smem:$0x3FFE];
	_ =	sdelay $0x1  }
0x8a: {  	s1 =	srdreg.scid  }
0x8b: {  	s0 =	sand.u32 $0x1, s1  }
0x8c: {  	s16 =	sshll.u32 s0, $0xA;
	s2 =	sadd.s32 s3, s2  }
0x8d: {  	s2 =	sadd.s32 s2, s16  }
0x8e: {  	[smem:$0x3FB9] =	sst s2  }
0x8f: {  	_ = 	snop  }
0x90: {  	(tm) =	ssettm $0x1  }
0x91: {  	s17 =	sld [smem:$0x3FFB];
	_ =	sdelay $0x3  }
0x92: {  	_ =	strace s17  }
0x93: {  	s2 =	sld [smem:$0x3FFC];
	_ =	sdelay $0x3  }
0x94: {  	_ =	strace s2  }
0x95: {  	s2 =	sld [smem:$0x3FFD];
	_ =	sdelay $0x3  }
0x96: {  	_ =	strace s2  }
0x97: {  	_ =	strace $0x8FFFFFFF  }
0x98: {  	s18 =	sld [smem:$0x3FDB];
	_ =	sdelay $0x1  }
0x99: {  	s19 =	simm.s32 $_scs_section_size  }
0x9a: {  	s4 =	simm.s32 $_size__tile_overlayer_lowered;
	s5 =	simm.s32 $_tile_overlayer_lowered  }
0x9b: {  	s22 =	simm.s32 $0x1BFF;
	s21 =	sshll.u32 s5, $0x1;
	s2 =	sadd.s32 s19, s18  }
0x9c: {  	s6 =	simm.s32 $0x0;
	s20 =	sshll.u32 s4, $0x1;
	s4 =	sadd.s32 s21, s2  }
0x9d: {  	[timem:s6], [sflag:s22] =	dma.local [hbm:s4], s20  }
0x9e: {  	_ =	swait.ge [sflag:s22], s20  }
0x9f: {  	s3 =	ssub.s32 $0x0, s20;
	[sflag:s22] =	ssyncset.done $0x0  }
0xa0: {  	[sflag:s22] =	ssyncadd.s32 s3;
	_ =	sdelay $0x1  }
0xa1: {  	s23 =	simm.s32 $0x1B8B  }
0xa2: {  	_ =	swait.ge [sflag:s23], $0x1  }
0xa3: {  	[sflag:s23] =	ssyncset.done $0x0  }
0xa4: {  	s25 =	simm.s32 $0x1B8E;
	s24 =	sld [smem:$0x3FFE];
	[sflag:s23] =	ssyncadd.s32 $0xFFFFFFFF  }
0xa5: {  	s26 =	simm.s32 $execute0_lowered;
	[smem:$0x3FD2] =	sst s25  }
0xa6: {  	s4 =	sshll.u32 s26, $0x1;
	_ =	strace $0x80000055;
	[dreg:$0x1] =	wrdreg $0xFFFFFFFF  }
0xa7: {  	s28 =	simm.s32 $_size_execute0_lowered;
	s2 =	sadd.s32 s2, s4;
	[dreg:$0x0] =	wrdreg $0x0  }
0xa8: {  	s4 =	sshll.u32 s28, $0x1;
	[dreg:$0x2] =	wrdreg s2  }
0xa9: {  	[dreg:$0x3] =	wrdreg s4  }
0xaa: {  	[dreg:$0x4] =	wrdreg $0xC0  }
0xab: {  	_ =	task [dreg:s6], $0x5FFFF  }
0xac: {  	[dreg:$0x1] =	wrdreg $0xFFFFFFFF  }
0xad: {  	[dreg:$0x0] =	wrdreg $0x60  }
0xae: {  	[dreg:$0x2] =	wrdreg s24  }
0xaf: {  	[dreg:$0x3] =	wrdreg $0x90000  }
0xb0: {  	[dreg:$0x4] =	wrdreg $0x9  }
0xb1: {  	_ =	task.clear_ibuf [dreg:s6], $0x5FFFF;
	_ =	strace $0x90000055  }
0xb2: {  	s29 =	simm.s32 $0x9;
	_ =	strace $0x80000057  }
0xb3: {  	_ =	swait.ge [sflag:s29], $0x1  }
0xb4: {  	[sflag:s29] =	ssyncadd.s32 $0xFFFFFFFF  }
0xb5: {  	_ =	strace $0x90000057  }
0xb6: {  	_ =	sfence  }
0xb7: {  	s30 =	sld [smem:$0x0];
	_ =	sdelay $0x2  }
0xb8: {  	s31 =	sshll.u32 s1, $0xD;
	s1 =	sshrl.u32 s1, $0x2  }
0xb9: {  	s3 =	sand.u32 $0x4000, s31;
	s1 =	sadd.s32 s1, s30  }
0xba: {  	s0 =	sor.u32 s3, s0;
	s1 =	sshll.u32 s1, $0x11  }
0xbb: {  	s0 =	sor.u32 s1, s0  }
0xbc: {  	s0 =	sadd.s32 $0x8F2B, s0  }
0xbd: {  	[sflag:s0] =	ssyncadd.remote.s32 $0x1  }
0xbe: {  	_ =	sfence.sel $0xFFFF  }
0xbf: {  	[dreg:$0x0] =	wrdreg $0xFFFFFFFF;
	(pc) =	sbr.abs _section_cstart, $3  }
0xc0: {  	[dreg:$0x1] =	wrdreg $0xFFFFFFFF  }
0xc1: {  	_ =	task.clear_ibuf [dreg:s6], $0x2FFFF;
	_ =	strace $0x9FFFFFFF  }
0xc2: {  	(tm) =	ssettm $0x7FFFFFFF  }
0xc3: {  	_ =	shalt  }
tec
execute0_lowered:
.L_overlay_start_1:
0x0: {  	(tag) =	ssettag $0x1  }
0x1: {  	s9 =	rddreg [dreg:$0x0]  }
0x2: {  	s2 =	rddreg [dreg:$0x1];
	s1 =	stileid.u32  }
0x3: {  	s0 =	rddreg [dreg:$0x2];
	s3 =	simm.s32 $0x0;
	s5 =	srdreg.scid  }
0x4: {  	s15 =	simm.s32 $0x80;
	s16 =	simm.s32 $0x5000;
	s4 =	smul.u32 $0x500, s1  }
0x5: {  	s17 =	simm.s32 $0x1;
	[smem:$0x7FF] =	sst s3;
	s18 =	smul.u32 $0x2780, s1  }
0x6: {  	s11 =	sand.u32 $0x1, s5;
	s5 =	sadd.s32 $0xA9A00, s9;
	s10 =	smul.u32 $0x4F000, s1  }
0x7: {  	s19 =	sadd.s32 $0x194E00, s9;
	s31 =	sshll.u32 s1, $0x6;
	_ =	strace $0x80000056  }
0x8: {  	s6 =	ssub.s32 $0x2, s11;
	p0 =	sne.s32 s11, $0x0;
	s11 =	simm.s32 $0x2  }
0x9: {  	s7 =	sadd.s32 s4, s9;
	s4 =	sadd.s32 $0xD600, s9;
	s8 =	sshrl.u32 s6, $0x1  }
.Ltmp0:
0xa: {  	s12 =	sadd.s32 s18, s9;
	s10 =	sshrl.u32 s10, $0x2;
	(pc) =	sbr.rel .LBB2_1-.Ltmp0, $4  }
0xb: {  	s18 =	sadd.s32 s18, s19;
	s19 =	simm.s32 $0x0;
	s13 =	ssub.s32 s6, s8  }
0xc: {  	s6 =	sadd.s32 $0x3600, s7;
	s7 =	sadd.s32 $0x8600, s7;
	s8 =	sadd.s32 $0x145E00, s12  }
0xd: {  	s14 =	sadd.s32 s10, s2;
	s9 =	sadd.s32 $0x16D600, s12;
	s12 =	simm.s32 $0x2800  }
0xe: {  	s10 =	smax.u32 s13, $0x1;
	s13 =	sor.u32 $0x1C02, s31;
	s14 =	sshrl.u32 s14, $0x3  }
.LBB2_7:
0xf: {  	s20 =	sshra.s32 s20, $0x2;
	[sflag:s11] =	ssyncadd.s32 $0xFFFFC000  }
0x10: {  	[tilespmem:s16], [sflag:$0x1] =	stream.indirect.gather [hbm4b:s5+s15], $0x80, s20, s15, $0xb8;
	[tilespmem:$0x1CC00] =	vst v63  }
0x11: {  	_ =	swait.ge [sflag:s17], $0x4000  }
0x12: {  	[sflag:s17] =	ssyncset.done $0x0  }
0x13: {  	s20 =	sadd.s32 $0x2800, s20;
	[sflag:s17] =	ssyncadd.s32 $0xFFFFC000  }
0x14: {  	[spmem:s2] =	stream.indirect.scatter.add.f32 [tilespmem:s16], [sflag:$0x2], $0x80, s20, s15, $0xb8;
	[tilespmem:$0x1CC00] =	vst v63  }
0x15: {  	_ =	swait.ge [sflag:s11], $0x4000  }
0x16: {  	[sflag:s11] =	ssyncset.done $0x0  }
0x17: {  	[sflag:s11] =	ssyncadd.s32 $0xFFFFC000  }
0x18: {  	s20 =	smov.u32 s18;
	[bflag:$0x0] =	sbarrier.arrive $0xFFFF  }
.LBB2_8:
0x19: {  	s19 =	sadd.s32 $0x1, s19  }
0x1a: {  	p1 =	sne.s32 s19, s10  }
.Ltmp1:
0x1b: {  	_ = 	snop;
	(pc) =	sbr.rel @!p1 .LBB2_9-.Ltmp1, $4  }
0x1c: {  	[hbm:s20], [sflag:s13] =	dma.local [spmem:s14], $0x2780  }
0x1d: {  	_ =	swait.ge [sflag:s11], $0x2780  }
0x1e: {  	[sflag:s11] =	ssyncset.done $0x0  }
0x1f: {  	[sflag:s11] =	ssyncadd.s32 $0xFFFFD880  }
.LBB2_1:
0x20: {  	[tilespmem:s3], [sflag:$0x2] =	stream.linear.gather [hbm4b:s6+s3], $0x2780, $0x38;
	[tilespmem:$0x1CC00] =	vst v63  }
0x21: {  	_ =	swait.ge [sflag:s11], $0x2780  }
0x22: {  	[sflag:s11] =	ssyncset.done $0x0  }
0x23: {  	[sflag:s11] =	ssyncadd.s32 $0xFFFFD880  }
0x24: {  	[tilespmem:s12], [sflag:$0x2] =	stream.linear.gather [hbm4b:s7+s3], $0x2780, $0x38;
	[tilespmem:$0x1CC00] =	vst v63  }
0x25: {  	_ =	swait.ge [sflag:s11], $0x2780  }
0x26: {  	[sflag:s11] =	ssyncset.done $0x0  }
0x27: {  	[sflag:s11] =	ssyncadd.s32 $0xFFFFD880  }
0x28: {  	[spmem:s14], [sflag:s13] =	dma.local [hbm:s8], $0x2780  }
.Ltmp2:
0x29: {  	_ =	swait.ge [sflag:s11], $0x2780;
	(pc) =	sbr.rel @p0 .LBB2_5-.Ltmp2, $4  }
0x2a: {  	[sflag:s11] =	ssyncset.done $0x0  }
0x2b: {  	[sflag:s11] =	ssyncadd.s32 $0xFFFFD880  }
0x2c: {  	[bflag:$0x0] =	sbarrier.arrive $0xFFFF  }
0x2d: {  	s20 =	simm.s32 $0x0  }
0x2e: {  	[tilespmem:s16], [sflag:$0x1] =	stream.indirect.gather [hbm4b:s4+s15], $0x80, s20, s15, $0xb8;
	[tilespmem:$0x1CC00] =	vst v63  }
0x2f: {  	_ =	swait.ge [sflag:s17], $0x4000  }
0x30: {  	[sflag:s17] =	ssyncset.done $0x0  }
0x31: {  	s31 =	simm.s32 $0x2800;
	[sflag:s17] =	ssyncadd.s32 $0xFFFFC000  }
0x32: {  	[spmem:s2] =	stream.indirect.scatter.add.f32 [tilespmem:s16], [sflag:$0x2], $0x80, s31, s15, $0xb8;
	[tilespmem:$0x1CC00] =	vst v63  }
0x33: {  	_ =	swait.ge [sflag:s11], $0x4000  }
0x34: {  	s20 =	simm.s32 $0x200;
	s21 =	simm.s32 $0x400;
	[sflag:s11] =	ssyncset.done $0x0  }
.LBB2_3:
0x35: {  	s22 =	sshra.s32 s20, $0x2  }
0x36: {  	[sflag:s11] =	ssyncadd.s32 $0xFFFFC000;
	s20 =	smov.u32 s21;
	s23 =	sadd.s32 $0x200, s21  }
0x37: {  	[tilespmem:s16], [sflag:$0x1] =	stream.indirect.gather [hbm4b:s4+s15], $0x80, s22, s15, $0xb8;
	[tilespmem:$0x1CC00] =	vst v63  }
0x38: {  	p1 =	sne.s32 s21, $0x9C00;
	_ =	swait.ge [sflag:s17], $0x4000  }
.Ltmp3:
0x39: {  	[sflag:s17] =	ssyncset.done $0x0;
	(pc) =	sbr.rel @p1 .LBB2_3-.Ltmp3, $4  }
0x3a: {  	s21 =	sadd.s32 $0x2800, s22;
	[sflag:s17] =	ssyncadd.s32 $0xFFFFC000  }
0x3b: {  	[spmem:s2] =	stream.indirect.scatter.add.f32 [tilespmem:s16], [sflag:$0x2], $0x80, s21, s15, $0xb8;
	[tilespmem:$0x1CC00] =	vst v63  }
0x3c: {  	_ =	swait.ge [sflag:s11], $0x4000  }
0x3d: {  	s21 =	smov.u32 s23;
	[sflag:s11] =	ssyncset.done $0x0  }
0x3e: {  	s20 =	sshra.s32 s20, $0x2;
	[sflag:s11] =	ssyncadd.s32 $0xFFFFC000  }
0x3f: {  	[tilespmem:s16], [sflag:$0x1] =	stream.indirect.gather [hbm4b:s4+s15], $0x80, s20, s15, $0xb8;
	[tilespmem:$0x1CC00] =	vst v63  }
0x40: {  	_ =	swait.ge [sflag:s17], $0x4000  }
0x41: {  	[sflag:s17] =	ssyncset.done $0x0  }
0x42: {  	s20 =	sadd.s32 $0x2800, s20;
	[sflag:s17] =	ssyncadd.s32 $0xFFFFC000  }
0x43: {  	[spmem:s2] =	stream.indirect.scatter.add.f32 [tilespmem:s16], [sflag:$0x2], $0x80, s20, s15, $0xb8;
	[tilespmem:$0x1CC00] =	vst v63  }
.Ltmp4:
0x44: {  	_ =	swait.ge [sflag:s11], $0x4000;
	(pc) =	sbr.rel .LBB2_8-.Ltmp4, $4  }
0x45: {  	[sflag:s11] =	ssyncset.done $0x0  }
0x46: {  	[sflag:s11] =	ssyncadd.s32 $0xFFFFC000  }
0x47: {  	[bflag:$0x0] =	sbarrier.arrive $0xFFFF  }
0x48: {  	s20 =	smov.u32 s9  }
.LBB2_5:
0x49: {  	[tilespmem:s16], [sflag:$0x1] =	stream.indirect.gather [hbm4b:s5+s15], $0x80, s20, s15, $0xb8;
	[tilespmem:$0x1CC00] =	vst v63  }
0x4a: {  	_ =	swait.ge [sflag:s17], $0x4000  }
0x4b: {  	[sflag:s17] =	ssyncset.done $0x0  }
0x4c: {  	s31 =	simm.s32 $0x2800;
	[sflag:s17] =	ssyncadd.s32 $0xFFFFC000  }
0x4d: {  	[spmem:s2] =	stream.indirect.scatter.add.f32 [tilespmem:s16], [sflag:$0x2], $0x80, s31, s15, $0xb8;
	[tilespmem:$0x1CC00] =	vst v63  }
0x4e: {  	_ =	swait.ge [sflag:s11], $0x4000  }
0x4f: {  	s20 =	simm.s32 $0x200;
	s21 =	simm.s32 $0x400;
	[sflag:s11] =	ssyncset.done $0x0  }
.LBB2_6:
0x50: {  	s22 =	sshra.s32 s20, $0x2  }
0x51: {  	[sflag:s11] =	ssyncadd.s32 $0xFFFFC000;
	s20 =	smov.u32 s21;
	s23 =	sadd.s32 $0x200, s21  }
0x52: {  	[tilespmem:s16], [sflag:$0x1] =	stream.indirect.gather [hbm4b:s5+s15], $0x80, s22, s15, $0xb8;
	[tilespmem:$0x1CC00] =	vst v63  }
0x53: {  	p1 =	sne.s32 s21, $0x9C00;
	_ =	swait.ge [sflag:s17], $0x4000  }
.Ltmp5:
0x54: {  	[sflag:s17] =	ssyncset.done $0x0;
	(pc) =	sbr.rel @p1 .LBB2_6-.Ltmp5, $4  }
0x55: {  	s21 =	sadd.s32 $0x2800, s22;
	[sflag:s17] =	ssyncadd.s32 $0xFFFFC000  }
0x56: {  	[spmem:s2] =	stream.indirect.scatter.add.f32 [tilespmem:s16], [sflag:$0x2], $0x80, s21, s15, $0xb8;
	[tilespmem:$0x1CC00] =	vst v63  }
0x57: {  	_ =	swait.ge [sflag:s11], $0x4000  }
0x58: {  	s21 =	smov.u32 s23;
	[sflag:s11] =	ssyncset.done $0x0  }
.Ltmp6:
0x59: {  	_ = 	snop;
	(pc) =	sbr.rel .LBB2_7-.Ltmp6, $1  }
0x5a: {  	_ =	sdelay $0x3  }
.LBB2_9:
0x5b: {  	_ =	sfence.sel $0x180000  }
0x5c: {  	[bflag:$0x0] =	sbarrier.arrive $0xFFFF  }
0x5d: {  	p0 =	sne.s32 s1, $0x0;
	_ =	strace $0x90000056  }
0x5e: {  	s0 =	sadd.s32 @!p0 $0x100000, s0;
	[bflag:$0x2] =	sbarrier.arrive $0xFFFF  }
0x5f: {  	[sflag:s0] =	ssyncadd.tile.s32 @!p0 $0x1;
	_ =	shalt  }
.Lfunc_end2:
_tile_overlayer_lowered:
.L_overlay_start_2:
0x60: {  	(tag) =	ssettag $0x2  }
0x61: {  	s0 =	rddreg [dreg:$0x0];
	s2 =	stileid.u32  }
0x62: {  	s1 =	rddreg [dreg:$0x1];
	p0 =	sne.s32 s2, $0x0  }
0x63: {  	s3 =	rddreg [dreg:$0x2];
	[bflag:$0x3] =	sbarrier.arrive $0xFFFF;
	s2 =	simm.s32 @!p0 $0x1C02  }
0x64: {  	[timem:s3], [sflag:s2] =	dma.local @!p0 [hbm:s0], s1  }
0x65: {  	s0 =	simm.s32 @!p0 $0x2  }
0x66: {  	_ =	swait.ge @!p0 [sflag:s0], s1  }
0x67: {  	s1 =	ssub.s32 @!p0 $0x0, s1;
	[sflag:s0] =	ssyncset.done @!p0 $0x0  }
0x68: {  	[sflag:s0] =	ssyncadd.s32 @!p0 s1  }
0x69: {  	[bflag:$0x3] =	sbarrier.arrive $0xFFFF  }
0x6a: {  	_ =	shalt  }

</sc_bundles>
